<compile_context>
chip_gen: v7x
topology: tpu7x:2x2x1
jax: 0.10.2.dev20260603
libtpu: 0.0.44.dev20260713+nightly
codegen_flags: <defaults>
</compile_context>

<pallas_src>
import functools

import jax
import jax.numpy as jnp
from jax import lax
from jax.experimental import pallas as pl
from jax.experimental.pallas import tpu as pltpu
from jax.experimental.pallas import tpu_sc as plsc

B = 1024
N = 100000
K = 32
D = 128
ROWS_PER_BLOCK = 8
BIGI = 1 << 30


NEG_INF = float("-inf")


def _make_topk():
    info = plsc.get_sparse_core_info()
    nc, ns = info.num_cores, info.num_subcores
    nw = nc * ns
    rows_per_w = B // nw
    half = N // 2
    npairs = half // 32
    tail_off = npairs * 32
    nv = half // 16
    ngroups = nv // 16
    ntailv = nv - ngroups * 16
    ccap = 2048
    hcap = 512
    mesh = plsc.VectorSubcoreMesh(core_axis_name="c", subcore_axis_name="s")

    @functools.partial(
        pl.kernel,
        mesh=mesh,
        compiler_params=pltpu.CompilerParams(needs_layout_passes=False),
        out_type=jax.ShapeDtypeStruct((B * K,), jnp.int32),
        scratch_types=[
            pltpu.VMEM((half,), jnp.float32),
            pltpu.VMEM((half,), jnp.float32),
            pltpu.VMEM((ccap + 16,), jnp.int32),
            pltpu.VMEM((ccap + 16,), jnp.float32),
            pltpu.VMEM((hcap + 48,), jnp.int32),
            pltpu.VMEM((K,), jnp.int32),
            pltpu.SemaphoreType.DMA,
            pltpu.SemaphoreType.DMA,
        ],
    )
    def topk(z_hbm, out_hbm, buf_a, buf_b, cidx, cval, hitbuf, res,
             sem_a, sem_b):
        wid = lax.axis_index("s") * nc + lax.axis_index("c")
        row0 = wid * rows_per_w
        lanes = lax.iota(jnp.int32, 16)

        pltpu.async_copy(z_hbm.at[pl.ds(row0 * N, half)], buf_a, sem_a)

        def lane_max(buf, carry):
            def body(i, c):
                ma, mb = c
                v = buf[pl.ds(i * 32, 16)]
                w = buf[pl.ds(i * 32 + 16, 16)]
                return jnp.maximum(ma, v), jnp.maximum(mb, w)

            ma, mb = lax.fori_loop(0, npairs, body, carry, unroll=8)
            return jnp.maximum(ma, buf[pl.ds(tail_off, 16)]), mb

        def detect(buf, t):
            zero16 = jnp.zeros((16,), jnp.int32)

            def group_tail(g, cur, njs):
                hb = zero16
                for j in range(njs):
                    v = buf[pl.ds((g * 16 + j) * 16, 16)]
                    cnt = plsc.all_reduce_population_count(v >= t)
                    hb = jnp.where(lanes == j, cnt, hb)
                m = hb > 0
                curc = jnp.minimum(cur, hcap)
                plsc.store_compressed(hitbuf.at[pl.ds(curc, 16)],
                                      g * 16 + lanes, mask=m)
                return cur + plsc.all_reduce_population_count(m)[0]

            def group(g, cur):
                return group_tail(g, cur, 16)

            cur = lax.fori_loop(0, ngroups, group, jnp.int32(0))
            if ntailv:
                cur = group_tail(jnp.int32(ngroups), cur, ntailv)
            return cur

        def sweep(buf, t, base, nhits, cur0):
            def body(h, cur):
                jv = hitbuf[pl.ds(h, 16)][0]
                v = buf[pl.ds(jv * 16, 16)]
                m = v >= t
                curc = jnp.minimum(cur, ccap)
                plsc.store_compressed(cidx.at[pl.ds(curc, 16)],
                                      jv * 16 + base + lanes, mask=m)
                return cur + plsc.all_reduce_population_count(m)[0]

            return lax.fori_loop(0, nhits, body, cur0)

        def collect(buf, t, base, cur0):
            return sweep(buf, t, base, detect(buf, t), cur0)

        def gather_half(buf, base, lo, hi):
            def body(j, _):
                off = lo + j * 16
                iv = cidx[pl.ds(off, 16)]
                in_rng = (off + lanes) < hi
                ivc = jnp.clip(iv - base, 0, half - 1)
                vals = plsc.load_gather(buf, [ivc], mask=in_rng)
                cval[pl.ds(off, 16)] = jnp.where(in_rng, vals, NEG_INF)
                return 0

            nj = (hi - lo + 15) // 16
            lax.fori_loop(0, nj, body, 0)

        def extract(c16, row):
            nj = c16 // 16

            def step(k, carry):
                r0, r1, mprev, jprev = carry

                def maxmask(j, vm):
                    off = j * 16
                    v = cval[pl.ds(off, 16)]
                    iv = cidx[pl.ds(off, 16)]
                    v = jnp.where((v == mprev) & (iv == jprev), NEG_INF, v)
                    cval[pl.ds(off, 16)] = v
                    return jnp.maximum(vm, v)

                vm = lax.fori_loop(0, nj, maxmask,
                                   jnp.full((16,), NEG_INF, jnp.float32))
                m = jnp.max(vm)

                def sel(j, im):
                    off = j * 16
                    v = cval[pl.ds(off, 16)]
                    iv = cidx[pl.ds(off, 16)]
                    return jnp.minimum(im, jnp.where(v == m, iv, BIGI))

                im = lax.fori_loop(0, nj, sel,
                                   jnp.full((16,), BIGI, jnp.int32))
                jm = jnp.min(im)
                r0 = jnp.where(lanes == k, jm, r0)
                r1 = jnp.where(lanes == (k - 16), jm, r1)
                return r0, r1, m, jm

            z16 = jnp.zeros((16,), jnp.int32)
            r0, r1, _, _ = lax.fori_loop(
                0, K, step,
                (z16, z16, jnp.float32(NEG_INF), jnp.int32(-1)))
            res[pl.ds(0, 16)] = r0
            res[pl.ds(16, 16)] = r1
            pltpu.sync_copy(res, out_hbm.at[pl.ds(row * K, K)])

        def row_body(r, _):
            row = row0 + r
            pltpu.async_copy(z_hbm.at[pl.ds(row * N + half, half)], buf_b,
                             sem_b)
            pltpu.make_async_copy(z_hbm.at[pl.ds(row * N, half)], buf_a,
                                  sem_a).wait()
            ninf = jnp.full((16,), NEG_INF, jnp.float32)
            ma, mb = lane_max(buf_a, (ninf, ninf))
            pltpu.make_async_copy(z_hbm.at[pl.ds(row * N + half, half)],
                                  buf_b, sem_b).wait()
            ma, mb = lane_max(buf_b, (ma, mb))
            t = jnp.minimum(jnp.min(ma), jnp.min(mb))
            ca = collect(buf_a, t, 0, jnp.int32(0))
            gather_half(buf_a, 0, jnp.int32(0), ca)
            ca16 = ((ca + 15) // 16) * 16

            @pl.when(r + 1 < rows_per_w)
            def _():
                pltpu.async_copy(z_hbm.at[pl.ds((row + 1) * N, half)],
                                 buf_a, sem_a)

            cb = collect(buf_b, t, half, ca16)
            gather_half(buf_b, half, ca16, cb)
            c16 = ((cb + 15) // 16) * 16
            extract(c16, row)
            return 0

        lax.fori_loop(0, rows_per_w, row_body, 0)

    return topk


def _topk_indices(sp_z):
    return _make_topk()(sp_z.reshape(-1)).reshape(B, K)


def _make_gather():
    info = plsc.get_sparse_core_info()
    nc, ns = info.num_cores, info.num_subcores
    nw = nc * ns
    total = B * K
    b_per_w = total // nw
    chunk = 128
    nchunks = b_per_w // chunk
    mesh = plsc.VectorSubcoreMesh(core_axis_name="c", subcore_axis_name="s")

    @functools.partial(
        pl.kernel,
        mesh=mesh,
        compiler_params=pltpu.CompilerParams(needs_layout_passes=False),
        out_type=jax.ShapeDtypeStruct((total, D), jnp.float32),
        scratch_types=[
            pltpu.VMEM((chunk,), jnp.int32),
            pltpu.VMEM((chunk, D), jnp.float32),
            pltpu.SemaphoreType.DMA,
        ],
    )
    def gather(table_hbm, idx_hbm, out_hbm, idx_v, rows_v, sem):
        wid = lax.axis_index("s") * nc + lax.axis_index("c")
        base = wid * b_per_w
        for c in range(nchunks):
            off = base + c * chunk
            pltpu.sync_copy(idx_hbm.at[pl.ds(off, chunk)], idx_v)
            pltpu.async_copy(table_hbm.at[idx_v], rows_v, sem).wait()
            pltpu.sync_copy(rows_v, out_hbm.at[pl.ds(off, chunk)])

    return gather


def _dense_body(ctx_ref, wmap_ref, topw_ref, aligned_ref, out_ref, attn_ref,
                amax_ref):
    ctx = ctx_ref[...]
    wmap = wmap_ref[...]
    aligned = lax.dot_general(ctx, wmap, (((1,), (1,)), ((), ())),
                              preferred_element_type=jnp.float32)
    aligned_ref[...] = aligned
    topw = topw_ref[...]
    r = topw.shape[0]
    sall = lax.dot_general(topw.reshape(r * K, D).astype(jnp.bfloat16),
                           aligned.astype(jnp.bfloat16),
                           (((1,), (1,)), ((), ())),
                           preferred_element_type=jnp.float32)
    rows = lax.broadcasted_iota(jnp.int32, (r * K, r), 0) // K
    colj = lax.broadcasted_iota(jnp.int32, (r * K, r), 1)
    scores = jnp.sum(jnp.where(rows == colj, sall, 0.0), axis=1).reshape(r, K)
    m = jnp.max(scores, axis=1, keepdims=True)
    e = jnp.exp(scores - m)
    attn = e / jnp.sum(e, axis=1, keepdims=True)
    attn_ref[...] = attn
    out_ref[...] = jnp.sum(topw * attn[:, :, None], axis=1)
    ks = lax.broadcasted_iota(jnp.int32, scores.shape, 1)
    amax_ref[...] = jnp.min(jnp.where(scores == m, ks, BIGI), axis=1,
                            keepdims=True)


def _dense(ctx_emb, W_map, topw):
    grid = (B // ROWS_PER_BLOCK,)
    r = ROWS_PER_BLOCK
    return pl.pallas_call(
        _dense_body,
        grid=grid,
        in_specs=[
            pl.BlockSpec((r, D), lambda i: (i, 0)),
            pl.BlockSpec((D, D), lambda i: (0, 0)),
            pl.BlockSpec((r, K, D), lambda i: (i, 0, 0)),
        ],
        out_specs=[
            pl.BlockSpec((r, D), lambda i: (i, 0)),
            pl.BlockSpec((r, D), lambda i: (i, 0)),
            pl.BlockSpec((r, K), lambda i: (i, 0)),
            pl.BlockSpec((r, 1), lambda i: (i, 0)),
        ],
        out_shape=[
            jax.ShapeDtypeStruct((B, D), jnp.float32),
            jax.ShapeDtypeStruct((B, D), jnp.float32),
            jax.ShapeDtypeStruct((B, K), jnp.float32),
            jax.ShapeDtypeStruct((B, 1), jnp.int32),
        ],
    )(ctx_emb, W_map, topw)


def kernel(sp_z, sp_w, ctx_emb, W_map):
    idx = _topk_indices(sp_z)
    topw_flat = _make_gather()(sp_w, idx.reshape(-1))
    topw = topw_flat.reshape(B, K, D)
    aligned, out, attn, amax = _dense(ctx_emb, W_map, topw)
    return (aligned, out, attn[:, :, None], amax[:, 0])

# --- scband reference (transcript-rebuilt; emitter-appended) ---
"""Pipeline reference for scband-mask-generator-69252052680743 (READ-ONLY COPY).

The authoritative reference and input builder live on the scoring server;
editing this copy changes nothing except your own understanding.
"""

import jax, jax.numpy as jnp
import numpy as np

K = 32

def setup_inputs(seed: int = 0) -> dict:
    key = jax.random.key(seed)
    k1, k2, k3 = jax.random.split(key, 3)
    sp_z = jax.random.normal(k1, (1024, 100000), dtype=jnp.float32)
    sp_w = jax.random.normal(k2, (100000, 128), dtype=jnp.float32)
    ctx_emb = jax.random.normal(k3, (1024, 128), dtype=jnp.float32)
    # mapping Linear(enc_dim, enc_dim, bias=False), weight initialized to identity
    W_map = jnp.eye(128, dtype=jnp.float32)
    return {"sp_z": sp_z, "sp_w": sp_w, "ctx_emb": ctx_emb, "W_map": W_map}

def reference(sp_z, sp_w, ctx_emb, W_map):
    # aligned_ctx = self.mapping(ctx_emb)
    aligned_ctx = ctx_emb @ W_map.T
    # topk, indices = torch.topk(sp_z, K, dim=1)
    topk_vals, indices = jax.lax.top_k(sp_z, K)
    # topW = sp_w[indices] -> [B, K, enc_dim]
    topW = jnp.take(sp_w, indices, axis=0)
    # attn = softmax(matmul(topW, aligned_ctx.unsqueeze(2)), dim=1) -> [B, K, 1]
    scores = jnp.matmul(topW, aligned_ctx[:, :, None])
    attn = jax.nn.softmax(scores, axis=1)
    # mode == 'soft': out = sum(topW * attn, dim=1)
    out = jnp.sum(topW * attn, axis=1)
    amax = jnp.argmax(attn, axis=1).squeeze()
    return (aligned_ctx, out, attn, amax)

if __name__ == "__main__":
    import jax
    _d = setup_inputs()
    print(jax.jit(kernel)(*tuple(_d.values())))

</pallas_src>

<mosaic_0001>
#map = affine_map<(d0, d1) -> (0)>
module attributes {stable_mosaic.version = 14 : i64} {
  func.func @topk(%arg0: i32, %arg1: i32, %arg2: memref<102400000xf32, #tpu.memory_space<hbm>>, %arg3: memref<32768xi32, #tpu.memory_space<hbm>>, %arg4: memref<50000xf32, #tpu.memory_space<vmem>>, %arg5: memref<50000xf32, #tpu.memory_space<vmem>>, %arg6: memref<2064xi32, #tpu.memory_space<vmem>>, %arg7: memref<2064xf32, #tpu.memory_space<vmem>>, %arg8: memref<560xi32, #tpu.memory_space<vmem>>, %arg9: memref<32xi32, #tpu.memory_space<vmem>>, %arg10: memref<!tpu.dma_semaphore, #tpu.memory_space<semaphore_mem>>, %arg11: memref<!tpu.dma_semaphore, #tpu.memory_space<semaphore_mem>>) attributes {dimension_semantics = [#tpu.dimension_semantics<core_parallel>, #tpu.dimension_semantics<subcore_parallel>], iteration_bounds = array<i64: 2, 16>, scalar_prefetch = 0 : i64, scratch_operands = 8 : i64, tpu.core_type = #tpu.core_type<sc_vector_subcore>, window_params = [{transform_indices = #map}, {transform_indices = #map}]} {
    %mul3A = arith.constant 2 : i32
    %mul3A_0 = arith.muli %arg1, %mul3A : i32
    %add3A = arith.addi %mul3A_0, %arg0 : i32
    %mul3A_1 = arith.constant 32 : i32
    %mul3A_2 = arith.muli %add3A, %mul3A_1 : i32
    %iota3A = tpu.iota {dimensions = array<i32: 0>} : vector<16xi32>
    %mul3A_3 = arith.constant 100000 : i32
    %mul3A_4 = arith.muli %mul3A_2, %mul3A_3 : i32
    %dma_start3A = tpu.memref_slice %arg2[%mul3A_4] : memref<102400000xf32, #tpu.memory_space<hbm>> -> memref<50000xf32, #tpu.memory_space<hbm>>
    %dma_start3A_5 = tpu.memref_slice %arg2[%mul3A_4] : memref<102400000xf32, #tpu.memory_space<hbm>> -> memref<50000xf32, #tpu.memory_space<hbm>>
    tpu.enqueue_dma source(%dma_start3A_5 : memref<50000xf32, #tpu.memory_space<hbm>>) target(%arg4 : memref<50000xf32, #tpu.memory_space<vmem>>) target_semaphore(%arg10 : memref<!tpu.dma_semaphore, #tpu.memory_space<semaphore_mem>>)
    %scan3A = arith.constant 0 : i32
    %scan3A_6 = arith.constant 0 : i32
    %scan3A_7 = arith.constant 32 : i32
    %scan3A_8 = arith.addi %scan3A_6, %scan3A_7 : i32
    %scan3A_9 = arith.constant 1 : i32
    %scan3A_10 = scf.for %scan3A_12 = %scan3A_6 to %scan3A_8 step %scan3A_9 iter_args(%scan3A_13 = %scan3A) -> (i32)  : i32 {
      %add3A_14 = arith.addi %mul3A_2, %scan3A_12 : i32
      %mul3A_15 = arith.constant 100000 : i32
      %mul3A_16 = arith.muli %add3A_14, %mul3A_15 : i32
      %add3A_17 = arith.constant 50000 : i32
      %add3A_18 = arith.addi %mul3A_16, %add3A_17 : i32
      %dma_start3A_19 = tpu.memref_slice %arg2[%add3A_18] : memref<102400000xf32, #tpu.memory_space<hbm>> -> memref<50000xf32, #tpu.memory_space<hbm>>
      %dma_start3A_20 = tpu.memref_slice %arg2[%add3A_18] : memref<102400000xf32, #tpu.memory_space<hbm>> -> memref<50000xf32, #tpu.memory_space<hbm>>
      tpu.enqueue_dma source(%dma_start3A_20 : memref<50000xf32, #tpu.memory_space<hbm>>) target(%arg5 : memref<50000xf32, #tpu.memory_space<vmem>>) target_semaphore(%arg11 : memref<!tpu.dma_semaphore, #tpu.memory_space<semaphore_mem>>)
      %mul3A_21 = arith.constant 100000 : i32
      %mul3A_22 = arith.muli %add3A_14, %mul3A_21 : i32
      %dma_wait3A = tpu.memref_slice %arg2[%mul3A_22] : memref<102400000xf32, #tpu.memory_space<hbm>> -> memref<50000xf32, #tpu.memory_space<hbm>>
      %dma_wait3A_23 = tpu.memref_slice %arg2[%mul3A_22] : memref<102400000xf32, #tpu.memory_space<hbm>> -> memref<50000xf32, #tpu.memory_space<hbm>>
      tpu.wait_dma2 semaphore(%arg10 : memref<!tpu.dma_semaphore, #tpu.memory_space<semaphore_mem>>) src(%dma_wait3A_23 : memref<50000xf32, #tpu.memory_space<hbm>>) dst(%arg4 : memref<50000xf32, #tpu.memory_space<vmem>>)
      %broadcast_in_dim3A = arith.constant 0xFF800000 : f32
      %broadcast_in_dim3A_24 = vector.broadcast %broadcast_in_dim3A : f32 to vector<16xf32>
      %scan3A_25 = arith.constant 0 : i32
      %scan3A_26 = arith.constant 1560 : i32
      %scan3A_27 = arith.addi %scan3A_25, %scan3A_26 : i32
      %scan3A_28 = arith.constant 8 : i32
      %scan3A_29:2 = scf.for %scan3A_508 = %scan3A_25 to %scan3A_27 step %scan3A_28 iter_args(%scan3A_509 = %broadcast_in_dim3A_24, %scan3A_510 = %broadcast_in_dim3A_24) -> (vector<16xf32>, vector<16xf32>)  : i32 {
        %mul3A_511 = arith.constant 32 : i32
        %mul3A_512 = arith.muli %scan3A_508, %mul3A_511 : i32
        %get3A_513 = arith.index_cast %mul3A_512 : i32 to index
        %get3A_514 = tpu.vector_load %arg4[%get3A_513] {strides = array<i32>} : memref<50000xf32, #tpu.memory_space<vmem>>, vector<16xf32>,
        %mul3A_515 = arith.constant 32 : i32
        %mul3A_516 = arith.muli %scan3A_508, %mul3A_515 : i32
        %add3A_517 = arith.constant 16 : i32
        %add3A_518 = arith.addi %mul3A_516, %add3A_517 : i32
        %get3A_519 = arith.index_cast %add3A_518 : i32 to index
        %get3A_520 = tpu.vector_load %arg4[%get3A_519] {strides = array<i32>} : memref<50000xf32, #tpu.memory_space<vmem>>, vector<16xf32>,
        %max3A_521 = arith.maximumf %scan3A_509, %get3A_514 : vector<16xf32>
        %max3A_522 = arith.maximumf %scan3A_510, %get3A_520 : vector<16xf32>
        %scan3A_523 = arith.constant 1 : i32
        %scan3A_524 = arith.addi %scan3A_508, %scan3A_523 : i32
        %mul3A_525 = arith.constant 32 : i32
        %mul3A_526 = arith.muli %scan3A_524, %mul3A_525 : i32
        %get3A_527 = arith.index_cast %mul3A_526 : i32 to index
        %get3A_528 = tpu.vector_load %arg4[%get3A_527] {strides = array<i32>} : memref<50000xf32, #tpu.memory_space<vmem>>, vector<16xf32>,
        %mul3A_529 = arith.constant 32 : i32
        %mul3A_530 = arith.muli %scan3A_524, %mul3A_529 : i32
        %add3A_531 = arith.constant 16 : i32
        %add3A_532 = arith.addi %mul3A_530, %add3A_531 : i32
        %get3A_533 = arith.index_cast %add3A_532 : i32 to index
        %get3A_534 = tpu.vector_load %arg4[%get3A_533] {strides = array<i32>} : memref<50000xf32, #tpu.memory_space<vmem>>, vector<16xf32>,
        %max3A_535 = arith.maximumf %max3A_521, %get3A_528 : vector<16xf32>
        %max3A_536 = arith.maximumf %max3A_522, %get3A_534 : vector<16xf32>
        %scan3A_537 = arith.constant 2 : i32
        %scan3A_538 = arith.addi %scan3A_508, %scan3A_537 : i32
        %mul3A_539 = arith.constant 32 : i32
        %mul3A_540 = arith.muli %scan3A_538, %mul3A_539 : i32
        %get3A_541 = arith.index_cast %mul3A_540 : i32 to index
        %get3A_542 = tpu.vector_load %arg4[%get3A_541] {strides = array<i32>} : memref<50000xf32, #tpu.memory_space<vmem>>, vector<16xf32>,
        %mul3A_543 = arith.constant 32 : i32
        %mul3A_544 = arith.muli %scan3A_538, %mul3A_543 : i32
        %add3A_545 = arith.constant 16 : i32
        %add3A_546 = arith.addi %mul3A_544, %add3A_545 : i32
        %get3A_547 = arith.index_cast %add3A_546 : i32 to index
        %get3A_548 = tpu.vector_load %arg4[%get3A_547] {strides = array<i32>} : memref<50000xf32, #tpu.memory_space<vmem>>, vector<16xf32>,
        %max3A_549 = arith.maximumf %max3A_535, %get3A_542 : vector<16xf32>
        %max3A_550 = arith.maximumf %max3A_536, %get3A_548 : vector<16xf32>
        %scan3A_551 = arith.constant 3 : i32
        %scan3A_552 = arith.addi %scan3A_508, %scan3A_551 : i32
        %mul3A_553 = arith.constant 32 : i32
        %mul3A_554 = arith.muli %scan3A_552, %mul3A_553 : i32
        %get3A_555 = arith.index_cast %mul3A_554 : i32 to index
        %get3A_556 = tpu.vector_load %arg4[%get3A_555] {strides = array<i32>} : memref<50000xf32, #tpu.memory_space<vmem>>, vector<16xf32>,
        %mul3A_557 = arith.constant 32 : i32
        %mul3A_558 = arith.muli %scan3A_552, %mul3A_557 : i32
        %add3A_559 = arith.constant 16 : i32
        %add3A_560 = arith.addi %mul3A_558, %add3A_559 : i32
        %get3A_561 = arith.index_cast %add3A_560 : i32 to index
        %get3A_562 = tpu.vector_load %arg4[%get3A_561] {strides = array<i32>} : memref<50000xf32, #tpu.memory_space<vmem>>, vector<16xf32>,
        %max3A_563 = arith.maximumf %max3A_549, %get3A_556 : vector<16xf32>
        %max3A_564 = arith.maximumf %max3A_550, %get3A_562 : vector<16xf32>
        %scan3A_565 = arith.constant 4 : i32
        %scan3A_566 = arith.addi %scan3A_508, %scan3A_565 : i32
        %mul3A_567 = arith.constant 32 : i32
        %mul3A_568 = arith.muli %scan3A_566, %mul3A_567 : i32
        %get3A_569 = arith.index_cast %mul3A_568 : i32 to index
        %get3A_570 = tpu.vector_load %arg4[%get3A_569] {strides = array<i32>} : memref<50000xf32, #tpu.memory_space<vmem>>, vector<16xf32>,
        %mul3A_571 = arith.constant 32 : i32
        %mul3A_572 = arith.muli %scan3A_566, %mul3A_571 : i32
        %add3A_573 = arith.constant 16 : i32
        %add3A_574 = arith.addi %mul3A_572, %add3A_573 : i32
        %get3A_575 = arith.index_cast %add3A_574 : i32 to index
        %get3A_576 = tpu.vector_load %arg4[%get3A_575] {strides = array<i32>} : memref<50000xf32, #tpu.memory_space<vmem>>, vector<16xf32>,
        %max3A_577 = arith.maximumf %max3A_563, %get3A_570 : vector<16xf32>
        %max3A_578 = arith.maximumf %max3A_564, %get3A_576 : vector<16xf32>
        %scan3A_579 = arith.constant 5 : i32
        %scan3A_580 = arith.addi %scan3A_508, %scan3A_579 : i32
        %mul3A_581 = arith.constant 32 : i32
        %mul3A_582 = arith.muli %scan3A_580, %mul3A_581 : i32
        %get3A_583 = arith.index_cast %mul3A_582 : i32 to index
        %get3A_584 = tpu.vector_load %arg4[%get3A_583] {strides = array<i32>} : memref<50000xf32, #tpu.memory_space<vmem>>, vector<16xf32>,
        %mul3A_585 = arith.constant 32 : i32
        %mul3A_586 = arith.muli %scan3A_580, %mul3A_585 : i32
        %add3A_587 = arith.constant 16 : i32
        %add3A_588 = arith.addi %mul3A_586, %add3A_587 : i32
        %get3A_589 = arith.index_cast %add3A_588 : i32 to index
        %get3A_590 = tpu.vector_load %arg4[%get3A_589] {strides = array<i32>} : memref<50000xf32, #tpu.memory_space<vmem>>, vector<16xf32>,
        %max3A_591 = arith.maximumf %max3A_577, %get3A_584 : vector<16xf32>
        %max3A_592 = arith.maximumf %max3A_578, %get3A_590 : vector<16xf32>
        %scan3A_593 = arith.constant 6 : i32
        %scan3A_594 = arith.addi %scan3A_508, %scan3A_593 : i32
        %mul3A_595 = arith.constant 32 : i32
        %mul3A_596 = arith.muli %scan3A_594, %mul3A_595 : i32
        %get3A_597 = arith.index_cast %mul3A_596 : i32 to index
        %get3A_598 = tpu.vector_load %arg4[%get3A_597] {strides = array<i32>} : memref<50000xf32, #tpu.memory_space<vmem>>, vector<16xf32>,
        %mul3A_599 = arith.constant 32 : i32
        %mul3A_600 = arith.muli %scan3A_594, %mul3A_599 : i32
        %add3A_601 = arith.constant 16 : i32
        %add3A_602 = arith.addi %mul3A_600, %add3A_601 : i32
        %get3A_603 = arith.index_cast %add3A_602 : i32 to index
        %get3A_604 = tpu.vector_load %arg4[%get3A_603] {strides = array<i32>} : memref<50000xf32, #tpu.memory_space<vmem>>, vector<16xf32>,
        %max3A_605 = arith.maximumf %max3A_591, %get3A_598 : vector<16xf32>
        %max3A_606 = arith.maximumf %max3A_592, %get3A_604 : vector<16xf32>
        %scan3A_607 = arith.constant 7 : i32
        %scan3A_608 = arith.addi %scan3A_508, %scan3A_607 : i32
        %mul3A_609 = arith.constant 32 : i32
        %mul3A_610 = arith.muli %scan3A_608, %mul3A_609 : i32
        %get3A_611 = arith.index_cast %mul3A_610 : i32 to index
        %get3A_612 = tpu.vector_load %arg4[%get3A_611] {strides = array<i32>} : memref<50000xf32, #tpu.memory_space<vmem>>, vector<16xf32>,
        %mul3A_613 = arith.constant 32 : i32
        %mul3A_614 = arith.muli %scan3A_608, %mul3A_613 : i32
        %add3A_615 = arith.constant 16 : i32
        %add3A_616 = arith.addi %mul3A_614, %add3A_615 : i32
        %get3A_617 = arith.index_cast %add3A_616 : i32 to index
        %get3A_618 = tpu.vector_load %arg4[%get3A_617] {strides = array<i32>} : memref<50000xf32, #tpu.memory_space<vmem>>, vector<16xf32>,
        %max3A_619 = arith.maximumf %max3A_605, %get3A_612 : vector<16xf32>
        %max3A_620 = arith.maximumf %max3A_606, %get3A_618 : vector<16xf32>
        scf.yield %max3A_619, %max3A_620 : vector<16xf32>, vector<16xf32>
      }
      %scan3A_30 = arith.constant 1560 : i32
      %scan3A_31 = arith.addi %scan3A_25, %scan3A_30 : i32
      %mul3A_32 = arith.constant 32 : i32
      %mul3A_33 = arith.muli %scan3A_31, %mul3A_32 : i32
      %get3A = arith.index_cast %mul3A_33 : i32 to index
      %get3A_34 = tpu.vector_load %arg4[%get3A] {strides = array<i32>} : memref<50000xf32, #tpu.memory_space<vmem>>, vector<16xf32>,
      %mul3A_35 = arith.constant 32 : i32
      %mul3A_36 = arith.muli %scan3A_31, %mul3A_35 : i32
      %add3A_37 = arith.constant 16 : i32
      %add3A_38 = arith.addi %mul3A_36, %add3A_37 : i32
      %get3A_39 = arith.index_cast %add3A_38 : i32 to index
      %get3A_40 = tpu.vector_load %arg4[%get3A_39] {strides = array<i32>} : memref<50000xf32, #tpu.memory_space<vmem>>, vector<16xf32>,
      %max3A = arith.maximumf %scan3A_29#0, %get3A_34 : vector<16xf32>
      %max3A_41 = arith.maximumf %scan3A_29#1, %get3A_40 : vector<16xf32>
      %scan3A_42 = arith.constant 1561 : i32
      %scan3A_43 = arith.addi %scan3A_25, %scan3A_42 : i32
      %mul3A_44 = arith.constant 32 : i32
      %mul3A_45 = arith.muli %scan3A_43, %mul3A_44 : i32
      %get3A_46 = arith.index_cast %mul3A_45 : i32 to index
      %get3A_47 = tpu.vector_load %arg4[%get3A_46] {strides = array<i32>} : memref<50000xf32, #tpu.memory_space<vmem>>, vector<16xf32>,
      %mul3A_48 = arith.constant 32 : i32
      %mul3A_49 = arith.muli %scan3A_43, %mul3A_48 : i32
      %add3A_50 = arith.constant 16 : i32
      %add3A_51 = arith.addi %mul3A_49, %add3A_50 : i32
      %get3A_52 = arith.index_cast %add3A_51 : i32 to index
      %get3A_53 = tpu.vector_load %arg4[%get3A_52] {strides = array<i32>} : memref<50000xf32, #tpu.memory_space<vmem>>, vector<16xf32>,
      %max3A_54 = arith.maximumf %max3A, %get3A_47 : vector<16xf32>
      %max3A_55 = arith.maximumf %max3A_41, %get3A_53 : vector<16xf32>
      %scan3A_56 = arith.constant 1562 : i32
      %get3A_57 = arith.constant 49984 : index
      %get3A_58 = tpu.vector_load %arg4[%get3A_57] {strides = array<i32>} : memref<50000xf32, #tpu.memory_space<vmem>>, vector<16xf32>,
      %max3A_59 = arith.maximumf %max3A_54, %get3A_58 : vector<16xf32>
      %mul3A_60 = arith.constant 100000 : i32
      %mul3A_61 = arith.muli %add3A_14, %mul3A_60 : i32
      %add3A_62 = arith.constant 50000 : i32
      %add3A_63 = arith.addi %mul3A_61, %add3A_62 : i32
      %dma_wait3A_64 = tpu.memref_slice %arg2[%add3A_63] : memref<102400000xf32, #tpu.memory_space<hbm>> -> memref<50000xf32, #tpu.memory_space<hbm>>
      %dma_wait3A_65 = tpu.memref_slice %arg2[%add3A_63] : memref<102400000xf32, #tpu.memory_space<hbm>> -> memref<50000xf32, #tpu.memory_space<hbm>>
      tpu.wait_dma2 semaphore(%arg11 : memref<!tpu.dma_semaphore, #tpu.memory_space<semaphore_mem>>) src(%dma_wait3A_65 : memref<50000xf32, #tpu.memory_space<hbm>>) dst(%arg5 : memref<50000xf32, #tpu.memory_space<vmem>>)
      %scan3A_66 = arith.constant 0 : i32
      %scan3A_67 = arith.constant 1560 : i32
      %scan3A_68 = arith.addi %scan3A_66, %scan3A_67 : i32
      %scan3A_69 = arith.constant 8 : i32
      %scan3A_70:2 = scf.for %scan3A_508 = %scan3A_66 to %scan3A_68 step %scan3A_69 iter_args(%scan3A_509 = %max3A_59, %scan3A_510 = %max3A_55) -> (vector<16xf32>, vector<16xf32>)  : i32 {
        %mul3A_511 = arith.constant 32 : i32
        %mul3A_512 = arith.muli %scan3A_508, %mul3A_511 : i32
        %get3A_513 = arith.index_cast %mul3A_512 : i32 to index
        %get3A_514 = tpu.vector_load %arg5[%get3A_513] {strides = array<i32>} : memref<50000xf32, #tpu.memory_space<vmem>>, vector<16xf32>,
        %mul3A_515 = arith.constant 32 : i32
        %mul3A_516 = arith.muli %scan3A_508, %mul3A_515 : i32
        %add3A_517 = arith.constant 16 : i32
        %add3A_518 = arith.addi %mul3A_516, %add3A_517 : i32
        %get3A_519 = arith.index_cast %add3A_518 : i32 to index
        %get3A_520 = tpu.vector_load %arg5[%get3A_519] {strides = array<i32>} : memref<50000xf32, #tpu.memory_space<vmem>>, vector<16xf32>,
        %max3A_521 = arith.maximumf %scan3A_509, %get3A_514 : vector<16xf32>
        %max3A_522 = arith.maximumf %scan3A_510, %get3A_520 : vector<16xf32>
        %scan3A_523 = arith.constant 1 : i32
        %scan3A_524 = arith.addi %scan3A_508, %scan3A_523 : i32
        %mul3A_525 = arith.constant 32 : i32
        %mul3A_526 = arith.muli %scan3A_524, %mul3A_525 : i32
        %get3A_527 = arith.index_cast %mul3A_526 : i32 to index
        %get3A_528 = tpu.vector_load %arg5[%get3A_527] {strides = array<i32>} : memref<50000xf32, #tpu.memory_space<vmem>>, vector<16xf32>,
        %mul3A_529 = arith.constant 32 : i32
        %mul3A_530 = arith.muli %scan3A_524, %mul3A_529 : i32
        %add3A_531 = arith.constant 16 : i32
        %add3A_532 = arith.addi %mul3A_530, %add3A_531 : i32
        %get3A_533 = arith.index_cast %add3A_532 : i32 to index
        %get3A_534 = tpu.vector_load %arg5[%get3A_533] {strides = array<i32>} : memref<50000xf32, #tpu.memory_space<vmem>>, vector<16xf32>,
        %max3A_535 = arith.maximumf %max3A_521, %get3A_528 : vector<16xf32>
        %max3A_536 = arith.maximumf %max3A_522, %get3A_534 : vector<16xf32>
        %scan3A_537 = arith.constant 2 : i32
        %scan3A_538 = arith.addi %scan3A_508, %scan3A_537 : i32
        %mul3A_539 = arith.constant 32 : i32
        %mul3A_540 = arith.muli %scan3A_538, %mul3A_539 : i32
        %get3A_541 = arith.index_cast %mul3A_540 : i32 to index
        %get3A_542 = tpu.vector_load %arg5[%get3A_541] {strides = array<i32>} : memref<50000xf32, #tpu.memory_space<vmem>>, vector<16xf32>,
        %mul3A_543 = arith.constant 32 : i32
        %mul3A_544 = arith.muli %scan3A_538, %mul3A_543 : i32
        %add3A_545 = arith.constant 16 : i32
        %add3A_546 = arith.addi %mul3A_544, %add3A_545 : i32
        %get3A_547 = arith.index_cast %add3A_546 : i32 to index
        %get3A_548 = tpu.vector_load %arg5[%get3A_547] {strides = array<i32>} : memref<50000xf32, #tpu.memory_space<vmem>>, vector<16xf32>,
        %max3A_549 = arith.maximumf %max3A_535, %get3A_542 : vector<16xf32>
        %max3A_550 = arith.maximumf %max3A_536, %get3A_548 : vector<16xf32>
        %scan3A_551 = arith.constant 3 : i32
        %scan3A_552 = arith.addi %scan3A_508, %scan3A_551 : i32
        %mul3A_553 = arith.constant 32 : i32
        %mul3A_554 = arith.muli %scan3A_552, %mul3A_553 : i32
        %get3A_555 = arith.index_cast %mul3A_554 : i32 to index
        %get3A_556 = tpu.vector_load %arg5[%get3A_555] {strides = array<i32>} : memref<50000xf32, #tpu.memory_space<vmem>>, vector<16xf32>,
        %mul3A_557 = arith.constant 32 : i32
        %mul3A_558 = arith.muli %scan3A_552, %mul3A_557 : i32
        %add3A_559 = arith.constant 16 : i32
        %add3A_560 = arith.addi %mul3A_558, %add3A_559 : i32
        %get3A_561 = arith.index_cast %add3A_560 : i32 to index
        %get3A_562 = tpu.vector_load %arg5[%get3A_561] {strides = array<i32>} : memref<50000xf32, #tpu.memory_space<vmem>>, vector<16xf32>,
        %max3A_563 = arith.maximumf %max3A_549, %get3A_556 : vector<16xf32>
        %max3A_564 = arith.maximumf %max3A_550, %get3A_562 : vector<16xf32>
        %scan3A_565 = arith.constant 4 : i32
        %scan3A_566 = arith.addi %scan3A_508, %scan3A_565 : i32
        %mul3A_567 = arith.constant 32 : i32
        %mul3A_568 = arith.muli %scan3A_566, %mul3A_567 : i32
        %get3A_569 = arith.index_cast %mul3A_568 : i32 to index
        %get3A_570 = tpu.vector_load %arg5[%get3A_569] {strides = array<i32>} : memref<50000xf32, #tpu.memory_space<vmem>>, vector<16xf32>,
        %mul3A_571 = arith.constant 32 : i32
        %mul3A_572 = arith.muli %scan3A_566, %mul3A_571 : i32
        %add3A_573 = arith.constant 16 : i32
        %add3A_574 = arith.addi %mul3A_572, %add3A_573 : i32
        %get3A_575 = arith.index_cast %add3A_574 : i32 to index
        %get3A_576 = tpu.vector_load %arg5[%get3A_575] {strides = array<i32>} : memref<50000xf32, #tpu.memory_space<vmem>>, vector<16xf32>,
        %max3A_577 = arith.maximumf %max3A_563, %get3A_570 : vector<16xf32>
        %max3A_578 = arith.maximumf %max3A_564, %get3A_576 : vector<16xf32>
        %scan3A_579 = arith.constant 5 : i32
        %scan3A_580 = arith.addi %scan3A_508, %scan3A_579 : i32
        %mul3A_581 = arith.constant 32 : i32
        %mul3A_582 = arith.muli %scan3A_580, %mul3A_581 : i32
        %get3A_583 = arith.index_cast %mul3A_582 : i32 to index
        %get3A_584 = tpu.vector_load %arg5[%get3A_583] {strides = array<i32>} : memref<50000xf32, #tpu.memory_space<vmem>>, vector<16xf32>,
        %mul3A_585 = arith.constant 32 : i32
        %mul3A_586 = arith.muli %scan3A_580, %mul3A_585 : i32
        %add3A_587 = arith.constant 16 : i32
        %add3A_588 = arith.addi %mul3A_586, %add3A_587 : i32
        %get3A_589 = arith.index_cast %add3A_588 : i32 to index
        %get3A_590 = tpu.vector_load %arg5[%get3A_589] {strides = array<i32>} : memref<50000xf32, #tpu.memory_space<vmem>>, vector<16xf32>,
        %max3A_591 = arith.maximumf %max3A_577, %get3A_584 : vector<16xf32>
        %max3A_592 = arith.maximumf %max3A_578, %get3A_590 : vector<16xf32>
        %scan3A_593 = arith.constant 6 : i32
        %scan3A_594 = arith.addi %scan3A_508, %scan3A_593 : i32
        %mul3A_595 = arith.constant 32 : i32
        %mul3A_596 = arith.muli %scan3A_594, %mul3A_595 : i32
        %get3A_597 = arith.index_cast %mul3A_596 : i32 to index
        %get3A_598 = tpu.vector_load %arg5[%get3A_597] {strides = array<i32>} : memref<50000xf32, #tpu.memory_space<vmem>>, vector<16xf32>,
        %mul3A_599 = arith.constant 32 : i32
        %mul3A_600 = arith.muli %scan3A_594, %mul3A_599 : i32
        %add3A_601 = arith.constant 16 : i32
        %add3A_602 = arith.addi %mul3A_600, %add3A_601 : i32
        %get3A_603 = arith.index_cast %add3A_602 : i32 to index
        %get3A_604 = tpu.vector_load %arg5[%get3A_603] {strides = array<i32>} : memref<50000xf32, #tpu.memory_space<vmem>>, vector<16xf32>,
        %max3A_605 = arith.maximumf %max3A_591, %get3A_598 : vector<16xf32>
        %max3A_606 = arith.maximumf %max3A_592, %get3A_604 : vector<16xf32>
        %scan3A_607 = arith.constant 7 : i32
        %scan3A_608 = arith.addi %scan3A_508, %scan3A_607 : i32
        %mul3A_609 = arith.constant 32 : i32
        %mul3A_610 = arith.muli %scan3A_608, %mul3A_609 : i32
        %get3A_611 = arith.index_cast %mul3A_610 : i32 to index
        %get3A_612 = tpu.vector_load %arg5[%get3A_611] {strides = array<i32>} : memref<50000xf32, #tpu.memory_space<vmem>>, vector<16xf32>,
        %mul3A_613 = arith.constant 32 : i32
        %mul3A_614 = arith.muli %scan3A_608, %mul3A_613 : i32
        %add3A_615 = arith.constant 16 : i32
        %add3A_616 = arith.addi %mul3A_614, %add3A_615 : i32
        %get3A_617 = arith.index_cast %add3A_616 : i32 to index
        %get3A_618 = tpu.vector_load %arg5[%get3A_617] {strides = array<i32>} : memref<50000xf32, #tpu.memory_space<vmem>>, vector<16xf32>,
        %max3A_619 = arith.maximumf %max3A_605, %get3A_612 : vector<16xf32>
        %max3A_620 = arith.maximumf %max3A_606, %get3A_618 : vector<16xf32>
        scf.yield %max3A_619, %max3A_620 : vector<16xf32>, vector<16xf32>
      }
      %scan3A_71 = arith.constant 1560 : i32
      %scan3A_72 = arith.addi %scan3A_66, %scan3A_71 : i32
      %mul3A_73 = arith.constant 32 : i32
      %mul3A_74 = arith.muli %scan3A_72, %mul3A_73 : i32
      %get3A_75 = arith.index_cast %mul3A_74 : i32 to index
      %get3A_76 = tpu.vector_load %arg5[%get3A_75] {strides = array<i32>} : memref<50000xf32, #tpu.memory_space<vmem>>, vector<16xf32>,
      %mul3A_77 = arith.constant 32 : i32
      %mul3A_78 = arith.muli %scan3A_72, %mul3A_77 : i32
      %add3A_79 = arith.constant 16 : i32
      %add3A_80 = arith.addi %mul3A_78, %add3A_79 : i32
      %get3A_81 = arith.index_cast %add3A_80 : i32 to index
      %get3A_82 = tpu.vector_load %arg5[%get3A_81] {strides = array<i32>} : memref<50000xf32, #tpu.memory_space<vmem>>, vector<16xf32>,
      %max3A_83 = arith.maximumf %scan3A_70#0, %get3A_76 : vector<16xf32>
      %max3A_84 = arith.maximumf %scan3A_70#1, %get3A_82 : vector<16xf32>
      %scan3A_85 = arith.constant 1561 : i32
      %scan3A_86 = arith.addi %scan3A_66, %scan3A_85 : i32
      %mul3A_87 = arith.constant 32 : i32
      %mul3A_88 = arith.muli %scan3A_86, %mul3A_87 : i32
      %get3A_89 = arith.index_cast %mul3A_88 : i32 to index
      %get3A_90 = tpu.vector_load %arg5[%get3A_89] {strides = array<i32>} : memref<50000xf32, #tpu.memory_space<vmem>>, vector<16xf32>,
      %mul3A_91 = arith.constant 32 : i32
      %mul3A_92 = arith.muli %scan3A_86, %mul3A_91 : i32
      %add3A_93 = arith.constant 16 : i32
      %add3A_94 = arith.addi %mul3A_92, %add3A_93 : i32
      %get3A_95 = arith.index_cast %add3A_94 : i32 to index
      %get3A_96 = tpu.vector_load %arg5[%get3A_95] {strides = array<i32>} : memref<50000xf32, #tpu.memory_space<vmem>>, vector<16xf32>,
      %max3A_97 = arith.maximumf %max3A_83, %get3A_90 : vector<16xf32>
      %max3A_98 = arith.maximumf %max3A_84, %get3A_96 : vector<16xf32>
      %scan3A_99 = arith.constant 1562 : i32
      %get3A_100 = arith.constant 49984 : index
      %get3A_101 = tpu.vector_load %arg5[%get3A_100] {strides = array<i32>} : memref<50000xf32, #tpu.memory_space<vmem>>, vector<16xf32>,
      %max3A_102 = arith.maximumf %max3A_97, %get3A_101 : vector<16xf32>
      %reduce_min3A = arith.constant true
      %reduce_min3A_103 = vector.broadcast %reduce_min3A : i1 to vector<16xi1>
      %reduce_min3A_104 = tpu.scan <min>, %max3A_102 masked %reduce_min3A_103 : vector<16xf32>, vector<16xi1> -> vector<16xf32>
      %reduce_min3A_105 = vector.extract %reduce_min3A_104[15] : f32 from vector<16xf32>
      %reduce_min3A_106 = arith.constant true
      %reduce_min3A_107 = vector.broadcast %reduce_min3A_106 : i1 to vector<16xi1>
      %reduce_min3A_108 = tpu.scan <min>, %max3A_98 masked %reduce_min3A_107 : vector<16xf32>, vector<16xi1> -> vector<16xf32>
      %reduce_min3A_109 = vector.extract %reduce_min3A_108[15] : f32 from vector<16xf32>
      %min3A = arith.minimumf %reduce_min3A_105, %reduce_min3A_109 : f32
      %broadcast_in_dim3A_110 = arith.constant 0 : i32
      %broadcast_in_dim3A_111 = vector.broadcast %broadcast_in_dim3A_110 : i32 to vector<16xi32>
      %scan3A_112 = arith.constant 0 : i32
      %scan3A_113 = arith.constant 0 : i32
      %scan3A_114 = arith.constant 195 : i32
      %scan3A_115 = arith.addi %scan3A_113, %scan3A_114 : i32
      %scan3A_116 = arith.constant 1 : i32
      %scan3A_117 = scf.for %scan3A_508 = %scan3A_113 to %scan3A_115 step %scan3A_116 iter_args(%scan3A_509 = %scan3A_112) -> (i32)  : i32 {
        %mul3A_510 = arith.constant 16 : i32
        %mul3A_511 = arith.muli %scan3A_508, %mul3A_510 : i32
        %add3A_512 = arith.constant 0 : i32
        %add3A_513 = arith.addi %mul3A_511, %add3A_512 : i32
        %mul3A_514 = arith.constant 16 : i32
        %mul3A_515 = arith.muli %add3A_513, %mul3A_514 : i32
        %get3A_516 = arith.index_cast %mul3A_515 : i32 to index
        %get3A_517 = tpu.vector_load %arg4[%get3A_516] {strides = array<i32>} : memref<50000xf32, #tpu.memory_space<vmem>>, vector<16xf32>,
        %ge3A_518 = vector.broadcast %min3A : f32 to vector<16xf32>
        %ge3A_519 = arith.cmpf oge, %get3A_517, %ge3A_518 : vector<16xf32>
        %all_reduce_population_count3A_520 = tpu.all_reduce %ge3A_519 {dim = 0 : i64, kind = #tpu.reduction_kind<sum>} : vector<16xi1> -> vector<16xi32>
        %eq3A_521 = arith.constant 0 : i32
        %eq3A_522 = vector.broadcast %eq3A_521 : i32 to vector<16xi32>
        %eq3A_523 = arith.cmpi eq, %iota3A, %eq3A_522 : vector<16xi32>
        %select_n3A_524 = arith.select %eq3A_523, %all_reduce_population_count3A_520, %broadcast_in_dim3A_111 : vector<16xi1>, vector<16xi32>
        %mul3A_525 = arith.constant 16 : i32
        %mul3A_526 = arith.muli %scan3A_508, %mul3A_525 : i32
        %add3A_527 = arith.constant 1 : i32
        %add3A_528 = arith.addi %mul3A_526, %add3A_527 : i32
        %mul3A_529 = arith.constant 16 : i32
        %mul3A_530 = arith.muli %add3A_528, %mul3A_529 : i32
        %get3A_531 = arith.index_cast %mul3A_530 : i32 to index
        %get3A_532 = tpu.vector_load %arg4[%get3A_531] {strides = array<i32>} : memref<50000xf32, #tpu.memory_space<vmem>>, vector<16xf32>,
        %ge3A_533 = vector.broadcast %min3A : f32 to vector<16xf32>
        %ge3A_534 = arith.cmpf oge, %get3A_532, %ge3A_533 : vector<16xf32>
        %all_reduce_population_count3A_535 = tpu.all_reduce %ge3A_534 {dim = 0 : i64, kind = #tpu.reduction_kind<sum>} : vector<16xi1> -> vector<16xi32>
        %eq3A_536 = arith.constant 1 : i32
        %eq3A_537 = vector.broadcast %eq3A_536 : i32 to vector<16xi32>
        %eq3A_538 = arith.cmpi eq, %iota3A, %eq3A_537 : vector<16xi32>
        %select_n3A_539 = arith.select %eq3A_538, %all_reduce_population_count3A_535, %select_n3A_524 : vector<16xi1>, vector<16xi32>
        %mul3A_540 = arith.constant 16 : i32
        %mul3A_541 = arith.muli %scan3A_508, %mul3A_540 : i32
        %add3A_542 = arith.constant 2 : i32
        %add3A_543 = arith.addi %mul3A_541, %add3A_542 : i32
        %mul3A_544 = arith.constant 16 : i32
        %mul3A_545 = arith.muli %add3A_543, %mul3A_544 : i32
        %get3A_546 = arith.index_cast %mul3A_545 : i32 to index
        %get3A_547 = tpu.vector_load %arg4[%get3A_546] {strides = array<i32>} : memref<50000xf32, #tpu.memory_space<vmem>>, vector<16xf32>,
        %ge3A_548 = vector.broadcast %min3A : f32 to vector<16xf32>
        %ge3A_549 = arith.cmpf oge, %get3A_547, %ge3A_548 : vector<16xf32>
        %all_reduce_population_count3A_550 = tpu.all_reduce %ge3A_549 {dim = 0 : i64, kind = #tpu.reduction_kind<sum>} : vector<16xi1> -> vector<16xi32>
        %eq3A_551 = arith.constant 2 : i32
        %eq3A_552 = vector.broadcast %eq3A_551 : i32 to vector<16xi32>
        %eq3A_553 = arith.cmpi eq, %iota3A, %eq3A_552 : vector<16xi32>
        %select_n3A_554 = arith.select %eq3A_553, %all_reduce_population_count3A_550, %select_n3A_539 : vector<16xi1>, vector<16xi32>
        %mul3A_555 = arith.constant 16 : i32
        %mul3A_556 = arith.muli %scan3A_508, %mul3A_555 : i32
        %add3A_557 = arith.constant 3 : i32
        %add3A_558 = arith.addi %mul3A_556, %add3A_557 : i32
        %mul3A_559 = arith.constant 16 : i32
        %mul3A_560 = arith.muli %add3A_558, %mul3A_559 : i32
        %get3A_561 = arith.index_cast %mul3A_560 : i32 to index
        %get3A_562 = tpu.vector_load %arg4[%get3A_561] {strides = array<i32>} : memref<50000xf32, #tpu.memory_space<vmem>>, vector<16xf32>,
        %ge3A_563 = vector.broadcast %min3A : f32 to vector<16xf32>
        %ge3A_564 = arith.cmpf oge, %get3A_562, %ge3A_563 : vector<16xf32>
        %all_reduce_population_count3A_565 = tpu.all_reduce %ge3A_564 {dim = 0 : i64, kind = #tpu.reduction_kind<sum>} : vector<16xi1> -> vector<16xi32>
        %eq3A_566 = arith.constant 3 : i32
        %eq3A_567 = vector.broadcast %eq3A_566 : i32 to vector<16xi32>
        %eq3A_568 = arith.cmpi eq, %iota3A, %eq3A_567 : vector<16xi32>
        %select_n3A_569 = arith.select %eq3A_568, %all_reduce_population_count3A_565, %select_n3A_554 : vector<16xi1>, vector<16xi32>
        %mul3A_570 = arith.constant 16 : i32
        %mul3A_571 = arith.muli %scan3A_508, %mul3A_570 : i32
        %add3A_572 = arith.constant 4 : i32
        %add3A_573 = arith.addi %mul3A_571, %add3A_572 : i32
        %mul3A_574 = arith.constant 16 : i32
        %mul3A_575 = arith.muli %add3A_573, %mul3A_574 : i32
        %get3A_576 = arith.index_cast %mul3A_575 : i32 to index
        %get3A_577 = tpu.vector_load %arg4[%get3A_576] {strides = array<i32>} : memref<50000xf32, #tpu.memory_space<vmem>>, vector<16xf32>,
        %ge3A_578 = vector.broadcast %min3A : f32 to vector<16xf32>
        %ge3A_579 = arith.cmpf oge, %get3A_577, %ge3A_578 : vector<16xf32>
        %all_reduce_population_count3A_580 = tpu.all_reduce %ge3A_579 {dim = 0 : i64, kind = #tpu.reduction_kind<sum>} : vector<16xi1> -> vector<16xi32>
        %eq3A_581 = arith.constant 4 : i32
        %eq3A_582 = vector.broadcast %eq3A_581 : i32 to vector<16xi32>
        %eq3A_583 = arith.cmpi eq, %iota3A, %eq3A_582 : vector<16xi32>
        %select_n3A_584 = arith.select %eq3A_583, %all_reduce_population_count3A_580, %select_n3A_569 : vector<16xi1>, vector<16xi32>
        %mul3A_585 = arith.constant 16 : i32
        %mul3A_586 = arith.muli %scan3A_508, %mul3A_585 : i32
        %add3A_587 = arith.constant 5 : i32
        %add3A_588 = arith.addi %mul3A_586, %add3A_587 : i32
        %mul3A_589 = arith.constant 16 : i32
        %mul3A_590 = arith.muli %add3A_588, %mul3A_589 : i32
        %get3A_591 = arith.index_cast %mul3A_590 : i32 to index
        %get3A_592 = tpu.vector_load %arg4[%get3A_591] {strides = array<i32>} : memref<50000xf32, #tpu.memory_space<vmem>>, vector<16xf32>,
        %ge3A_593 = vector.broadcast %min3A : f32 to vector<16xf32>
        %ge3A_594 = arith.cmpf oge, %get3A_592, %ge3A_593 : vector<16xf32>
        %all_reduce_population_count3A_595 = tpu.all_reduce %ge3A_594 {dim = 0 : i64, kind = #tpu.reduction_kind<sum>} : vector<16xi1> -> vector<16xi32>
        %eq3A_596 = arith.constant 5 : i32
        %eq3A_597 = vector.broadcast %eq3A_596 : i32 to vector<16xi32>
        %eq3A_598 = arith.cmpi eq, %iota3A, %eq3A_597 : vector<16xi32>
        %select_n3A_599 = arith.select %eq3A_598, %all_reduce_population_count3A_595, %select_n3A_584 : vector<16xi1>, vector<16xi32>
        %mul3A_600 = arith.constant 16 : i32
        %mul3A_601 = arith.muli %scan3A_508, %mul3A_600 : i32
        %add3A_602 = arith.constant 6 : i32
        %add3A_603 = arith.addi %mul3A_601, %add3A_602 : i32
        %mul3A_604 = arith.constant 16 : i32
        %mul3A_605 = arith.muli %add3A_603, %mul3A_604 : i32
        %get3A_606 = arith.index_cast %mul3A_605 : i32 to index
        %get3A_607 = tpu.vector_load %arg4[%get3A_606] {strides = array<i32>} : memref<50000xf32, #tpu.memory_space<vmem>>, vector<16xf32>,
        %ge3A_608 = vector.broadcast %min3A : f32 to vector<16xf32>
        %ge3A_609 = arith.cmpf oge, %get3A_607, %ge3A_608 : vector<16xf32>
        %all_reduce_population_count3A_610 = tpu.all_reduce %ge3A_609 {dim = 0 : i64, kind = #tpu.reduction_kind<sum>} : vector<16xi1> -> vector<16xi32>
        %eq3A_611 = arith.constant 6 : i32
        %eq3A_612 = vector.broadcast %eq3A_611 : i32 to vector<16xi32>
        %eq3A_613 = arith.cmpi eq, %iota3A, %eq3A_612 : vector<16xi32>
        %select_n3A_614 = arith.select %eq3A_613, %all_reduce_population_count3A_610, %select_n3A_599 : vector<16xi1>, vector<16xi32>
        %mul3A_615 = arith.constant 16 : i32
        %mul3A_616 = arith.muli %scan3A_508, %mul3A_615 : i32
        %add3A_617 = arith.constant 7 : i32
        %add3A_618 = arith.addi %mul3A_616, %add3A_617 : i32
        %mul3A_619 = arith.constant 16 : i32
        %mul3A_620 = arith.muli %add3A_618, %mul3A_619 : i32
        %get3A_621 = arith.index_cast %mul3A_620 : i32 to index
        %get3A_622 = tpu.vector_load %arg4[%get3A_621] {strides = array<i32>} : memref<50000xf32, #tpu.memory_space<vmem>>, vector<16xf32>,
        %ge3A_623 = vector.broadcast %min3A : f32 to vector<16xf32>
        %ge3A_624 = arith.cmpf oge, %get3A_622, %ge3A_623 : vector<16xf32>
        %all_reduce_population_count3A_625 = tpu.all_reduce %ge3A_624 {dim = 0 : i64, kind = #tpu.reduction_kind<sum>} : vector<16xi1> -> vector<16xi32>
        %eq3A_626 = arith.constant 7 : i32
        %eq3A_627 = vector.broadcast %eq3A_626 : i32 to vector<16xi32>
        %eq3A_628 = arith.cmpi eq, %iota3A, %eq3A_627 : vector<16xi32>
        %select_n3A_629 = arith.select %eq3A_628, %all_reduce_population_count3A_625, %select_n3A_614 : vector<16xi1>, vector<16xi32>
        %mul3A_630 = arith.constant 16 : i32
        %mul3A_631 = arith.muli %scan3A_508, %mul3A_630 : i32
        %add3A_632 = arith.constant 8 : i32
        %add3A_633 = arith.addi %mul3A_631, %add3A_632 : i32
        %mul3A_634 = arith.constant 16 : i32
        %mul3A_635 = arith.muli %add3A_633, %mul3A_634 : i32
        %get3A_636 = arith.index_cast %mul3A_635 : i32 to index
        %get3A_637 = tpu.vector_load %arg4[%get3A_636] {strides = array<i32>} : memref<50000xf32, #tpu.memory_space<vmem>>, vector<16xf32>,
        %ge3A_638 = vector.broadcast %min3A : f32 to vector<16xf32>
        %ge3A_639 = arith.cmpf oge, %get3A_637, %ge3A_638 : vector<16xf32>
        %all_reduce_population_count3A_640 = tpu.all_reduce %ge3A_639 {dim = 0 : i64, kind = #tpu.reduction_kind<sum>} : vector<16xi1> -> vector<16xi32>
        %eq3A_641 = arith.constant 8 : i32
        %eq3A_642 = vector.broadcast %eq3A_641 : i32 to vector<16xi32>
        %eq3A_643 = arith.cmpi eq, %iota3A, %eq3A_642 : vector<16xi32>
        %select_n3A_644 = arith.select %eq3A_643, %all_reduce_population_count3A_640, %select_n3A_629 : vector<16xi1>, vector<16xi32>
        %mul3A_645 = arith.constant 16 : i32
        %mul3A_646 = arith.muli %scan3A_508, %mul3A_645 : i32
        %add3A_647 = arith.constant 9 : i32
        %add3A_648 = arith.addi %mul3A_646, %add3A_647 : i32
        %mul3A_649 = arith.constant 16 : i32
        %mul3A_650 = arith.muli %add3A_648, %mul3A_649 : i32
        %get3A_651 = arith.index_cast %mul3A_650 : i32 to index
        %get3A_652 = tpu.vector_load %arg4[%get3A_651] {strides = array<i32>} : memref<50000xf32, #tpu.memory_space<vmem>>, vector<16xf32>,
        %ge3A_653 = vector.broadcast %min3A : f32 to vector<16xf32>
        %ge3A_654 = arith.cmpf oge, %get3A_652, %ge3A_653 : vector<16xf32>
        %all_reduce_population_count3A_655 = tpu.all_reduce %ge3A_654 {dim = 0 : i64, kind = #tpu.reduction_kind<sum>} : vector<16xi1> -> vector<16xi32>
        %eq3A_656 = arith.constant 9 : i32
        %eq3A_657 = vector.broadcast %eq3A_656 : i32 to vector<16xi32>
        %eq3A_658 = arith.cmpi eq, %iota3A, %eq3A_657 : vector<16xi32>
        %select_n3A_659 = arith.select %eq3A_658, %all_reduce_population_count3A_655, %select_n3A_644 : vector<16xi1>, vector<16xi32>
        %mul3A_660 = arith.constant 16 : i32
        %mul3A_661 = arith.muli %scan3A_508, %mul3A_660 : i32
        %add3A_662 = arith.constant 10 : i32
        %add3A_663 = arith.addi %mul3A_661, %add3A_662 : i32
        %mul3A_664 = arith.constant 16 : i32
        %mul3A_665 = arith.muli %add3A_663, %mul3A_664 : i32
        %get3A_666 = arith.index_cast %mul3A_665 : i32 to index
        %get3A_667 = tpu.vector_load %arg4[%get3A_666] {strides = array<i32>} : memref<50000xf32, #tpu.memory_space<vmem>>, vector<16xf32>,
        %ge3A_668 = vector.broadcast %min3A : f32 to vector<16xf32>
        %ge3A_669 = arith.cmpf oge, %get3A_667, %ge3A_668 : vector<16xf32>
        %all_reduce_population_count3A_670 = tpu.all_reduce %ge3A_669 {dim = 0 : i64, kind = #tpu.reduction_kind<sum>} : vector<16xi1> -> vector<16xi32>
        %eq3A_671 = arith.constant 10 : i32
        %eq3A_672 = vector.broadcast %eq3A_671 : i32 to vector<16xi32>
        %eq3A_673 = arith.cmpi eq, %iota3A, %eq3A_672 : vector<16xi32>
        %select_n3A_674 = arith.select %eq3A_673, %all_reduce_population_count3A_670, %select_n3A_659 : vector<16xi1>, vector<16xi32>
        %mul3A_675 = arith.constant 16 : i32
        %mul3A_676 = arith.muli %scan3A_508, %mul3A_675 : i32
        %add3A_677 = arith.constant 11 : i32
        %add3A_678 = arith.addi %mul3A_676, %add3A_677 : i32
        %mul3A_679 = arith.constant 16 : i32
        %mul3A_680 = arith.muli %add3A_678, %mul3A_679 : i32
        %get3A_681 = arith.index_cast %mul3A_680 : i32 to index
        %get3A_682 = tpu.vector_load %arg4[%get3A_681] {strides = array<i32>} : memref<50000xf32, #tpu.memory_space<vmem>>, vector<16xf32>,
        %ge3A_683 = vector.broadcast %min3A : f32 to vector<16xf32>
        %ge3A_684 = arith.cmpf oge, %get3A_682, %ge3A_683 : vector<16xf32>
        %all_reduce_population_count3A_685 = tpu.all_reduce %ge3A_684 {dim = 0 : i64, kind = #tpu.reduction_kind<sum>} : vector<16xi1> -> vector<16xi32>
        %eq3A_686 = arith.constant 11 : i32
        %eq3A_687 = vector.broadcast %eq3A_686 : i32 to vector<16xi32>
        %eq3A_688 = arith.cmpi eq, %iota3A, %eq3A_687 : vector<16xi32>
        %select_n3A_689 = arith.select %eq3A_688, %all_reduce_population_count3A_685, %select_n3A_674 : vector<16xi1>, vector<16xi32>
        %mul3A_690 = arith.constant 16 : i32
        %mul3A_691 = arith.muli %scan3A_508, %mul3A_690 : i32
        %add3A_692 = arith.constant 12 : i32
        %add3A_693 = arith.addi %mul3A_691, %add3A_692 : i32
        %mul3A_694 = arith.constant 16 : i32
        %mul3A_695 = arith.muli %add3A_693, %mul3A_694 : i32
        %get3A_696 = arith.index_cast %mul3A_695 : i32 to index
        %get3A_697 = tpu.vector_load %arg4[%get3A_696] {strides = array<i32>} : memref<50000xf32, #tpu.memory_space<vmem>>, vector<16xf32>,
        %ge3A_698 = vector.broadcast %min3A : f32 to vector<16xf32>
        %ge3A_699 = arith.cmpf oge, %get3A_697, %ge3A_698 : vector<16xf32>
        %all_reduce_population_count3A_700 = tpu.all_reduce %ge3A_699 {dim = 0 : i64, kind = #tpu.reduction_kind<sum>} : vector<16xi1> -> vector<16xi32>
        %eq3A_701 = arith.constant 12 : i32
        %eq3A_702 = vector.broadcast %eq3A_701 : i32 to vector<16xi32>
        %eq3A_703 = arith.cmpi eq, %iota3A, %eq3A_702 : vector<16xi32>
        %select_n3A_704 = arith.select %eq3A_703, %all_reduce_population_count3A_700, %select_n3A_689 : vector<16xi1>, vector<16xi32>
        %mul3A_705 = arith.constant 16 : i32
        %mul3A_706 = arith.muli %scan3A_508, %mul3A_705 : i32
        %add3A_707 = arith.constant 13 : i32
        %add3A_708 = arith.addi %mul3A_706, %add3A_707 : i32
        %mul3A_709 = arith.constant 16 : i32
        %mul3A_710 = arith.muli %add3A_708, %mul3A_709 : i32
        %get3A_711 = arith.index_cast %mul3A_710 : i32 to index
        %get3A_712 = tpu.vector_load %arg4[%get3A_711] {strides = array<i32>} : memref<50000xf32, #tpu.memory_space<vmem>>, vector<16xf32>,
        %ge3A_713 = vector.broadcast %min3A : f32 to vector<16xf32>
        %ge3A_714 = arith.cmpf oge, %get3A_712, %ge3A_713 : vector<16xf32>
        %all_reduce_population_count3A_715 = tpu.all_reduce %ge3A_714 {dim = 0 : i64, kind = #tpu.reduction_kind<sum>} : vector<16xi1> -> vector<16xi32>
        %eq3A_716 = arith.constant 13 : i32
        %eq3A_717 = vector.broadcast %eq3A_716 : i32 to vector<16xi32>
        %eq3A_718 = arith.cmpi eq, %iota3A, %eq3A_717 : vector<16xi32>
        %select_n3A_719 = arith.select %eq3A_718, %all_reduce_population_count3A_715, %select_n3A_704 : vector<16xi1>, vector<16xi32>
        %mul3A_720 = arith.constant 16 : i32
        %mul3A_721 = arith.muli %scan3A_508, %mul3A_720 : i32
        %add3A_722 = arith.constant 14 : i32
        %add3A_723 = arith.addi %mul3A_721, %add3A_722 : i32
        %mul3A_724 = arith.constant 16 : i32
        %mul3A_725 = arith.muli %add3A_723, %mul3A_724 : i32
        %get3A_726 = arith.index_cast %mul3A_725 : i32 to index
        %get3A_727 = tpu.vector_load %arg4[%get3A_726] {strides = array<i32>} : memref<50000xf32, #tpu.memory_space<vmem>>, vector<16xf32>,
        %ge3A_728 = vector.broadcast %min3A : f32 to vector<16xf32>
        %ge3A_729 = arith.cmpf oge, %get3A_727, %ge3A_728 : vector<16xf32>
        %all_reduce_population_count3A_730 = tpu.all_reduce %ge3A_729 {dim = 0 : i64, kind = #tpu.reduction_kind<sum>} : vector<16xi1> -> vector<16xi32>
        %eq3A_731 = arith.constant 14 : i32
        %eq3A_732 = vector.broadcast %eq3A_731 : i32 to vector<16xi32>
        %eq3A_733 = arith.cmpi eq, %iota3A, %eq3A_732 : vector<16xi32>
        %select_n3A_734 = arith.select %eq3A_733, %all_reduce_population_count3A_730, %select_n3A_719 : vector<16xi1>, vector<16xi32>
        %mul3A_735 = arith.constant 16 : i32
        %mul3A_736 = arith.muli %scan3A_508, %mul3A_735 : i32
        %add3A_737 = arith.constant 15 : i32
        %add3A_738 = arith.addi %mul3A_736, %add3A_737 : i32
        %mul3A_739 = arith.constant 16 : i32
        %mul3A_740 = arith.muli %add3A_738, %mul3A_739 : i32
        %get3A_741 = arith.index_cast %mul3A_740 : i32 to index
        %get3A_742 = tpu.vector_load %arg4[%get3A_741] {strides = array<i32>} : memref<50000xf32, #tpu.memory_space<vmem>>, vector<16xf32>,
        %ge3A_743 = vector.broadcast %min3A : f32 to vector<16xf32>
        %ge3A_744 = arith.cmpf oge, %get3A_742, %ge3A_743 : vector<16xf32>
        %all_reduce_population_count3A_745 = tpu.all_reduce %ge3A_744 {dim = 0 : i64, kind = #tpu.reduction_kind<sum>} : vector<16xi1> -> vector<16xi32>
        %eq3A_746 = arith.constant 15 : i32
        %eq3A_747 = vector.broadcast %eq3A_746 : i32 to vector<16xi32>
        %eq3A_748 = arith.cmpi eq, %iota3A, %eq3A_747 : vector<16xi32>
        %select_n3A_749 = arith.select %eq3A_748, %all_reduce_population_count3A_745, %select_n3A_734 : vector<16xi1>, vector<16xi32>
        %gt3A_750 = arith.constant 0 : i32
        %gt3A_751 = vector.broadcast %gt3A_750 : i32 to vector<16xi32>
        %gt3A_752 = arith.cmpi sgt, %select_n3A_749, %gt3A_751 : vector<16xi32>
        %min3A_753 = arith.constant 512 : i32
        %min3A_754 = arith.minsi %scan3A_509, %min3A_753 : i32
        %mul3A_755 = arith.constant 16 : i32
        %mul3A_756 = arith.muli %scan3A_508, %mul3A_755 : i32
        %add3A_757 = vector.broadcast %mul3A_756 : i32 to vector<16xi32>
        %add3A_758 = arith.addi %add3A_757, %iota3A : vector<16xi32>
        %swap3A_759 = arith.index_cast %min3A_754 : i32 to index
        %swap3A_760 = tpu.vector_load %arg8[%swap3A_759] masked %gt3A_752 {strides = array<i32>} : memref<560xi32, #tpu.memory_space<vmem>>, vector<16xi32>, vector<16xi1>
        tpu.vector_store %arg8[%swap3A_759], %add3A_758 masked %gt3A_752 {strides = array<i32>} : memref<560xi32, #tpu.memory_space<vmem>>, vector<16xi32>, vector<16xi1>
        %all_reduce_population_count3A_761 = tpu.all_reduce %gt3A_752 {dim = 0 : i64, kind = #tpu.reduction_kind<sum>} : vector<16xi1> -> vector<16xi32>
        %slice3A_762 = vector.extract_strided_slice %all_reduce_population_count3A_761 {offsets = [0], sizes = [1], strides = [1]} : vector<16xi32> to vector<1xi32>
        %squeeze3A_763 = vector.extract %slice3A_762[0] : i32 from vector<1xi32>
        %add3A_764 = arith.addi %scan3A_509, %squeeze3A_763 : i32
        scf.yield %add3A_764 : i32
      }
      %scan3A_118 = arith.constant 195 : i32
      %mul3A_119 = arith.constant 195 : i32
      %mul3A_120 = arith.constant 16 : i32
      %mul3A_121 = arith.muli %mul3A_119, %mul3A_120 : i32
      %add3A_122 = arith.constant 0 : i32
      %add3A_123 = arith.addi %mul3A_121, %add3A_122 : i32
      %mul3A_124 = arith.constant 16 : i32
      %mul3A_125 = arith.muli %add3A_123, %mul3A_124 : i32
      %get3A_126 = arith.index_cast %mul3A_125 : i32 to index
      %get3A_127 = tpu.vector_load %arg4[%get3A_126] {strides = array<i32>} : memref<50000xf32, #tpu.memory_space<vmem>>, vector<16xf32>,
      %ge3A = vector.broadcast %min3A : f32 to vector<16xf32>
      %ge3A_128 = arith.cmpf oge, %get3A_127, %ge3A : vector<16xf32>
      %all_reduce_population_count3A = tpu.all_reduce %ge3A_128 {dim = 0 : i64, kind = #tpu.reduction_kind<sum>} : vector<16xi1> -> vector<16xi32>
      %eq3A = arith.constant 0 : i32
      %eq3A_129 = vector.broadcast %eq3A : i32 to vector<16xi32>
      %eq3A_130 = arith.cmpi eq, %iota3A, %eq3A_129 : vector<16xi32>
      %select_n3A = arith.select %eq3A_130, %all_reduce_population_count3A, %broadcast_in_dim3A_111 : vector<16xi1>, vector<16xi32>
      %mul3A_131 = arith.constant 195 : i32
      %mul3A_132 = arith.constant 16 : i32
      %mul3A_133 = arith.muli %mul3A_131, %mul3A_132 : i32
      %add3A_134 = arith.constant 1 : i32
      %add3A_135 = arith.addi %mul3A_133, %add3A_134 : i32
      %mul3A_136 = arith.constant 16 : i32
      %mul3A_137 = arith.muli %add3A_135, %mul3A_136 : i32
      %get3A_138 = arith.index_cast %mul3A_137 : i32 to index
      %get3A_139 = tpu.vector_load %arg4[%get3A_138] {strides = array<i32>} : memref<50000xf32, #tpu.memory_space<vmem>>, vector<16xf32>,
      %ge3A_140 = vector.broadcast %min3A : f32 to vector<16xf32>
      %ge3A_141 = arith.cmpf oge, %get3A_139, %ge3A_140 : vector<16xf32>
      %all_reduce_population_count3A_142 = tpu.all_reduce %ge3A_141 {dim = 0 : i64, kind = #tpu.reduction_kind<sum>} : vector<16xi1> -> vector<16xi32>
      %eq3A_143 = arith.constant 1 : i32
      %eq3A_144 = vector.broadcast %eq3A_143 : i32 to vector<16xi32>
      %eq3A_145 = arith.cmpi eq, %iota3A, %eq3A_144 : vector<16xi32>
      %select_n3A_146 = arith.select %eq3A_145, %all_reduce_population_count3A_142, %select_n3A : vector<16xi1>, vector<16xi32>
      %mul3A_147 = arith.constant 195 : i32
      %mul3A_148 = arith.constant 16 : i32
      %mul3A_149 = arith.muli %mul3A_147, %mul3A_148 : i32
      %add3A_150 = arith.constant 2 : i32
      %add3A_151 = arith.addi %mul3A_149, %add3A_150 : i32
      %mul3A_152 = arith.constant 16 : i32
      %mul3A_153 = arith.muli %add3A_151, %mul3A_152 : i32
      %get3A_154 = arith.index_cast %mul3A_153 : i32 to index
      %get3A_155 = tpu.vector_load %arg4[%get3A_154] {strides = array<i32>} : memref<50000xf32, #tpu.memory_space<vmem>>, vector<16xf32>,
      %ge3A_156 = vector.broadcast %min3A : f32 to vector<16xf32>
      %ge3A_157 = arith.cmpf oge, %get3A_155, %ge3A_156 : vector<16xf32>
      %all_reduce_population_count3A_158 = tpu.all_reduce %ge3A_157 {dim = 0 : i64, kind = #tpu.reduction_kind<sum>} : vector<16xi1> -> vector<16xi32>
      %eq3A_159 = arith.constant 2 : i32
      %eq3A_160 = vector.broadcast %eq3A_159 : i32 to vector<16xi32>
      %eq3A_161 = arith.cmpi eq, %iota3A, %eq3A_160 : vector<16xi32>
      %select_n3A_162 = arith.select %eq3A_161, %all_reduce_population_count3A_158, %select_n3A_146 : vector<16xi1>, vector<16xi32>
      %mul3A_163 = arith.constant 195 : i32
      %mul3A_164 = arith.constant 16 : i32
      %mul3A_165 = arith.muli %mul3A_163, %mul3A_164 : i32
      %add3A_166 = arith.constant 3 : i32
      %add3A_167 = arith.addi %mul3A_165, %add3A_166 : i32
      %mul3A_168 = arith.constant 16 : i32
      %mul3A_169 = arith.muli %add3A_167, %mul3A_168 : i32
      %get3A_170 = arith.index_cast %mul3A_169 : i32 to index
      %get3A_171 = tpu.vector_load %arg4[%get3A_170] {strides = array<i32>} : memref<50000xf32, #tpu.memory_space<vmem>>, vector<16xf32>,
      %ge3A_172 = vector.broadcast %min3A : f32 to vector<16xf32>
      %ge3A_173 = arith.cmpf oge, %get3A_171, %ge3A_172 : vector<16xf32>
      %all_reduce_population_count3A_174 = tpu.all_reduce %ge3A_173 {dim = 0 : i64, kind = #tpu.reduction_kind<sum>} : vector<16xi1> -> vector<16xi32>
      %eq3A_175 = arith.constant 3 : i32
      %eq3A_176 = vector.broadcast %eq3A_175 : i32 to vector<16xi32>
      %eq3A_177 = arith.cmpi eq, %iota3A, %eq3A_176 : vector<16xi32>
      %select_n3A_178 = arith.select %eq3A_177, %all_reduce_population_count3A_174, %select_n3A_162 : vector<16xi1>, vector<16xi32>
      %mul3A_179 = arith.constant 195 : i32
      %mul3A_180 = arith.constant 16 : i32
      %mul3A_181 = arith.muli %mul3A_179, %mul3A_180 : i32
      %add3A_182 = arith.constant 4 : i32
      %add3A_183 = arith.addi %mul3A_181, %add3A_182 : i32
      %mul3A_184 = arith.constant 16 : i32
      %mul3A_185 = arith.muli %add3A_183, %mul3A_184 : i32
      %get3A_186 = arith.index_cast %mul3A_185 : i32 to index
      %get3A_187 = tpu.vector_load %arg4[%get3A_186] {strides = array<i32>} : memref<50000xf32, #tpu.memory_space<vmem>>, vector<16xf32>,
      %ge3A_188 = vector.broadcast %min3A : f32 to vector<16xf32>
      %ge3A_189 = arith.cmpf oge, %get3A_187, %ge3A_188 : vector<16xf32>
      %all_reduce_population_count3A_190 = tpu.all_reduce %ge3A_189 {dim = 0 : i64, kind = #tpu.reduction_kind<sum>} : vector<16xi1> -> vector<16xi32>
      %eq3A_191 = arith.constant 4 : i32
      %eq3A_192 = vector.broadcast %eq3A_191 : i32 to vector<16xi32>
      %eq3A_193 = arith.cmpi eq, %iota3A, %eq3A_192 : vector<16xi32>
      %select_n3A_194 = arith.select %eq3A_193, %all_reduce_population_count3A_190, %select_n3A_178 : vector<16xi1>, vector<16xi32>
      %gt3A = arith.constant 0 : i32
      %gt3A_195 = vector.broadcast %gt3A : i32 to vector<16xi32>
      %gt3A_196 = arith.cmpi sgt, %select_n3A_194, %gt3A_195 : vector<16xi32>
      %min3A_197 = arith.constant 512 : i32
      %min3A_198 = arith.minsi %scan3A_117, %min3A_197 : i32
      %mul3A_199 = arith.constant 195 : i32
      %mul3A_200 = arith.constant 16 : i32
      %mul3A_201 = arith.muli %mul3A_199, %mul3A_200 : i32
      %add3A_202 = vector.broadcast %mul3A_201 : i32 to vector<16xi32>
      %add3A_203 = arith.addi %add3A_202, %iota3A : vector<16xi32>
      %swap3A = arith.index_cast %min3A_198 : i32 to index
      %swap3A_204 = tpu.vector_load %arg8[%swap3A] masked %gt3A_196 {strides = array<i32>} : memref<560xi32, #tpu.memory_space<vmem>>, vector<16xi32>, vector<16xi1>
      tpu.vector_store %arg8[%swap3A], %add3A_203 masked %gt3A_196 {strides = array<i32>} : memref<560xi32, #tpu.memory_space<vmem>>, vector<16xi32>, vector<16xi1>
      %all_reduce_population_count3A_205 = tpu.all_reduce %gt3A_196 {dim = 0 : i64, kind = #tpu.reduction_kind<sum>} : vector<16xi1> -> vector<16xi32>
      %slice3A = vector.extract_strided_slice %all_reduce_population_count3A_205 {offsets = [0], sizes = [1], strides = [1]} : vector<16xi32> to vector<1xi32>
      %squeeze3A = vector.extract %slice3A[0] : i32 from vector<1xi32>
      %add3A_206 = arith.addi %scan3A_117, %squeeze3A : i32
      %while3A = arith.constant 0 : i32
      %while3A_207 = arith.constant 0 : i32
      %while3A_208 = arith.subi %add3A_206, %while3A : i32
      %while3A_209 = arith.addi %while3A, %while3A_208 : i32
      %while3A_210 = arith.constant 1 : i32
      %while3A_211 = arith.divsi %while3A_208, %while3A_210 : i32
      %while3A_212 = arith.muli %while3A_211, %while3A_210 : i32
      %while3A_213 = arith.addi %while3A, %while3A_212 : i32
      %while3A_214 = arith.constant 1 : i32
      %while3A_215 = scf.for %while3A_508 = %while3A to %while3A_213 step %while3A_214 iter_args(%while3A_509 = %while3A_207) -> (i32)  : i32 {
        %get3A_510 = arith.index_cast %while3A_508 : i32 to index
        %get3A_511 = tpu.vector_load %arg8[%get3A_510] {strides = array<i32>} : memref<560xi32, #tpu.memory_space<vmem>>, vector<16xi32>,
        %slice3A_512 = vector.extract_strided_slice %get3A_511 {offsets = [0], sizes = [1], strides = [1]} : vector<16xi32> to vector<1xi32>
        %squeeze3A_513 = vector.extract %slice3A_512[0] : i32 from vector<1xi32>
        %mul3A_514 = arith.constant 16 : i32
        %mul3A_515 = arith.muli %squeeze3A_513, %mul3A_514 : i32
        %get3A_516 = arith.index_cast %mul3A_515 : i32 to index
        %get3A_517 = tpu.vector_load %arg4[%get3A_516] {strides = array<i32>} : memref<50000xf32, #tpu.memory_space<vmem>>, vector<16xf32>,
        %ge3A_518 = vector.broadcast %min3A : f32 to vector<16xf32>
        %ge3A_519 = arith.cmpf oge, %get3A_517, %ge3A_518 : vector<16xf32>
        %min3A_520 = arith.constant 2048 : i32
        %min3A_521 = arith.minsi %while3A_509, %min3A_520 : i32
        %mul3A_522 = arith.constant 16 : i32
        %mul3A_523 = arith.muli %squeeze3A_513, %mul3A_522 : i32
        %add3A_524 = arith.constant 0 : i32
        %add3A_525 = arith.addi %mul3A_523, %add3A_524 : i32
        %add3A_526 = vector.broadcast %add3A_525 : i32 to vector<16xi32>
        %add3A_527 = arith.addi %add3A_526, %iota3A : vector<16xi32>
        %swap3A_528 = arith.index_cast %min3A_521 : i32 to index
        %swap3A_529 = tpu.vector_load %arg6[%swap3A_528] masked %ge3A_519 {strides = array<i32>} : memref<2064xi32, #tpu.memory_space<vmem>>, vector<16xi32>, vector<16xi1>
        tpu.vector_store %arg6[%swap3A_528], %add3A_527 masked %ge3A_519 {strides = array<i32>} : memref<2064xi32, #tpu.memory_space<vmem>>, vector<16xi32>, vector<16xi1>
        %all_reduce_population_count3A_530 = tpu.all_reduce %ge3A_519 {dim = 0 : i64, kind = #tpu.reduction_kind<sum>} : vector<16xi1> -> vector<16xi32>
        %slice3A_531 = vector.extract_strided_slice %all_reduce_population_count3A_530 {offsets = [0], sizes = [1], strides = [1]} : vector<16xi32> to vector<1xi32>
        %squeeze3A_532 = vector.extract %slice3A_531[0] : i32 from vector<1xi32>
        %add3A_533 = arith.addi %while3A_509, %squeeze3A_532 : i32
        scf.yield %add3A_533 : i32
      }
      %while3A_216 = arith.constant 1 : i32
      %while3A_217 = scf.for %while3A_508 = %while3A_213 to %while3A_209 step %while3A_216 iter_args(%while3A_509 = %while3A_215) -> (i32)  : i32 {
        %get3A_510 = arith.index_cast %while3A_508 : i32 to index
        %get3A_511 = tpu.vector_load %arg8[%get3A_510] {strides = array<i32>} : memref<560xi32, #tpu.memory_space<vmem>>, vector<16xi32>,
        %slice3A_512 = vector.extract_strided_slice %get3A_511 {offsets = [0], sizes = [1], strides = [1]} : vector<16xi32> to vector<1xi32>
        %squeeze3A_513 = vector.extract %slice3A_512[0] : i32 from vector<1xi32>
        %mul3A_514 = arith.constant 16 : i32
        %mul3A_515 = arith.muli %squeeze3A_513, %mul3A_514 : i32
        %get3A_516 = arith.index_cast %mul3A_515 : i32 to index
        %get3A_517 = tpu.vector_load %arg4[%get3A_516] {strides = array<i32>} : memref<50000xf32, #tpu.memory_space<vmem>>, vector<16xf32>,
        %ge3A_518 = vector.broadcast %min3A : f32 to vector<16xf32>
        %ge3A_519 = arith.cmpf oge, %get3A_517, %ge3A_518 : vector<16xf32>
        %min3A_520 = arith.constant 2048 : i32
        %min3A_521 = arith.minsi %while3A_509, %min3A_520 : i32
        %mul3A_522 = arith.constant 16 : i32
        %mul3A_523 = arith.muli %squeeze3A_513, %mul3A_522 : i32
        %add3A_524 = arith.constant 0 : i32
        %add3A_525 = arith.addi %mul3A_523, %add3A_524 : i32
        %add3A_526 = vector.broadcast %add3A_525 : i32 to vector<16xi32>
        %add3A_527 = arith.addi %add3A_526, %iota3A : vector<16xi32>
        %swap3A_528 = arith.index_cast %min3A_521 : i32 to index
        %swap3A_529 = tpu.vector_load %arg6[%swap3A_528] masked %ge3A_519 {strides = array<i32>} : memref<2064xi32, #tpu.memory_space<vmem>>, vector<16xi32>, vector<16xi1>
        tpu.vector_store %arg6[%swap3A_528], %add3A_527 masked %ge3A_519 {strides = array<i32>} : memref<2064xi32, #tpu.memory_space<vmem>>, vector<16xi32>, vector<16xi1>
        %all_reduce_population_count3A_530 = tpu.all_reduce %ge3A_519 {dim = 0 : i64, kind = #tpu.reduction_kind<sum>} : vector<16xi1> -> vector<16xi32>
        %slice3A_531 = vector.extract_strided_slice %all_reduce_population_count3A_530 {offsets = [0], sizes = [1], strides = [1]} : vector<16xi32> to vector<1xi32>
        %squeeze3A_532 = vector.extract %slice3A_531[0] : i32 from vector<1xi32>
        %add3A_533 = arith.addi %while3A_509, %squeeze3A_532 : i32
        scf.yield %add3A_533 : i32
      }
      %sub3A = arith.constant 0 : i32
      %sub3A_218 = arith.subi %while3A_217, %sub3A : i32
      %add3A_219 = arith.constant 15 : i32
      %add3A_220 = arith.addi %sub3A_218, %add3A_219 : i32
      %jit3A = arith.constant 16 : i32
      %div3A = arith.divsi %add3A_220, %jit3A : i32
      %sign3A = arith.constant 0 : i32
      %sign3A_221 = arith.cmpi sgt, %add3A_220, %sign3A : i32
      %sign3A_222 = arith.extui %sign3A_221 : i1 to i32
      %sign3A_223 = arith.constant 0 : i32
      %sign3A_224 = arith.cmpi slt, %add3A_220, %sign3A_223 : i32
      %sign3A_225 = arith.extui %sign3A_224 : i1 to i32
      %sign3A_226 = arith.subi %sign3A_222, %sign3A_225 : i32
      %sign3A_227 = arith.constant 0 : i32
      %sign3A_228 = arith.cmpi sgt, %jit3A, %sign3A_227 : i32
      %sign3A_229 = arith.extui %sign3A_228 : i1 to i32
      %sign3A_230 = arith.constant 0 : i32
      %sign3A_231 = arith.cmpi slt, %jit3A, %sign3A_230 : i32
      %sign3A_232 = arith.extui %sign3A_231 : i1 to i32
      %sign3A_233 = arith.subi %sign3A_229, %sign3A_232 : i32
      %ne3A = arith.cmpi ne, %sign3A_226, %sign3A_233 : i32
      %rem3A = arith.remsi %add3A_220, %jit3A : i32
      %ne3A_234 = arith.constant 0 : i32
      %ne3A_235 = arith.cmpi ne, %rem3A, %ne3A_234 : i32
      %and3A = arith.andi %ne3A, %ne3A_235 : i1
      %sub3A_236 = arith.constant 1 : i32
      %sub3A_237 = arith.subi %div3A, %sub3A_236 : i32
      %select_n3A_238 = arith.select %and3A, %sub3A_237, %div3A : i32
      %while3A_239 = arith.constant 0 : i32
      %while3A_240 = arith.constant 0 : i32
      %while3A_241 = arith.constant 0 : i32
      %while3A_242 = arith.subi %select_n3A_238, %while3A_240 : i32
      %while3A_243 = arith.addi %while3A_240, %while3A_242 : i32
      %while3A_244 = arith.constant 1 : i32
      %while3A_245 = arith.divsi %while3A_242, %while3A_244 : i32
      %while3A_246 = arith.muli %while3A_245, %while3A_244 : i32
      %while3A_247 = arith.addi %while3A_240, %while3A_246 : i32
      %while3A_248 = arith.constant 1 : i32
      %while3A_249 = scf.for %while3A_508 = %while3A_240 to %while3A_247 step %while3A_248 iter_args(%while3A_509 = %while3A_241) -> (i32)  : i32 {
        %mul3A_510 = arith.constant 16 : i32
        %mul3A_511 = arith.muli %while3A_508, %mul3A_510 : i32
        %add3A_512 = arith.addi %while3A_239, %mul3A_511 : i32
        %get3A_513 = arith.index_cast %add3A_512 : i32 to index
        %get3A_514 = tpu.vector_load %arg6[%get3A_513] {strides = array<i32>} : memref<2064xi32, #tpu.memory_space<vmem>>, vector<16xi32>,
        %add3A_515 = vector.broadcast %add3A_512 : i32 to vector<16xi32>
        %add3A_516 = arith.addi %add3A_515, %iota3A : vector<16xi32>
        %lt3A_517 = vector.broadcast %while3A_217 : i32 to vector<16xi32>
        %lt3A_518 = arith.cmpi slt, %add3A_516, %lt3A_517 : vector<16xi32>
        %sub3A_519 = arith.constant 0 : i32
        %sub3A_520 = vector.broadcast %sub3A_519 : i32 to vector<16xi32>
        %sub3A_521 = arith.subi %get3A_514, %sub3A_520 : vector<16xi32>
        %jit3A_522 = arith.constant 0 : i32
        %jit3A_523 = arith.constant 49999 : i32
        %max3A_524 = vector.broadcast %jit3A_522 : i32 to vector<16xi32>
        %max3A_525 = arith.maxsi %max3A_524, %sub3A_521 : vector<16xi32>
        %min3A_526 = vector.broadcast %jit3A_523 : i32 to vector<16xi32>
        %min3A_527 = arith.minsi %min3A_526, %max3A_525 : vector<16xi32>
        %gather3A = tpu.vector_load_idx %arg4[%min3A_527] masked %lt3A_518 : memref<50000xf32, #tpu.memory_space<vmem>>[vector<16xi32>], vector<16xf32>, vector<16xi1>
        %jit3A_528 = arith.constant 0xFF800000 : f32
        %broadcast_in_dim3A_529 = vector.broadcast %jit3A_528 : f32 to vector<16xf32>
        %select_n3A_530 = arith.select %lt3A_518, %gather3A, %broadcast_in_dim3A_529 : vector<16xi1>, vector<16xf32>
        %swap3A_531 = arith.index_cast %add3A_512 : i32 to index
        %swap3A_532 = tpu.vector_load %arg7[%swap3A_531] {strides = array<i32>} : memref<2064xf32, #tpu.memory_space<vmem>>, vector<16xf32>,
        tpu.vector_store %arg7[%swap3A_531], %select_n3A_530 {strides = array<i32>} : memref<2064xf32, #tpu.memory_space<vmem>>, vector<16xf32>,
        %while3A_533 = arith.constant 0 : i32
        scf.yield %while3A_533 : i32
      }
      %while3A_250 = arith.constant 1 : i32
      %while3A_251 = scf.for %while3A_508 = %while3A_247 to %while3A_243 step %while3A_250 iter_args(%while3A_509 = %while3A_249) -> (i32)  : i32 {
        %mul3A_510 = arith.constant 16 : i32
        %mul3A_511 = arith.muli %while3A_508, %mul3A_510 : i32
        %add3A_512 = arith.addi %while3A_239, %mul3A_511 : i32
        %get3A_513 = arith.index_cast %add3A_512 : i32 to index
        %get3A_514 = tpu.vector_load %arg6[%get3A_513] {strides = array<i32>} : memref<2064xi32, #tpu.memory_space<vmem>>, vector<16xi32>,
        %add3A_515 = vector.broadcast %add3A_512 : i32 to vector<16xi32>
        %add3A_516 = arith.addi %add3A_515, %iota3A : vector<16xi32>
        %lt3A_517 = vector.broadcast %while3A_217 : i32 to vector<16xi32>
        %lt3A_518 = arith.cmpi slt, %add3A_516, %lt3A_517 : vector<16xi32>
        %sub3A_519 = arith.constant 0 : i32
        %sub3A_520 = vector.broadcast %sub3A_519 : i32 to vector<16xi32>
        %sub3A_521 = arith.subi %get3A_514, %sub3A_520 : vector<16xi32>
        %jit3A_522 = arith.constant 0 : i32
        %jit3A_523 = arith.constant 49999 : i32
        %max3A_524 = vector.broadcast %jit3A_522 : i32 to vector<16xi32>
        %max3A_525 = arith.maxsi %max3A_524, %sub3A_521 : vector<16xi32>
        %min3A_526 = vector.broadcast %jit3A_523 : i32 to vector<16xi32>
        %min3A_527 = arith.minsi %min3A_526, %max3A_525 : vector<16xi32>
        %gather3A = tpu.vector_load_idx %arg4[%min3A_527] masked %lt3A_518 : memref<50000xf32, #tpu.memory_space<vmem>>[vector<16xi32>], vector<16xf32>, vector<16xi1>
        %jit3A_528 = arith.constant 0xFF800000 : f32
        %broadcast_in_dim3A_529 = vector.broadcast %jit3A_528 : f32 to vector<16xf32>
        %select_n3A_530 = arith.select %lt3A_518, %gather3A, %broadcast_in_dim3A_529 : vector<16xi1>, vector<16xf32>
        %swap3A_531 = arith.index_cast %add3A_512 : i32 to index
        %swap3A_532 = tpu.vector_load %arg7[%swap3A_531] {strides = array<i32>} : memref<2064xf32, #tpu.memory_space<vmem>>, vector<16xf32>,
        tpu.vector_store %arg7[%swap3A_531], %select_n3A_530 {strides = array<i32>} : memref<2064xf32, #tpu.memory_space<vmem>>, vector<16xf32>,
        %while3A_533 = arith.constant 0 : i32
        scf.yield %while3A_533 : i32
      }
      %add3A_252 = arith.constant 15 : i32
      %add3A_253 = arith.addi %while3A_217, %add3A_252 : i32
      %jit3A_254 = arith.constant 16 : i32
      %div3A_255 = arith.divsi %add3A_253, %jit3A_254 : i32
      %sign3A_256 = arith.constant 0 : i32
      %sign3A_257 = arith.cmpi sgt, %add3A_253, %sign3A_256 : i32
      %sign3A_258 = arith.extui %sign3A_257 : i1 to i32
      %sign3A_259 = arith.constant 0 : i32
      %sign3A_260 = arith.cmpi slt, %add3A_253, %sign3A_259 : i32
      %sign3A_261 = arith.extui %sign3A_260 : i1 to i32
      %sign3A_262 = arith.subi %sign3A_258, %sign3A_261 : i32
      %sign3A_263 = arith.constant 0 : i32
      %sign3A_264 = arith.cmpi sgt, %jit3A_254, %sign3A_263 : i32
      %sign3A_265 = arith.extui %sign3A_264 : i1 to i32
      %sign3A_266 = arith.constant 0 : i32
      %sign3A_267 = arith.cmpi slt, %jit3A_254, %sign3A_266 : i32
      %sign3A_268 = arith.extui %sign3A_267 : i1 to i32
      %sign3A_269 = arith.subi %sign3A_265, %sign3A_268 : i32
      %ne3A_270 = arith.cmpi ne, %sign3A_262, %sign3A_269 : i32
      %rem3A_271 = arith.remsi %add3A_253, %jit3A_254 : i32
      %ne3A_272 = arith.constant 0 : i32
      %ne3A_273 = arith.cmpi ne, %rem3A_271, %ne3A_272 : i32
      %and3A_274 = arith.andi %ne3A_270, %ne3A_273 : i1
      %sub3A_275 = arith.constant 1 : i32
      %sub3A_276 = arith.subi %div3A_255, %sub3A_275 : i32
      %select_n3A_277 = arith.select %and3A_274, %sub3A_276, %div3A_255 : i32
      %mul3A_278 = arith.constant 16 : i32
      %mul3A_279 = arith.muli %select_n3A_277, %mul3A_278 : i32
      %add3A_280 = arith.constant 1 : i32
      %add3A_281 = arith.addi %scan3A_12, %add3A_280 : i32
      %lt3A = arith.constant 32 : i32
      %lt3A_282 = arith.cmpi slt, %add3A_281, %lt3A : i32
      %convert_element_type3A = arith.extui %lt3A_282 : i1 to i32
      %cond3A = arith.constant 0 : i32
      %cond3A_283 = arith.cmpi ne, %convert_element_type3A, %cond3A : i32
      scf.if %cond3A_283 {
        %add3A_508 = arith.constant 1 : i32
        %add3A_509 = arith.addi %add3A_14, %add3A_508 : i32
        %mul3A_510 = arith.constant 100000 : i32
        %mul3A_511 = arith.muli %add3A_509, %mul3A_510 : i32
        %dma_start3A_512 = tpu.memref_slice %arg2[%mul3A_511] : memref<102400000xf32, #tpu.memory_space<hbm>> -> memref<50000xf32, #tpu.memory_space<hbm>>
        %dma_start3A_513 = tpu.memref_slice %arg2[%mul3A_511] : memref<102400000xf32, #tpu.memory_space<hbm>> -> memref<50000xf32, #tpu.memory_space<hbm>>
        tpu.enqueue_dma source(%dma_start3A_513 : memref<50000xf32, #tpu.memory_space<hbm>>) target(%arg4 : memref<50000xf32, #tpu.memory_space<vmem>>) target_semaphore(%arg10 : memref<!tpu.dma_semaphore, #tpu.memory_space<semaphore_mem>>)
      } else {
      }
      %broadcast_in_dim3A_284 = arith.constant 0 : i32
      %broadcast_in_dim3A_285 = vector.broadcast %broadcast_in_dim3A_284 : i32 to vector<16xi32>
      %scan3A_286 = arith.constant 0 : i32
      %scan3A_287 = arith.constant 0 : i32
      %scan3A_288 = arith.constant 195 : i32
      %scan3A_289 = arith.addi %scan3A_287, %scan3A_288 : i32
      %scan3A_290 = arith.constant 1 : i32
      %scan3A_291 = scf.for %scan3A_508 = %scan3A_287 to %scan3A_289 step %scan3A_290 iter_args(%scan3A_509 = %scan3A_286) -> (i32)  : i32 {
        %mul3A_510 = arith.constant 16 : i32
        %mul3A_511 = arith.muli %scan3A_508, %mul3A_510 : i32
        %add3A_512 = arith.constant 0 : i32
        %add3A_513 = arith.addi %mul3A_511, %add3A_512 : i32
        %mul3A_514 = arith.constant 16 : i32
        %mul3A_515 = arith.muli %add3A_513, %mul3A_514 : i32
        %get3A_516 = arith.index_cast %mul3A_515 : i32 to index
        %get3A_517 = tpu.vector_load %arg5[%get3A_516] {strides = array<i32>} : memref<50000xf32, #tpu.memory_space<vmem>>, vector<16xf32>,
        %ge3A_518 = vector.broadcast %min3A : f32 to vector<16xf32>
        %ge3A_519 = arith.cmpf oge, %get3A_517, %ge3A_518 : vector<16xf32>
        %all_reduce_population_count3A_520 = tpu.all_reduce %ge3A_519 {dim = 0 : i64, kind = #tpu.reduction_kind<sum>} : vector<16xi1> -> vector<16xi32>
        %eq3A_521 = arith.constant 0 : i32
        %eq3A_522 = vector.broadcast %eq3A_521 : i32 to vector<16xi32>
        %eq3A_523 = arith.cmpi eq, %iota3A, %eq3A_522 : vector<16xi32>
        %select_n3A_524 = arith.select %eq3A_523, %all_reduce_population_count3A_520, %broadcast_in_dim3A_285 : vector<16xi1>, vector<16xi32>
        %mul3A_525 = arith.constant 16 : i32
        %mul3A_526 = arith.muli %scan3A_508, %mul3A_525 : i32
        %add3A_527 = arith.constant 1 : i32
        %add3A_528 = arith.addi %mul3A_526, %add3A_527 : i32
        %mul3A_529 = arith.constant 16 : i32
        %mul3A_530 = arith.muli %add3A_528, %mul3A_529 : i32
        %get3A_531 = arith.index_cast %mul3A_530 : i32 to index
        %get3A_532 = tpu.vector_load %arg5[%get3A_531] {strides = array<i32>} : memref<50000xf32, #tpu.memory_space<vmem>>, vector<16xf32>,
        %ge3A_533 = vector.broadcast %min3A : f32 to vector<16xf32>
        %ge3A_534 = arith.cmpf oge, %get3A_532, %ge3A_533 : vector<16xf32>
        %all_reduce_population_count3A_535 = tpu.all_reduce %ge3A_534 {dim = 0 : i64, kind = #tpu.reduction_kind<sum>} : vector<16xi1> -> vector<16xi32>
        %eq3A_536 = arith.constant 1 : i32
        %eq3A_537 = vector.broadcast %eq3A_536 : i32 to vector<16xi32>
        %eq3A_538 = arith.cmpi eq, %iota3A, %eq3A_537 : vector<16xi32>
        %select_n3A_539 = arith.select %eq3A_538, %all_reduce_population_count3A_535, %select_n3A_524 : vector<16xi1>, vector<16xi32>
        %mul3A_540 = arith.constant 16 : i32
        %mul3A_541 = arith.muli %scan3A_508, %mul3A_540 : i32
        %add3A_542 = arith.constant 2 : i32
        %add3A_543 = arith.addi %mul3A_541, %add3A_542 : i32
        %mul3A_544 = arith.constant 16 : i32
        %mul3A_545 = arith.muli %add3A_543, %mul3A_544 : i32
        %get3A_546 = arith.index_cast %mul3A_545 : i32 to index
        %get3A_547 = tpu.vector_load %arg5[%get3A_546] {strides = array<i32>} : memref<50000xf32, #tpu.memory_space<vmem>>, vector<16xf32>,
        %ge3A_548 = vector.broadcast %min3A : f32 to vector<16xf32>
        %ge3A_549 = arith.cmpf oge, %get3A_547, %ge3A_548 : vector<16xf32>
        %all_reduce_population_count3A_550 = tpu.all_reduce %ge3A_549 {dim = 0 : i64, kind = #tpu.reduction_kind<sum>} : vector<16xi1> -> vector<16xi32>
        %eq3A_551 = arith.constant 2 : i32
        %eq3A_552 = vector.broadcast %eq3A_551 : i32 to vector<16xi32>
        %eq3A_553 = arith.cmpi eq, %iota3A, %eq3A_552 : vector<16xi32>
        %select_n3A_554 = arith.select %eq3A_553, %all_reduce_population_count3A_550, %select_n3A_539 : vector<16xi1>, vector<16xi32>
        %mul3A_555 = arith.constant 16 : i32
        %mul3A_556 = arith.muli %scan3A_508, %mul3A_555 : i32
        %add3A_557 = arith.constant 3 : i32
        %add3A_558 = arith.addi %mul3A_556, %add3A_557 : i32
        %mul3A_559 = arith.constant 16 : i32
        %mul3A_560 = arith.muli %add3A_558, %mul3A_559 : i32
        %get3A_561 = arith.index_cast %mul3A_560 : i32 to index
        %get3A_562 = tpu.vector_load %arg5[%get3A_561] {strides = array<i32>} : memref<50000xf32, #tpu.memory_space<vmem>>, vector<16xf32>,
        %ge3A_563 = vector.broadcast %min3A : f32 to vector<16xf32>
        %ge3A_564 = arith.cmpf oge, %get3A_562, %ge3A_563 : vector<16xf32>
        %all_reduce_population_count3A_565 = tpu.all_reduce %ge3A_564 {dim = 0 : i64, kind = #tpu.reduction_kind<sum>} : vector<16xi1> -> vector<16xi32>
        %eq3A_566 = arith.constant 3 : i32
        %eq3A_567 = vector.broadcast %eq3A_566 : i32 to vector<16xi32>
        %eq3A_568 = arith.cmpi eq, %iota3A, %eq3A_567 : vector<16xi32>
        %select_n3A_569 = arith.select %eq3A_568, %all_reduce_population_count3A_565, %select_n3A_554 : vector<16xi1>, vector<16xi32>
        %mul3A_570 = arith.constant 16 : i32
        %mul3A_571 = arith.muli %scan3A_508, %mul3A_570 : i32
        %add3A_572 = arith.constant 4 : i32
        %add3A_573 = arith.addi %mul3A_571, %add3A_572 : i32
        %mul3A_574 = arith.constant 16 : i32
        %mul3A_575 = arith.muli %add3A_573, %mul3A_574 : i32
        %get3A_576 = arith.index_cast %mul3A_575 : i32 to index
        %get3A_577 = tpu.vector_load %arg5[%get3A_576] {strides = array<i32>} : memref<50000xf32, #tpu.memory_space<vmem>>, vector<16xf32>,
        %ge3A_578 = vector.broadcast %min3A : f32 to vector<16xf32>
        %ge3A_579 = arith.cmpf oge, %get3A_577, %ge3A_578 : vector<16xf32>
        %all_reduce_population_count3A_580 = tpu.all_reduce %ge3A_579 {dim = 0 : i64, kind = #tpu.reduction_kind<sum>} : vector<16xi1> -> vector<16xi32>
        %eq3A_581 = arith.constant 4 : i32
        %eq3A_582 = vector.broadcast %eq3A_581 : i32 to vector<16xi32>
        %eq3A_583 = arith.cmpi eq, %iota3A, %eq3A_582 : vector<16xi32>
        %select_n3A_584 = arith.select %eq3A_583, %all_reduce_population_count3A_580, %select_n3A_569 : vector<16xi1>, vector<16xi32>
        %mul3A_585 = arith.constant 16 : i32
        %mul3A_586 = arith.muli %scan3A_508, %mul3A_585 : i32
        %add3A_587 = arith.constant 5 : i32
        %add3A_588 = arith.addi %mul3A_586, %add3A_587 : i32
        %mul3A_589 = arith.constant 16 : i32
        %mul3A_590 = arith.muli %add3A_588, %mul3A_589 : i32
        %get3A_591 = arith.index_cast %mul3A_590 : i32 to index
        %get3A_592 = tpu.vector_load %arg5[%get3A_591] {strides = array<i32>} : memref<50000xf32, #tpu.memory_space<vmem>>, vector<16xf32>,
        %ge3A_593 = vector.broadcast %min3A : f32 to vector<16xf32>
        %ge3A_594 = arith.cmpf oge, %get3A_592, %ge3A_593 : vector<16xf32>
        %all_reduce_population_count3A_595 = tpu.all_reduce %ge3A_594 {dim = 0 : i64, kind = #tpu.reduction_kind<sum>} : vector<16xi1> -> vector<16xi32>
        %eq3A_596 = arith.constant 5 : i32
        %eq3A_597 = vector.broadcast %eq3A_596 : i32 to vector<16xi32>
        %eq3A_598 = arith.cmpi eq, %iota3A, %eq3A_597 : vector<16xi32>
        %select_n3A_599 = arith.select %eq3A_598, %all_reduce_population_count3A_595, %select_n3A_584 : vector<16xi1>, vector<16xi32>
        %mul3A_600 = arith.constant 16 : i32
        %mul3A_601 = arith.muli %scan3A_508, %mul3A_600 : i32
        %add3A_602 = arith.constant 6 : i32
        %add3A_603 = arith.addi %mul3A_601, %add3A_602 : i32
        %mul3A_604 = arith.constant 16 : i32
        %mul3A_605 = arith.muli %add3A_603, %mul3A_604 : i32
        %get3A_606 = arith.index_cast %mul3A_605 : i32 to index
        %get3A_607 = tpu.vector_load %arg5[%get3A_606] {strides = array<i32>} : memref<50000xf32, #tpu.memory_space<vmem>>, vector<16xf32>,
        %ge3A_608 = vector.broadcast %min3A : f32 to vector<16xf32>
        %ge3A_609 = arith.cmpf oge, %get3A_607, %ge3A_608 : vector<16xf32>
        %all_reduce_population_count3A_610 = tpu.all_reduce %ge3A_609 {dim = 0 : i64, kind = #tpu.reduction_kind<sum>} : vector<16xi1> -> vector<16xi32>
        %eq3A_611 = arith.constant 6 : i32
        %eq3A_612 = vector.broadcast %eq3A_611 : i32 to vector<16xi32>
        %eq3A_613 = arith.cmpi eq, %iota3A, %eq3A_612 : vector<16xi32>
        %select_n3A_614 = arith.select %eq3A_613, %all_reduce_population_count3A_610, %select_n3A_599 : vector<16xi1>, vector<16xi32>
        %mul3A_615 = arith.constant 16 : i32
        %mul3A_616 = arith.muli %scan3A_508, %mul3A_615 : i32
        %add3A_617 = arith.constant 7 : i32
        %add3A_618 = arith.addi %mul3A_616, %add3A_617 : i32
        %mul3A_619 = arith.constant 16 : i32
        %mul3A_620 = arith.muli %add3A_618, %mul3A_619 : i32
        %get3A_621 = arith.index_cast %mul3A_620 : i32 to index
        %get3A_622 = tpu.vector_load %arg5[%get3A_621] {strides = array<i32>} : memref<50000xf32, #tpu.memory_space<vmem>>, vector<16xf32>,
        %ge3A_623 = vector.broadcast %min3A : f32 to vector<16xf32>
        %ge3A_624 = arith.cmpf oge, %get3A_622, %ge3A_623 : vector<16xf32>
        %all_reduce_population_count3A_625 = tpu.all_reduce %ge3A_624 {dim = 0 : i64, kind = #tpu.reduction_kind<sum>} : vector<16xi1> -> vector<16xi32>
        %eq3A_626 = arith.constant 7 : i32
        %eq3A_627 = vector.broadcast %eq3A_626 : i32 to vector<16xi32>
        %eq3A_628 = arith.cmpi eq, %iota3A, %eq3A_627 : vector<16xi32>
        %select_n3A_629 = arith.select %eq3A_628, %all_reduce_population_count3A_625, %select_n3A_614 : vector<16xi1>, vector<16xi32>
        %mul3A_630 = arith.constant 16 : i32
        %mul3A_631 = arith.muli %scan3A_508, %mul3A_630 : i32
        %add3A_632 = arith.constant 8 : i32
        %add3A_633 = arith.addi %mul3A_631, %add3A_632 : i32
        %mul3A_634 = arith.constant 16 : i32
        %mul3A_635 = arith.muli %add3A_633, %mul3A_634 : i32
        %get3A_636 = arith.index_cast %mul3A_635 : i32 to index
        %get3A_637 = tpu.vector_load %arg5[%get3A_636] {strides = array<i32>} : memref<50000xf32, #tpu.memory_space<vmem>>, vector<16xf32>,
        %ge3A_638 = vector.broadcast %min3A : f32 to vector<16xf32>
        %ge3A_639 = arith.cmpf oge, %get3A_637, %ge3A_638 : vector<16xf32>
        %all_reduce_population_count3A_640 = tpu.all_reduce %ge3A_639 {dim = 0 : i64, kind = #tpu.reduction_kind<sum>} : vector<16xi1> -> vector<16xi32>
        %eq3A_641 = arith.constant 8 : i32
        %eq3A_642 = vector.broadcast %eq3A_641 : i32 to vector<16xi32>
        %eq3A_643 = arith.cmpi eq, %iota3A, %eq3A_642 : vector<16xi32>
        %select_n3A_644 = arith.select %eq3A_643, %all_reduce_population_count3A_640, %select_n3A_629 : vector<16xi1>, vector<16xi32>
        %mul3A_645 = arith.constant 16 : i32
        %mul3A_646 = arith.muli %scan3A_508, %mul3A_645 : i32
        %add3A_647 = arith.constant 9 : i32
        %add3A_648 = arith.addi %mul3A_646, %add3A_647 : i32
        %mul3A_649 = arith.constant 16 : i32
        %mul3A_650 = arith.muli %add3A_648, %mul3A_649 : i32
        %get3A_651 = arith.index_cast %mul3A_650 : i32 to index
        %get3A_652 = tpu.vector_load %arg5[%get3A_651] {strides = array<i32>} : memref<50000xf32, #tpu.memory_space<vmem>>, vector<16xf32>,
        %ge3A_653 = vector.broadcast %min3A : f32 to vector<16xf32>
        %ge3A_654 = arith.cmpf oge, %get3A_652, %ge3A_653 : vector<16xf32>
        %all_reduce_population_count3A_655 = tpu.all_reduce %ge3A_654 {dim = 0 : i64, kind = #tpu.reduction_kind<sum>} : vector<16xi1> -> vector<16xi32>
        %eq3A_656 = arith.constant 9 : i32
        %eq3A_657 = vector.broadcast %eq3A_656 : i32 to vector<16xi32>
        %eq3A_658 = arith.cmpi eq, %iota3A, %eq3A_657 : vector<16xi32>
        %select_n3A_659 = arith.select %eq3A_658, %all_reduce_population_count3A_655, %select_n3A_644 : vector<16xi1>, vector<16xi32>
        %mul3A_660 = arith.constant 16 : i32
        %mul3A_661 = arith.muli %scan3A_508, %mul3A_660 : i32
        %add3A_662 = arith.constant 10 : i32
        %add3A_663 = arith.addi %mul3A_661, %add3A_662 : i32
        %mul3A_664 = arith.constant 16 : i32
        %mul3A_665 = arith.muli %add3A_663, %mul3A_664 : i32
        %get3A_666 = arith.index_cast %mul3A_665 : i32 to index
        %get3A_667 = tpu.vector_load %arg5[%get3A_666] {strides = array<i32>} : memref<50000xf32, #tpu.memory_space<vmem>>, vector<16xf32>,
        %ge3A_668 = vector.broadcast %min3A : f32 to vector<16xf32>
        %ge3A_669 = arith.cmpf oge, %get3A_667, %ge3A_668 : vector<16xf32>
        %all_reduce_population_count3A_670 = tpu.all_reduce %ge3A_669 {dim = 0 : i64, kind = #tpu.reduction_kind<sum>} : vector<16xi1> -> vector<16xi32>
        %eq3A_671 = arith.constant 10 : i32
        %eq3A_672 = vector.broadcast %eq3A_671 : i32 to vector<16xi32>
        %eq3A_673 = arith.cmpi eq, %iota3A, %eq3A_672 : vector<16xi32>
        %select_n3A_674 = arith.select %eq3A_673, %all_reduce_population_count3A_670, %select_n3A_659 : vector<16xi1>, vector<16xi32>
        %mul3A_675 = arith.constant 16 : i32
        %mul3A_676 = arith.muli %scan3A_508, %mul3A_675 : i32
        %add3A_677 = arith.constant 11 : i32
        %add3A_678 = arith.addi %mul3A_676, %add3A_677 : i32
        %mul3A_679 = arith.constant 16 : i32
        %mul3A_680 = arith.muli %add3A_678, %mul3A_679 : i32
        %get3A_681 = arith.index_cast %mul3A_680 : i32 to index
        %get3A_682 = tpu.vector_load %arg5[%get3A_681] {strides = array<i32>} : memref<50000xf32, #tpu.memory_space<vmem>>, vector<16xf32>,
        %ge3A_683 = vector.broadcast %min3A : f32 to vector<16xf32>
        %ge3A_684 = arith.cmpf oge, %get3A_682, %ge3A_683 : vector<16xf32>
        %all_reduce_population_count3A_685 = tpu.all_reduce %ge3A_684 {dim = 0 : i64, kind = #tpu.reduction_kind<sum>} : vector<16xi1> -> vector<16xi32>
        %eq3A_686 = arith.constant 11 : i32
        %eq3A_687 = vector.broadcast %eq3A_686 : i32 to vector<16xi32>
        %eq3A_688 = arith.cmpi eq, %iota3A, %eq3A_687 : vector<16xi32>
        %select_n3A_689 = arith.select %eq3A_688, %all_reduce_population_count3A_685, %select_n3A_674 : vector<16xi1>, vector<16xi32>
        %mul3A_690 = arith.constant 16 : i32
        %mul3A_691 = arith.muli %scan3A_508, %mul3A_690 : i32
        %add3A_692 = arith.constant 12 : i32
        %add3A_693 = arith.addi %mul3A_691, %add3A_692 : i32
        %mul3A_694 = arith.constant 16 : i32
        %mul3A_695 = arith.muli %add3A_693, %mul3A_694 : i32
        %get3A_696 = arith.index_cast %mul3A_695 : i32 to index
        %get3A_697 = tpu.vector_load %arg5[%get3A_696] {strides = array<i32>} : memref<50000xf32, #tpu.memory_space<vmem>>, vector<16xf32>,
        %ge3A_698 = vector.broadcast %min3A : f32 to vector<16xf32>
        %ge3A_699 = arith.cmpf oge, %get3A_697, %ge3A_698 : vector<16xf32>
        %all_reduce_population_count3A_700 = tpu.all_reduce %ge3A_699 {dim = 0 : i64, kind = #tpu.reduction_kind<sum>} : vector<16xi1> -> vector<16xi32>
        %eq3A_701 = arith.constant 12 : i32
        %eq3A_702 = vector.broadcast %eq3A_701 : i32 to vector<16xi32>
        %eq3A_703 = arith.cmpi eq, %iota3A, %eq3A_702 : vector<16xi32>
        %select_n3A_704 = arith.select %eq3A_703, %all_reduce_population_count3A_700, %select_n3A_689 : vector<16xi1>, vector<16xi32>
        %mul3A_705 = arith.constant 16 : i32
        %mul3A_706 = arith.muli %scan3A_508, %mul3A_705 : i32
        %add3A_707 = arith.constant 13 : i32
        %add3A_708 = arith.addi %mul3A_706, %add3A_707 : i32
        %mul3A_709 = arith.constant 16 : i32
        %mul3A_710 = arith.muli %add3A_708, %mul3A_709 : i32
        %get3A_711 = arith.index_cast %mul3A_710 : i32 to index
        %get3A_712 = tpu.vector_load %arg5[%get3A_711] {strides = array<i32>} : memref<50000xf32, #tpu.memory_space<vmem>>, vector<16xf32>,
        %ge3A_713 = vector.broadcast %min3A : f32 to vector<16xf32>
        %ge3A_714 = arith.cmpf oge, %get3A_712, %ge3A_713 : vector<16xf32>
        %all_reduce_population_count3A_715 = tpu.all_reduce %ge3A_714 {dim = 0 : i64, kind = #tpu.reduction_kind<sum>} : vector<16xi1> -> vector<16xi32>
        %eq3A_716 = arith.constant 13 : i32
        %eq3A_717 = vector.broadcast %eq3A_716 : i32 to vector<16xi32>
        %eq3A_718 = arith.cmpi eq, %iota3A, %eq3A_717 : vector<16xi32>
        %select_n3A_719 = arith.select %eq3A_718, %all_reduce_population_count3A_715, %select_n3A_704 : vector<16xi1>, vector<16xi32>
        %mul3A_720 = arith.constant 16 : i32
        %mul3A_721 = arith.muli %scan3A_508, %mul3A_720 : i32
        %add3A_722 = arith.constant 14 : i32
        %add3A_723 = arith.addi %mul3A_721, %add3A_722 : i32
        %mul3A_724 = arith.constant 16 : i32
        %mul3A_725 = arith.muli %add3A_723, %mul3A_724 : i32
        %get3A_726 = arith.index_cast %mul3A_725 : i32 to index
        %get3A_727 = tpu.vector_load %arg5[%get3A_726] {strides = array<i32>} : memref<50000xf32, #tpu.memory_space<vmem>>, vector<16xf32>,
        %ge3A_728 = vector.broadcast %min3A : f32 to vector<16xf32>
        %ge3A_729 = arith.cmpf oge, %get3A_727, %ge3A_728 : vector<16xf32>
        %all_reduce_population_count3A_730 = tpu.all_reduce %ge3A_729 {dim = 0 : i64, kind = #tpu.reduction_kind<sum>} : vector<16xi1> -> vector<16xi32>
        %eq3A_731 = arith.constant 14 : i32
        %eq3A_732 = vector.broadcast %eq3A_731 : i32 to vector<16xi32>
        %eq3A_733 = arith.cmpi eq, %iota3A, %eq3A_732 : vector<16xi32>
        %select_n3A_734 = arith.select %eq3A_733, %all_reduce_population_count3A_730, %select_n3A_719 : vector<16xi1>, vector<16xi32>
        %mul3A_735 = arith.constant 16 : i32
        %mul3A_736 = arith.muli %scan3A_508, %mul3A_735 : i32
        %add3A_737 = arith.constant 15 : i32
        %add3A_738 = arith.addi %mul3A_736, %add3A_737 : i32
        %mul3A_739 = arith.constant 16 : i32
        %mul3A_740 = arith.muli %add3A_738, %mul3A_739 : i32
        %get3A_741 = arith.index_cast %mul3A_740 : i32 to index
        %get3A_742 = tpu.vector_load %arg5[%get3A_741] {strides = array<i32>} : memref<50000xf32, #tpu.memory_space<vmem>>, vector<16xf32>,
        %ge3A_743 = vector.broadcast %min3A : f32 to vector<16xf32>
        %ge3A_744 = arith.cmpf oge, %get3A_742, %ge3A_743 : vector<16xf32>
        %all_reduce_population_count3A_745 = tpu.all_reduce %ge3A_744 {dim = 0 : i64, kind = #tpu.reduction_kind<sum>} : vector<16xi1> -> vector<16xi32>
        %eq3A_746 = arith.constant 15 : i32
        %eq3A_747 = vector.broadcast %eq3A_746 : i32 to vector<16xi32>
        %eq3A_748 = arith.cmpi eq, %iota3A, %eq3A_747 : vector<16xi32>
        %select_n3A_749 = arith.select %eq3A_748, %all_reduce_population_count3A_745, %select_n3A_734 : vector<16xi1>, vector<16xi32>
        %gt3A_750 = arith.constant 0 : i32
        %gt3A_751 = vector.broadcast %gt3A_750 : i32 to vector<16xi32>
        %gt3A_752 = arith.cmpi sgt, %select_n3A_749, %gt3A_751 : vector<16xi32>
        %min3A_753 = arith.constant 512 : i32
        %min3A_754 = arith.minsi %scan3A_509, %min3A_753 : i32
        %mul3A_755 = arith.constant 16 : i32
        %mul3A_756 = arith.muli %scan3A_508, %mul3A_755 : i32
        %add3A_757 = vector.broadcast %mul3A_756 : i32 to vector<16xi32>
        %add3A_758 = arith.addi %add3A_757, %iota3A : vector<16xi32>
        %swap3A_759 = arith.index_cast %min3A_754 : i32 to index
        %swap3A_760 = tpu.vector_load %arg8[%swap3A_759] masked %gt3A_752 {strides = array<i32>} : memref<560xi32, #tpu.memory_space<vmem>>, vector<16xi32>, vector<16xi1>
        tpu.vector_store %arg8[%swap3A_759], %add3A_758 masked %gt3A_752 {strides = array<i32>} : memref<560xi32, #tpu.memory_space<vmem>>, vector<16xi32>, vector<16xi1>
        %all_reduce_population_count3A_761 = tpu.all_reduce %gt3A_752 {dim = 0 : i64, kind = #tpu.reduction_kind<sum>} : vector<16xi1> -> vector<16xi32>
        %slice3A_762 = vector.extract_strided_slice %all_reduce_population_count3A_761 {offsets = [0], sizes = [1], strides = [1]} : vector<16xi32> to vector<1xi32>
        %squeeze3A_763 = vector.extract %slice3A_762[0] : i32 from vector<1xi32>
        %add3A_764 = arith.addi %scan3A_509, %squeeze3A_763 : i32
        scf.yield %add3A_764 : i32
      }
      %scan3A_292 = arith.constant 195 : i32
      %mul3A_293 = arith.constant 195 : i32
      %mul3A_294 = arith.constant 16 : i32
      %mul3A_295 = arith.muli %mul3A_293, %mul3A_294 : i32
      %add3A_296 = arith.constant 0 : i32
      %add3A_297 = arith.addi %mul3A_295, %add3A_296 : i32
      %mul3A_298 = arith.constant 16 : i32
      %mul3A_299 = arith.muli %add3A_297, %mul3A_298 : i32
      %get3A_300 = arith.index_cast %mul3A_299 : i32 to index
      %get3A_301 = tpu.vector_load %arg5[%get3A_300] {strides = array<i32>} : memref<50000xf32, #tpu.memory_space<vmem>>, vector<16xf32>,
      %ge3A_302 = vector.broadcast %min3A : f32 to vector<16xf32>
      %ge3A_303 = arith.cmpf oge, %get3A_301, %ge3A_302 : vector<16xf32>
      %all_reduce_population_count3A_304 = tpu.all_reduce %ge3A_303 {dim = 0 : i64, kind = #tpu.reduction_kind<sum>} : vector<16xi1> -> vector<16xi32>
      %eq3A_305 = arith.constant 0 : i32
      %eq3A_306 = vector.broadcast %eq3A_305 : i32 to vector<16xi32>
      %eq3A_307 = arith.cmpi eq, %iota3A, %eq3A_306 : vector<16xi32>
      %select_n3A_308 = arith.select %eq3A_307, %all_reduce_population_count3A_304, %broadcast_in_dim3A_285 : vector<16xi1>, vector<16xi32>
      %mul3A_309 = arith.constant 195 : i32
      %mul3A_310 = arith.constant 16 : i32
      %mul3A_311 = arith.muli %mul3A_309, %mul3A_310 : i32
      %add3A_312 = arith.constant 1 : i32
      %add3A_313 = arith.addi %mul3A_311, %add3A_312 : i32
      %mul3A_314 = arith.constant 16 : i32
      %mul3A_315 = arith.muli %add3A_313, %mul3A_314 : i32
      %get3A_316 = arith.index_cast %mul3A_315 : i32 to index
      %get3A_317 = tpu.vector_load %arg5[%get3A_316] {strides = array<i32>} : memref<50000xf32, #tpu.memory_space<vmem>>, vector<16xf32>,
      %ge3A_318 = vector.broadcast %min3A : f32 to vector<16xf32>
      %ge3A_319 = arith.cmpf oge, %get3A_317, %ge3A_318 : vector<16xf32>
      %all_reduce_population_count3A_320 = tpu.all_reduce %ge3A_319 {dim = 0 : i64, kind = #tpu.reduction_kind<sum>} : vector<16xi1> -> vector<16xi32>
      %eq3A_321 = arith.constant 1 : i32
      %eq3A_322 = vector.broadcast %eq3A_321 : i32 to vector<16xi32>
      %eq3A_323 = arith.cmpi eq, %iota3A, %eq3A_322 : vector<16xi32>
      %select_n3A_324 = arith.select %eq3A_323, %all_reduce_population_count3A_320, %select_n3A_308 : vector<16xi1>, vector<16xi32>
      %mul3A_325 = arith.constant 195 : i32
      %mul3A_326 = arith.constant 16 : i32
      %mul3A_327 = arith.muli %mul3A_325, %mul3A_326 : i32
      %add3A_328 = arith.constant 2 : i32
      %add3A_329 = arith.addi %mul3A_327, %add3A_328 : i32
      %mul3A_330 = arith.constant 16 : i32
      %mul3A_331 = arith.muli %add3A_329, %mul3A_330 : i32
      %get3A_332 = arith.index_cast %mul3A_331 : i32 to index
      %get3A_333 = tpu.vector_load %arg5[%get3A_332] {strides = array<i32>} : memref<50000xf32, #tpu.memory_space<vmem>>, vector<16xf32>,
      %ge3A_334 = vector.broadcast %min3A : f32 to vector<16xf32>
      %ge3A_335 = arith.cmpf oge, %get3A_333, %ge3A_334 : vector<16xf32>
      %all_reduce_population_count3A_336 = tpu.all_reduce %ge3A_335 {dim = 0 : i64, kind = #tpu.reduction_kind<sum>} : vector<16xi1> -> vector<16xi32>
      %eq3A_337 = arith.constant 2 : i32
      %eq3A_338 = vector.broadcast %eq3A_337 : i32 to vector<16xi32>
      %eq3A_339 = arith.cmpi eq, %iota3A, %eq3A_338 : vector<16xi32>
      %select_n3A_340 = arith.select %eq3A_339, %all_reduce_population_count3A_336, %select_n3A_324 : vector<16xi1>, vector<16xi32>
      %mul3A_341 = arith.constant 195 : i32
      %mul3A_342 = arith.constant 16 : i32
      %mul3A_343 = arith.muli %mul3A_341, %mul3A_342 : i32
      %add3A_344 = arith.constant 3 : i32
      %add3A_345 = arith.addi %mul3A_343, %add3A_344 : i32
      %mul3A_346 = arith.constant 16 : i32
      %mul3A_347 = arith.muli %add3A_345, %mul3A_346 : i32
      %get3A_348 = arith.index_cast %mul3A_347 : i32 to index
      %get3A_349 = tpu.vector_load %arg5[%get3A_348] {strides = array<i32>} : memref<50000xf32, #tpu.memory_space<vmem>>, vector<16xf32>,
      %ge3A_350 = vector.broadcast %min3A : f32 to vector<16xf32>
      %ge3A_351 = arith.cmpf oge, %get3A_349, %ge3A_350 : vector<16xf32>
      %all_reduce_population_count3A_352 = tpu.all_reduce %ge3A_351 {dim = 0 : i64, kind = #tpu.reduction_kind<sum>} : vector<16xi1> -> vector<16xi32>
      %eq3A_353 = arith.constant 3 : i32
      %eq3A_354 = vector.broadcast %eq3A_353 : i32 to vector<16xi32>
      %eq3A_355 = arith.cmpi eq, %iota3A, %eq3A_354 : vector<16xi32>
      %select_n3A_356 = arith.select %eq3A_355, %all_reduce_population_count3A_352, %select_n3A_340 : vector<16xi1>, vector<16xi32>
      %mul3A_357 = arith.constant 195 : i32
      %mul3A_358 = arith.constant 16 : i32
      %mul3A_359 = arith.muli %mul3A_357, %mul3A_358 : i32
      %add3A_360 = arith.constant 4 : i32
      %add3A_361 = arith.addi %mul3A_359, %add3A_360 : i32
      %mul3A_362 = arith.constant 16 : i32
      %mul3A_363 = arith.muli %add3A_361, %mul3A_362 : i32
      %get3A_364 = arith.index_cast %mul3A_363 : i32 to index
      %get3A_365 = tpu.vector_load %arg5[%get3A_364] {strides = array<i32>} : memref<50000xf32, #tpu.memory_space<vmem>>, vector<16xf32>,
      %ge3A_366 = vector.broadcast %min3A : f32 to vector<16xf32>
      %ge3A_367 = arith.cmpf oge, %get3A_365, %ge3A_366 : vector<16xf32>
      %all_reduce_population_count3A_368 = tpu.all_reduce %ge3A_367 {dim = 0 : i64, kind = #tpu.reduction_kind<sum>} : vector<16xi1> -> vector<16xi32>
      %eq3A_369 = arith.constant 4 : i32
      %eq3A_370 = vector.broadcast %eq3A_369 : i32 to vector<16xi32>
      %eq3A_371 = arith.cmpi eq, %iota3A, %eq3A_370 : vector<16xi32>
      %select_n3A_372 = arith.select %eq3A_371, %all_reduce_population_count3A_368, %select_n3A_356 : vector<16xi1>, vector<16xi32>
      %gt3A_373 = arith.constant 0 : i32
      %gt3A_374 = vector.broadcast %gt3A_373 : i32 to vector<16xi32>
      %gt3A_375 = arith.cmpi sgt, %select_n3A_372, %gt3A_374 : vector<16xi32>
      %min3A_376 = arith.constant 512 : i32
      %min3A_377 = arith.minsi %scan3A_291, %min3A_376 : i32
      %mul3A_378 = arith.constant 195 : i32
      %mul3A_379 = arith.constant 16 : i32
      %mul3A_380 = arith.muli %mul3A_378, %mul3A_379 : i32
      %add3A_381 = vector.broadcast %mul3A_380 : i32 to vector<16xi32>
      %add3A_382 = arith.addi %add3A_381, %iota3A : vector<16xi32>
      %swap3A_383 = arith.index_cast %min3A_377 : i32 to index
      %swap3A_384 = tpu.vector_load %arg8[%swap3A_383] masked %gt3A_375 {strides = array<i32>} : memref<560xi32, #tpu.memory_space<vmem>>, vector<16xi32>, vector<16xi1>
      tpu.vector_store %arg8[%swap3A_383], %add3A_382 masked %gt3A_375 {strides = array<i32>} : memref<560xi32, #tpu.memory_space<vmem>>, vector<16xi32>, vector<16xi1>
      %all_reduce_population_count3A_385 = tpu.all_reduce %gt3A_375 {dim = 0 : i64, kind = #tpu.reduction_kind<sum>} : vector<16xi1> -> vector<16xi32>
      %slice3A_386 = vector.extract_strided_slice %all_reduce_population_count3A_385 {offsets = [0], sizes = [1], strides = [1]} : vector<16xi32> to vector<1xi32>
      %squeeze3A_387 = vector.extract %slice3A_386[0] : i32 from vector<1xi32>
      %add3A_388 = arith.addi %scan3A_291, %squeeze3A_387 : i32
      %while3A_389 = arith.constant 0 : i32
      %while3A_390 = arith.subi %add3A_388, %while3A_389 : i32
      %while3A_391 = arith.addi %while3A_389, %while3A_390 : i32
      %while3A_392 = arith.constant 1 : i32
      %while3A_393 = arith.divsi %while3A_390, %while3A_392 : i32
      %while3A_394 = arith.muli %while3A_393, %while3A_392 : i32
      %while3A_395 = arith.addi %while3A_389, %while3A_394 : i32
      %while3A_396 = arith.constant 1 : i32
      %while3A_397 = scf.for %while3A_508 = %while3A_389 to %while3A_395 step %while3A_396 iter_args(%while3A_509 = %mul3A_279) -> (i32)  : i32 {
        %get3A_510 = arith.index_cast %while3A_508 : i32 to index
        %get3A_511 = tpu.vector_load %arg8[%get3A_510] {strides = array<i32>} : memref<560xi32, #tpu.memory_space<vmem>>, vector<16xi32>,
        %slice3A_512 = vector.extract_strided_slice %get3A_511 {offsets = [0], sizes = [1], strides = [1]} : vector<16xi32> to vector<1xi32>
        %squeeze3A_513 = vector.extract %slice3A_512[0] : i32 from vector<1xi32>
        %mul3A_514 = arith.constant 16 : i32
        %mul3A_515 = arith.muli %squeeze3A_513, %mul3A_514 : i32
        %get3A_516 = arith.index_cast %mul3A_515 : i32 to index
        %get3A_517 = tpu.vector_load %arg5[%get3A_516] {strides = array<i32>} : memref<50000xf32, #tpu.memory_space<vmem>>, vector<16xf32>,
        %ge3A_518 = vector.broadcast %min3A : f32 to vector<16xf32>
        %ge3A_519 = arith.cmpf oge, %get3A_517, %ge3A_518 : vector<16xf32>
        %min3A_520 = arith.constant 2048 : i32
        %min3A_521 = arith.minsi %while3A_509, %min3A_520 : i32
        %mul3A_522 = arith.constant 16 : i32
        %mul3A_523 = arith.muli %squeeze3A_513, %mul3A_522 : i32
        %add3A_524 = arith.constant 50000 : i32
        %add3A_525 = arith.addi %mul3A_523, %add3A_524 : i32
        %add3A_526 = vector.broadcast %add3A_525 : i32 to vector<16xi32>
        %add3A_527 = arith.addi %add3A_526, %iota3A : vector<16xi32>
        %swap3A_528 = arith.index_cast %min3A_521 : i32 to index
        %swap3A_529 = tpu.vector_load %arg6[%swap3A_528] masked %ge3A_519 {strides = array<i32>} : memref<2064xi32, #tpu.memory_space<vmem>>, vector<16xi32>, vector<16xi1>
        tpu.vector_store %arg6[%swap3A_528], %add3A_527 masked %ge3A_519 {strides = array<i32>} : memref<2064xi32, #tpu.memory_space<vmem>>, vector<16xi32>, vector<16xi1>
        %all_reduce_population_count3A_530 = tpu.all_reduce %ge3A_519 {dim = 0 : i64, kind = #tpu.reduction_kind<sum>} : vector<16xi1> -> vector<16xi32>
        %slice3A_531 = vector.extract_strided_slice %all_reduce_population_count3A_530 {offsets = [0], sizes = [1], strides = [1]} : vector<16xi32> to vector<1xi32>
        %squeeze3A_532 = vector.extract %slice3A_531[0] : i32 from vector<1xi32>
        %add3A_533 = arith.addi %while3A_509, %squeeze3A_532 : i32
        scf.yield %add3A_533 : i32
      }
      %while3A_398 = arith.constant 1 : i32
      %while3A_399 = scf.for %while3A_508 = %while3A_395 to %while3A_391 step %while3A_398 iter_args(%while3A_509 = %while3A_397) -> (i32)  : i32 {
        %get3A_510 = arith.index_cast %while3A_508 : i32 to index
        %get3A_511 = tpu.vector_load %arg8[%get3A_510] {strides = array<i32>} : memref<560xi32, #tpu.memory_space<vmem>>, vector<16xi32>,
        %slice3A_512 = vector.extract_strided_slice %get3A_511 {offsets = [0], sizes = [1], strides = [1]} : vector<16xi32> to vector<1xi32>
        %squeeze3A_513 = vector.extract %slice3A_512[0] : i32 from vector<1xi32>
        %mul3A_514 = arith.constant 16 : i32
        %mul3A_515 = arith.muli %squeeze3A_513, %mul3A_514 : i32
        %get3A_516 = arith.index_cast %mul3A_515 : i32 to index
        %get3A_517 = tpu.vector_load %arg5[%get3A_516] {strides = array<i32>} : memref<50000xf32, #tpu.memory_space<vmem>>, vector<16xf32>,
        %ge3A_518 = vector.broadcast %min3A : f32 to vector<16xf32>
        %ge3A_519 = arith.cmpf oge, %get3A_517, %ge3A_518 : vector<16xf32>
        %min3A_520 = arith.constant 2048 : i32
        %min3A_521 = arith.minsi %while3A_509, %min3A_520 : i32
        %mul3A_522 = arith.constant 16 : i32
        %mul3A_523 = arith.muli %squeeze3A_513, %mul3A_522 : i32
        %add3A_524 = arith.constant 50000 : i32
        %add3A_525 = arith.addi %mul3A_523, %add3A_524 : i32
        %add3A_526 = vector.broadcast %add3A_525 : i32 to vector<16xi32>
        %add3A_527 = arith.addi %add3A_526, %iota3A : vector<16xi32>
        %swap3A_528 = arith.index_cast %min3A_521 : i32 to index
        %swap3A_529 = tpu.vector_load %arg6[%swap3A_528] masked %ge3A_519 {strides = array<i32>} : memref<2064xi32, #tpu.memory_space<vmem>>, vector<16xi32>, vector<16xi1>
        tpu.vector_store %arg6[%swap3A_528], %add3A_527 masked %ge3A_519 {strides = array<i32>} : memref<2064xi32, #tpu.memory_space<vmem>>, vector<16xi32>, vector<16xi1>
        %all_reduce_population_count3A_530 = tpu.all_reduce %ge3A_519 {dim = 0 : i64, kind = #tpu.reduction_kind<sum>} : vector<16xi1> -> vector<16xi32>
        %slice3A_531 = vector.extract_strided_slice %all_reduce_population_count3A_530 {offsets = [0], sizes = [1], strides = [1]} : vector<16xi32> to vector<1xi32>
        %squeeze3A_532 = vector.extract %slice3A_531[0] : i32 from vector<1xi32>
        %add3A_533 = arith.addi %while3A_509, %squeeze3A_532 : i32
        scf.yield %add3A_533 : i32
      }
      %sub3A_400 = arith.subi %while3A_399, %mul3A_279 : i32
      %add3A_401 = arith.constant 15 : i32
      %add3A_402 = arith.addi %sub3A_400, %add3A_401 : i32
      %jit3A_403 = arith.constant 16 : i32
      %div3A_404 = arith.divsi %add3A_402, %jit3A_403 : i32
      %sign3A_405 = arith.constant 0 : i32
      %sign3A_406 = arith.cmpi sgt, %add3A_402, %sign3A_405 : i32
      %sign3A_407 = arith.extui %sign3A_406 : i1 to i32
      %sign3A_408 = arith.constant 0 : i32
      %sign3A_409 = arith.cmpi slt, %add3A_402, %sign3A_408 : i32
      %sign3A_410 = arith.extui %sign3A_409 : i1 to i32
      %sign3A_411 = arith.subi %sign3A_407, %sign3A_410 : i32
      %sign3A_412 = arith.constant 0 : i32
      %sign3A_413 = arith.cmpi sgt, %jit3A_403, %sign3A_412 : i32
      %sign3A_414 = arith.extui %sign3A_413 : i1 to i32
      %sign3A_415 = arith.constant 0 : i32
      %sign3A_416 = arith.cmpi slt, %jit3A_403, %sign3A_415 : i32
      %sign3A_417 = arith.extui %sign3A_416 : i1 to i32
      %sign3A_418 = arith.subi %sign3A_414, %sign3A_417 : i32
      %ne3A_419 = arith.cmpi ne, %sign3A_411, %sign3A_418 : i32
      %rem3A_420 = arith.remsi %add3A_402, %jit3A_403 : i32
      %ne3A_421 = arith.constant 0 : i32
      %ne3A_422 = arith.cmpi ne, %rem3A_420, %ne3A_421 : i32
      %and3A_423 = arith.andi %ne3A_419, %ne3A_422 : i1
      %sub3A_424 = arith.constant 1 : i32
      %sub3A_425 = arith.subi %div3A_404, %sub3A_424 : i32
      %select_n3A_426 = arith.select %and3A_423, %sub3A_425, %div3A_404 : i32
      %while3A_427 = arith.constant 0 : i32
      %while3A_428 = arith.constant 0 : i32
      %while3A_429 = arith.subi %select_n3A_426, %while3A_427 : i32
      %while3A_430 = arith.addi %while3A_427, %while3A_429 : i32
      %while3A_431 = arith.constant 1 : i32
      %while3A_432 = arith.divsi %while3A_429, %while3A_431 : i32
      %while3A_433 = arith.muli %while3A_432, %while3A_431 : i32
      %while3A_434 = arith.addi %while3A_427, %while3A_433 : i32
      %while3A_435 = arith.constant 1 : i32
      %while3A_436 = scf.for %while3A_508 = %while3A_427 to %while3A_434 step %while3A_435 iter_args(%while3A_509 = %while3A_428) -> (i32)  : i32 {
        %mul3A_510 = arith.constant 16 : i32
        %mul3A_511 = arith.muli %while3A_508, %mul3A_510 : i32
        %add3A_512 = arith.addi %mul3A_279, %mul3A_511 : i32
        %get3A_513 = arith.index_cast %add3A_512 : i32 to index
        %get3A_514 = tpu.vector_load %arg6[%get3A_513] {strides = array<i32>} : memref<2064xi32, #tpu.memory_space<vmem>>, vector<16xi32>,
        %add3A_515 = vector.broadcast %add3A_512 : i32 to vector<16xi32>
        %add3A_516 = arith.addi %add3A_515, %iota3A : vector<16xi32>
        %lt3A_517 = vector.broadcast %while3A_399 : i32 to vector<16xi32>
        %lt3A_518 = arith.cmpi slt, %add3A_516, %lt3A_517 : vector<16xi32>
        %sub3A_519 = arith.constant 50000 : i32
        %sub3A_520 = vector.broadcast %sub3A_519 : i32 to vector<16xi32>
        %sub3A_521 = arith.subi %get3A_514, %sub3A_520 : vector<16xi32>
        %jit3A_522 = arith.constant 0 : i32
        %jit3A_523 = arith.constant 49999 : i32
        %max3A_524 = vector.broadcast %jit3A_522 : i32 to vector<16xi32>
        %max3A_525 = arith.maxsi %max3A_524, %sub3A_521 : vector<16xi32>
        %min3A_526 = vector.broadcast %jit3A_523 : i32 to vector<16xi32>
        %min3A_527 = arith.minsi %min3A_526, %max3A_525 : vector<16xi32>
        %gather3A = tpu.vector_load_idx %arg5[%min3A_527] masked %lt3A_518 : memref<50000xf32, #tpu.memory_space<vmem>>[vector<16xi32>], vector<16xf32>, vector<16xi1>
        %jit3A_528 = arith.constant 0xFF800000 : f32
        %broadcast_in_dim3A_529 = vector.broadcast %jit3A_528 : f32 to vector<16xf32>
        %select_n3A_530 = arith.select %lt3A_518, %gather3A, %broadcast_in_dim3A_529 : vector<16xi1>, vector<16xf32>
        %swap3A_531 = arith.index_cast %add3A_512 : i32 to index
        %swap3A_532 = tpu.vector_load %arg7[%swap3A_531] {strides = array<i32>} : memref<2064xf32, #tpu.memory_space<vmem>>, vector<16xf32>,
        tpu.vector_store %arg7[%swap3A_531], %select_n3A_530 {strides = array<i32>} : memref<2064xf32, #tpu.memory_space<vmem>>, vector<16xf32>,
        %while3A_533 = arith.constant 0 : i32
        scf.yield %while3A_533 : i32
      }
      %while3A_437 = arith.constant 1 : i32
      %while3A_438 = scf.for %while3A_508 = %while3A_434 to %while3A_430 step %while3A_437 iter_args(%while3A_509 = %while3A_436) -> (i32)  : i32 {
        %mul3A_510 = arith.constant 16 : i32
        %mul3A_511 = arith.muli %while3A_508, %mul3A_510 : i32
        %add3A_512 = arith.addi %mul3A_279, %mul3A_511 : i32
        %get3A_513 = arith.index_cast %add3A_512 : i32 to index
        %get3A_514 = tpu.vector_load %arg6[%get3A_513] {strides = array<i32>} : memref<2064xi32, #tpu.memory_space<vmem>>, vector<16xi32>,
        %add3A_515 = vector.broadcast %add3A_512 : i32 to vector<16xi32>
        %add3A_516 = arith.addi %add3A_515, %iota3A : vector<16xi32>
        %lt3A_517 = vector.broadcast %while3A_399 : i32 to vector<16xi32>
        %lt3A_518 = arith.cmpi slt, %add3A_516, %lt3A_517 : vector<16xi32>
        %sub3A_519 = arith.constant 50000 : i32
        %sub3A_520 = vector.broadcast %sub3A_519 : i32 to vector<16xi32>
        %sub3A_521 = arith.subi %get3A_514, %sub3A_520 : vector<16xi32>
        %jit3A_522 = arith.constant 0 : i32
        %jit3A_523 = arith.constant 49999 : i32
        %max3A_524 = vector.broadcast %jit3A_522 : i32 to vector<16xi32>
        %max3A_525 = arith.maxsi %max3A_524, %sub3A_521 : vector<16xi32>
        %min3A_526 = vector.broadcast %jit3A_523 : i32 to vector<16xi32>
        %min3A_527 = arith.minsi %min3A_526, %max3A_525 : vector<16xi32>
        %gather3A = tpu.vector_load_idx %arg5[%min3A_527] masked %lt3A_518 : memref<50000xf32, #tpu.memory_space<vmem>>[vector<16xi32>], vector<16xf32>, vector<16xi1>
        %jit3A_528 = arith.constant 0xFF800000 : f32
        %broadcast_in_dim3A_529 = vector.broadcast %jit3A_528 : f32 to vector<16xf32>
        %select_n3A_530 = arith.select %lt3A_518, %gather3A, %broadcast_in_dim3A_529 : vector<16xi1>, vector<16xf32>
        %swap3A_531 = arith.index_cast %add3A_512 : i32 to index
        %swap3A_532 = tpu.vector_load %arg7[%swap3A_531] {strides = array<i32>} : memref<2064xf32, #tpu.memory_space<vmem>>, vector<16xf32>,
        tpu.vector_store %arg7[%swap3A_531], %select_n3A_530 {strides = array<i32>} : memref<2064xf32, #tpu.memory_space<vmem>>, vector<16xf32>,
        %while3A_533 = arith.constant 0 : i32
        scf.yield %while3A_533 : i32
      }
      %add3A_439 = arith.constant 15 : i32
      %add3A_440 = arith.addi %while3A_399, %add3A_439 : i32
      %jit3A_441 = arith.constant 16 : i32
      %div3A_442 = arith.divsi %add3A_440, %jit3A_441 : i32
      %sign3A_443 = arith.constant 0 : i32
      %sign3A_444 = arith.cmpi sgt, %add3A_440, %sign3A_443 : i32
      %sign3A_445 = arith.extui %sign3A_444 : i1 to i32
      %sign3A_446 = arith.constant 0 : i32
      %sign3A_447 = arith.cmpi slt, %add3A_440, %sign3A_446 : i32
      %sign3A_448 = arith.extui %sign3A_447 : i1 to i32
      %sign3A_449 = arith.subi %sign3A_445, %sign3A_448 : i32
      %sign3A_450 = arith.constant 0 : i32
      %sign3A_451 = arith.cmpi sgt, %jit3A_441, %sign3A_450 : i32
      %sign3A_452 = arith.extui %sign3A_451 : i1 to i32
      %sign3A_453 = arith.constant 0 : i32
      %sign3A_454 = arith.cmpi slt, %jit3A_441, %sign3A_453 : i32
      %sign3A_455 = arith.extui %sign3A_454 : i1 to i32
      %sign3A_456 = arith.subi %sign3A_452, %sign3A_455 : i32
      %ne3A_457 = arith.cmpi ne, %sign3A_449, %sign3A_456 : i32
      %rem3A_458 = arith.remsi %add3A_440, %jit3A_441 : i32
      %ne3A_459 = arith.constant 0 : i32
      %ne3A_460 = arith.cmpi ne, %rem3A_458, %ne3A_459 : i32
      %and3A_461 = arith.andi %ne3A_457, %ne3A_460 : i1
      %sub3A_462 = arith.constant 1 : i32
      %sub3A_463 = arith.subi %div3A_442, %sub3A_462 : i32
      %select_n3A_464 = arith.select %and3A_461, %sub3A_463, %div3A_442 : i32
      %mul3A_465 = arith.constant 16 : i32
      %mul3A_466 = arith.muli %select_n3A_464, %mul3A_465 : i32
      %jit3A_467 = arith.constant 16 : i32
      %div3A_468 = arith.divsi %mul3A_466, %jit3A_467 : i32
      %sign3A_469 = arith.constant 0 : i32
      %sign3A_470 = arith.cmpi sgt, %mul3A_466, %sign3A_469 : i32
      %sign3A_471 = arith.extui %sign3A_470 : i1 to i32
      %sign3A_472 = arith.constant 0 : i32
      %sign3A_473 = arith.cmpi slt, %mul3A_466, %sign3A_472 : i32
      %sign3A_474 = arith.extui %sign3A_473 : i1 to i32
      %sign3A_475 = arith.subi %sign3A_471, %sign3A_474 : i32
      %sign3A_476 = arith.constant 0 : i32
      %sign3A_477 = arith.cmpi sgt, %jit3A_467, %sign3A_476 : i32
      %sign3A_478 = arith.extui %sign3A_477 : i1 to i32
      %sign3A_479 = arith.constant 0 : i32
      %sign3A_480 = arith.cmpi slt, %jit3A_467, %sign3A_479 : i32
      %sign3A_481 = arith.extui %sign3A_480 : i1 to i32
      %sign3A_482 = arith.subi %sign3A_478, %sign3A_481 : i32
      %ne3A_483 = arith.cmpi ne, %sign3A_475, %sign3A_482 : i32
      %rem3A_484 = arith.remsi %mul3A_466, %jit3A_467 : i32
      %ne3A_485 = arith.constant 0 : i32
      %ne3A_486 = arith.cmpi ne, %rem3A_484, %ne3A_485 : i32
      %and3A_487 = arith.andi %ne3A_483, %ne3A_486 : i1
      %sub3A_488 = arith.constant 1 : i32
      %sub3A_489 = arith.subi %div3A_468, %sub3A_488 : i32
      %select_n3A_490 = arith.select %and3A_487, %sub3A_489, %div3A_468 : i32
      %broadcast_in_dim3A_491 = arith.constant 0 : i32
      %broadcast_in_dim3A_492 = vector.broadcast %broadcast_in_dim3A_491 : i32 to vector<16xi32>
      %scan3A_493 = arith.constant 0xFF800000 : f32
      %scan3A_494 = arith.constant -1 : i32
      %scan3A_495 = arith.constant 0 : i32
      %scan3A_496 = arith.constant 32 : i32
      %scan3A_497 = arith.addi %scan3A_495, %scan3A_496 : i32
      %scan3A_498 = arith.constant 1 : i32
      %scan3A_499:4 = scf.for %scan3A_508 = %scan3A_495 to %scan3A_497 step %scan3A_498 iter_args(%scan3A_509 = %broadcast_in_dim3A_492, %scan3A_510 = %broadcast_in_dim3A_492, %scan3A_511 = %scan3A_493, %scan3A_512 = %scan3A_494) -> (vector<16xi32>, vector<16xi32>, f32, i32)  : i32 {
        %broadcast_in_dim3A_513 = arith.constant 0xFF800000 : f32
        %broadcast_in_dim3A_514 = vector.broadcast %broadcast_in_dim3A_513 : f32 to vector<16xf32>
        %while3A_515 = arith.constant 0 : i32
        %while3A_516 = arith.subi %select_n3A_490, %while3A_515 : i32
        %while3A_517 = arith.addi %while3A_515, %while3A_516 : i32
        %while3A_518 = arith.constant 1 : i32
        %while3A_519 = arith.divsi %while3A_516, %while3A_518 : i32
        %while3A_520 = arith.muli %while3A_519, %while3A_518 : i32
        %while3A_521 = arith.addi %while3A_515, %while3A_520 : i32
        %while3A_522 = arith.constant 1 : i32
        %while3A_523 = scf.for %while3A_560 = %while3A_515 to %while3A_521 step %while3A_522 iter_args(%while3A_561 = %broadcast_in_dim3A_514) -> (vector<16xf32>)  : i32 {
          %mul3A_562 = arith.constant 16 : i32
          %mul3A_563 = arith.muli %while3A_560, %mul3A_562 : i32
          %get3A_564 = arith.index_cast %mul3A_563 : i32 to index
          %get3A_565 = tpu.vector_load %arg7[%get3A_564] {strides = array<i32>} : memref<2064xf32, #tpu.memory_space<vmem>>, vector<16xf32>,
          %get3A_566 = arith.index_cast %mul3A_563 : i32 to index
          %get3A_567 = tpu.vector_load %arg6[%get3A_566] {strides = array<i32>} : memref<2064xi32, #tpu.memory_space<vmem>>, vector<16xi32>,
          %eq3A_568 = vector.broadcast %scan3A_511 : f32 to vector<16xf32>
          %eq3A_569 = arith.cmpf oeq, %get3A_565, %eq3A_568 : vector<16xf32>
          %eq3A_570 = vector.broadcast %scan3A_512 : i32 to vector<16xi32>
          %eq3A_571 = arith.cmpi eq, %get3A_567, %eq3A_570 : vector<16xi32>
          %and3A_572 = arith.andi %eq3A_569, %eq3A_571 : vector<16xi1>
          %jit3A_573 = arith.constant 0xFF800000 : f32
          %broadcast_in_dim3A_574 = vector.broadcast %jit3A_573 : f32 to vector<16xf32>
          %select_n3A_575 = arith.select %and3A_572, %broadcast_in_dim3A_574, %get3A_565 : vector<16xi1>, vector<16xf32>
          %swap3A_576 = arith.index_cast %mul3A_563 : i32 to index
          %swap3A_577 = tpu.vector_load %arg7[%swap3A_576] {strides = array<i32>} : memref<2064xf32, #tpu.memory_space<vmem>>, vector<16xf32>,
          tpu.vector_store %arg7[%swap3A_576], %select_n3A_575 {strides = array<i32>} : memref<2064xf32, #tpu.memory_space<vmem>>, vector<16xf32>,
          %max3A_578 = arith.maximumf %while3A_561, %select_n3A_575 : vector<16xf32>
          scf.yield %max3A_578 : vector<16xf32>
        }
        %while3A_524 = arith.constant 1 : i32
        %while3A_525 = scf.for %while3A_560 = %while3A_521 to %while3A_517 step %while3A_524 iter_args(%while3A_561 = %while3A_523) -> (vector<16xf32>)  : i32 {
          %mul3A_562 = arith.constant 16 : i32
          %mul3A_563 = arith.muli %while3A_560, %mul3A_562 : i32
          %get3A_564 = arith.index_cast %mul3A_563 : i32 to index
          %get3A_565 = tpu.vector_load %arg7[%get3A_564] {strides = array<i32>} : memref<2064xf32, #tpu.memory_space<vmem>>, vector<16xf32>,
          %get3A_566 = arith.index_cast %mul3A_563 : i32 to index
          %get3A_567 = tpu.vector_load %arg6[%get3A_566] {strides = array<i32>} : memref<2064xi32, #tpu.memory_space<vmem>>, vector<16xi32>,
          %eq3A_568 = vector.broadcast %scan3A_511 : f32 to vector<16xf32>
          %eq3A_569 = arith.cmpf oeq, %get3A_565, %eq3A_568 : vector<16xf32>
          %eq3A_570 = vector.broadcast %scan3A_512 : i32 to vector<16xi32>
          %eq3A_571 = arith.cmpi eq, %get3A_567, %eq3A_570 : vector<16xi32>
          %and3A_572 = arith.andi %eq3A_569, %eq3A_571 : vector<16xi1>
          %jit3A_573 = arith.constant 0xFF800000 : f32
          %broadcast_in_dim3A_574 = vector.broadcast %jit3A_573 : f32 to vector<16xf32>
          %select_n3A_575 = arith.select %and3A_572, %broadcast_in_dim3A_574, %get3A_565 : vector<16xi1>, vector<16xf32>
          %swap3A_576 = arith.index_cast %mul3A_563 : i32 to index
          %swap3A_577 = tpu.vector_load %arg7[%swap3A_576] {strides = array<i32>} : memref<2064xf32, #tpu.memory_space<vmem>>, vector<16xf32>,
          tpu.vector_store %arg7[%swap3A_576], %select_n3A_575 {strides = array<i32>} : memref<2064xf32, #tpu.memory_space<vmem>>, vector<16xf32>,
          %max3A_578 = arith.maximumf %while3A_561, %select_n3A_575 : vector<16xf32>
          scf.yield %max3A_578 : vector<16xf32>
        }
        %reduce_max3A = arith.constant true
        %reduce_max3A_526 = vector.broadcast %reduce_max3A : i1 to vector<16xi1>
        %reduce_max3A_527 = tpu.scan <max>, %while3A_525 masked %reduce_max3A_526 : vector<16xf32>, vector<16xi1> -> vector<16xf32>
        %reduce_max3A_528 = vector.extract %reduce_max3A_527[15] : f32 from vector<16xf32>
        %broadcast_in_dim3A_529 = arith.constant 1073741824 : i32
        %broadcast_in_dim3A_530 = vector.broadcast %broadcast_in_dim3A_529 : i32 to vector<16xi32>
        %while3A_531 = arith.constant 0 : i32
        %while3A_532 = arith.subi %select_n3A_490, %while3A_531 : i32
        %while3A_533 = arith.addi %while3A_531, %while3A_532 : i32
        %while3A_534 = arith.constant 1 : i32
        %while3A_535 = arith.divsi %while3A_532, %while3A_534 : i32
        %while3A_536 = arith.muli %while3A_535, %while3A_534 : i32
        %while3A_537 = arith.addi %while3A_531, %while3A_536 : i32
        %while3A_538 = arith.constant 1 : i32
        %while3A_539 = scf.for %while3A_560 = %while3A_531 to %while3A_537 step %while3A_538 iter_args(%while3A_561 = %broadcast_in_dim3A_530) -> (vector<16xi32>)  : i32 {
          %mul3A_562 = arith.constant 16 : i32
          %mul3A_563 = arith.muli %while3A_560, %mul3A_562 : i32
          %get3A_564 = arith.index_cast %mul3A_563 : i32 to index
          %get3A_565 = tpu.vector_load %arg7[%get3A_564] {strides = array<i32>} : memref<2064xf32, #tpu.memory_space<vmem>>, vector<16xf32>,
          %get3A_566 = arith.index_cast %mul3A_563 : i32 to index
          %get3A_567 = tpu.vector_load %arg6[%get3A_566] {strides = array<i32>} : memref<2064xi32, #tpu.memory_space<vmem>>, vector<16xi32>,
          %eq3A_568 = vector.broadcast %reduce_max3A_528 : f32 to vector<16xf32>
          %eq3A_569 = arith.cmpf oeq, %get3A_565, %eq3A_568 : vector<16xf32>
          %jit3A_570 = arith.constant 1073741824 : i32
          %broadcast_in_dim3A_571 = vector.broadcast %jit3A_570 : i32 to vector<16xi32>
          %select_n3A_572 = arith.select %eq3A_569, %get3A_567, %broadcast_in_dim3A_571 : vector<16xi1>, vector<16xi32>
          %min3A_573 = arith.minsi %while3A_561, %select_n3A_572 : vector<16xi32>
          scf.yield %min3A_573 : vector<16xi32>
        }
        %while3A_540 = arith.constant 1 : i32
        %while3A_541 = scf.for %while3A_560 = %while3A_537 to %while3A_533 step %while3A_540 iter_args(%while3A_561 = %while3A_539) -> (vector<16xi32>)  : i32 {
          %mul3A_562 = arith.constant 16 : i32
          %mul3A_563 = arith.muli %while3A_560, %mul3A_562 : i32
          %get3A_564 = arith.index_cast %mul3A_563 : i32 to index
          %get3A_565 = tpu.vector_load %arg7[%get3A_564] {strides = array<i32>} : memref<2064xf32, #tpu.memory_space<vmem>>, vector<16xf32>,
          %get3A_566 = arith.index_cast %mul3A_563 : i32 to index
          %get3A_567 = tpu.vector_load %arg6[%get3A_566] {strides = array<i32>} : memref<2064xi32, #tpu.memory_space<vmem>>, vector<16xi32>,
          %eq3A_568 = vector.broadcast %reduce_max3A_528 : f32 to vector<16xf32>
          %eq3A_569 = arith.cmpf oeq, %get3A_565, %eq3A_568 : vector<16xf32>
          %jit3A_570 = arith.constant 1073741824 : i32
          %broadcast_in_dim3A_571 = vector.broadcast %jit3A_570 : i32 to vector<16xi32>
          %select_n3A_572 = arith.select %eq3A_569, %get3A_567, %broadcast_in_dim3A_571 : vector<16xi1>, vector<16xi32>
          %min3A_573 = arith.minsi %while3A_561, %select_n3A_572 : vector<16xi32>
          scf.yield %min3A_573 : vector<16xi32>
        }
        %reduce_min3A_542 = arith.constant true
        %reduce_min3A_543 = vector.broadcast %reduce_min3A_542 : i1 to vector<16xi1>
        %reduce_min3A_544 = arith.constant -2147483648 : i32
        %reduce_min3A_545 = vector.broadcast %reduce_min3A_544 : i32 to vector<16xi32>
        %reduce_min3A_546 = arith.xori %while3A_541, %reduce_min3A_545 : vector<16xi32>
        %reduce_min3A_547 = tpu.scan <min>, %reduce_min3A_546 masked %reduce_min3A_543 : vector<16xi32>, vector<16xi1> -> vector<16xi32>
        %reduce_min3A_548 = arith.xori %reduce_min3A_547, %reduce_min3A_545 : vector<16xi32>
        %reduce_min3A_549 = vector.extract %reduce_min3A_548[15] : i32 from vector<16xi32>
        %eq3A_550 = vector.broadcast %scan3A_508 : i32 to vector<16xi32>
        %eq3A_551 = arith.cmpi eq, %iota3A, %eq3A_550 : vector<16xi32>
        %broadcast_in_dim3A_552 = vector.broadcast %reduce_min3A_549 : i32 to vector<16xi32>
        %select_n3A_553 = arith.select %eq3A_551, %broadcast_in_dim3A_552, %scan3A_509 : vector<16xi1>, vector<16xi32>
        %sub3A_554 = arith.constant 16 : i32
        %sub3A_555 = arith.subi %scan3A_508, %sub3A_554 : i32
        %eq3A_556 = vector.broadcast %sub3A_555 : i32 to vector<16xi32>
        %eq3A_557 = arith.cmpi eq, %iota3A, %eq3A_556 : vector<16xi32>
        %broadcast_in_dim3A_558 = vector.broadcast %reduce_min3A_549 : i32 to vector<16xi32>
        %select_n3A_559 = arith.select %eq3A_557, %broadcast_in_dim3A_558, %scan3A_510 : vector<16xi1>, vector<16xi32>
        scf.yield %select_n3A_553, %select_n3A_559, %reduce_max3A_528, %reduce_min3A_549 : vector<16xi32>, vector<16xi32>, f32, i32
      }
      %scan3A_500 = arith.constant 32 : i32
      %swap3A_501 = arith.constant 0 : index
      %swap3A_502 = tpu.vector_load %arg9[%swap3A_501] {strides = array<i32>} : memref<32xi32, #tpu.memory_space<vmem>>, vector<16xi32>,
      tpu.vector_store %arg9[%swap3A_501], %scan3A_499#0 {strides = array<i32>} : memref<32xi32, #tpu.memory_space<vmem>>, vector<16xi32>,
      %swap3A_503 = arith.constant 16 : index
      %swap3A_504 = tpu.vector_load %arg9[%swap3A_503] {strides = array<i32>} : memref<32xi32, #tpu.memory_space<vmem>>, vector<16xi32>,
      tpu.vector_store %arg9[%swap3A_503], %scan3A_499#1 {strides = array<i32>} : memref<32xi32, #tpu.memory_space<vmem>>, vector<16xi32>,
      %mul3A_505 = arith.constant 32 : i32
      %mul3A_506 = arith.muli %add3A_14, %mul3A_505 : i32
      "tpu.region"() ({
        %run_scoped3A = tpu.sem_alloc : memref<!tpu.dma_semaphore, #tpu.memory_space<semaphore_mem>>
        %dma_start3A_508 = tpu.memref_slice %arg3[%mul3A_506] : memref<32768xi32, #tpu.memory_space<hbm>> -> memref<32xi32, #tpu.memory_space<hbm>>
        %dma_start3A_509 = tpu.memref_slice %arg3[%mul3A_506] : memref<32768xi32, #tpu.memory_space<hbm>> -> memref<32xi32, #tpu.memory_space<hbm>>
        tpu.enqueue_dma source(%arg9 : memref<32xi32, #tpu.memory_space<vmem>>) target(%dma_start3A_509 : memref<32xi32, #tpu.memory_space<hbm>>) target_semaphore(%run_scoped3A : memref<!tpu.dma_semaphore, #tpu.memory_space<semaphore_mem>>)
        %dma_wait3A_510 = tpu.memref_slice %arg3[%mul3A_506] : memref<32768xi32, #tpu.memory_space<hbm>> -> memref<32xi32, #tpu.memory_space<hbm>>
        %dma_wait3A_511 = tpu.memref_slice %arg3[%mul3A_506] : memref<32768xi32, #tpu.memory_space<hbm>> -> memref<32xi32, #tpu.memory_space<hbm>>
        tpu.wait_dma2 semaphore(%run_scoped3A : memref<!tpu.dma_semaphore, #tpu.memory_space<semaphore_mem>>) src(%arg9 : memref<32xi32, #tpu.memory_space<vmem>>) dst(%dma_wait3A_511 : memref<32xi32, #tpu.memory_space<hbm>>)
        tpu.yield
      }) : () -> ()
      %scan3A_507 = arith.constant 0 : i32
      scf.yield %scan3A_507 : i32
    }
    %scan3A_11 = arith.constant 32 : i32
    return
  }
}

#map = affine_map<(d0, d1) -> (0, 0)>
#map1 = affine_map<(d0, d1) -> (0)>
module attributes {stable_mosaic.version = 14 : i64} {
  func.func @gather(%arg0: i32, %arg1: i32, %arg2: memref<100000x128xf32, #tpu.memory_space<hbm>>, %arg3: memref<32768xi32, #tpu.memory_space<hbm>>, %arg4: memref<32768x128xf32, #tpu.memory_space<hbm>>, %arg5: memref<128xi32, #tpu.memory_space<vmem>>, %arg6: memref<128x128xf32, #tpu.memory_space<vmem>>, %arg7: memref<!tpu.dma_semaphore, #tpu.memory_space<semaphore_mem>>) attributes {dimension_semantics = [#tpu.dimension_semantics<core_parallel>, #tpu.dimension_semantics<subcore_parallel>], iteration_bounds = array<i64: 2, 16>, scalar_prefetch = 0 : i64, scratch_operands = 3 : i64, tpu.core_type = #tpu.core_type<sc_vector_subcore>, window_params = [{transform_indices = #map}, {transform_indices = #map1}, {transform_indices = #map}]} {
    %mul3A = arith.constant 2 : i32
    %mul3A_0 = arith.muli %arg1, %mul3A : i32
    %add3A = arith.addi %mul3A_0, %arg0 : i32
    %mul3A_1 = arith.constant 1024 : i32
    %mul3A_2 = arith.muli %add3A, %mul3A_1 : i32
    %add3A_3 = arith.constant 0 : i32
    %add3A_4 = arith.addi %mul3A_2, %add3A_3 : i32
    "tpu.region"() ({
      %run_scoped3A = tpu.sem_alloc : memref<!tpu.dma_semaphore, #tpu.memory_space<semaphore_mem>>
      %dma_start3A_65 = tpu.memref_slice %arg3[%add3A_4] : memref<32768xi32, #tpu.memory_space<hbm>> -> memref<128xi32, #tpu.memory_space<hbm>>
      %dma_start3A_66 = tpu.memref_slice %arg3[%add3A_4] : memref<32768xi32, #tpu.memory_space<hbm>> -> memref<128xi32, #tpu.memory_space<hbm>>
      tpu.enqueue_dma source(%dma_start3A_66 : memref<128xi32, #tpu.memory_space<hbm>>) target(%arg5 : memref<128xi32, #tpu.memory_space<vmem>>) target_semaphore(%run_scoped3A : memref<!tpu.dma_semaphore, #tpu.memory_space<semaphore_mem>>)
      %dma_wait3A_67 = tpu.memref_slice %arg3[%add3A_4] : memref<32768xi32, #tpu.memory_space<hbm>> -> memref<128xi32, #tpu.memory_space<hbm>>
      %dma_wait3A_68 = tpu.memref_slice %arg3[%add3A_4] : memref<32768xi32, #tpu.memory_space<hbm>> -> memref<128xi32, #tpu.memory_space<hbm>>
      tpu.wait_dma2 semaphore(%run_scoped3A : memref<!tpu.dma_semaphore, #tpu.memory_space<semaphore_mem>>) src(%dma_wait3A_68 : memref<128xi32, #tpu.memory_space<hbm>>) dst(%arg5 : memref<128xi32, #tpu.memory_space<vmem>>)
      tpu.yield
    }) : () -> ()
    %dma_start3A = arith.constant 0 : i32
    %dma_start3A_5 = arith.constant 0 : i32
    %dma_start3A_6 = tpu.memref_slice %arg2[%dma_start3A, %dma_start3A_5] : memref<100000x128xf32, #tpu.memory_space<hbm>> -> memref<100000x128xf32, #tpu.memory_space<hbm>>
    tpu.enqueue_indirect_dma source(%dma_start3A_6 : memref<100000x128xf32, #tpu.memory_space<hbm>>) target(%arg6 : memref<128x128xf32, #tpu.memory_space<vmem>>) offsets(%arg5 : memref<128xi32, #tpu.memory_space<vmem>>) semaphore(%arg7 : memref<!tpu.dma_semaphore, #tpu.memory_space<semaphore_mem>>)
    %dma_wait3A = arith.constant 0 : i32
    %dma_wait3A_7 = arith.constant 0 : i32
    %dma_wait3A_8 = tpu.memref_slice %arg2[%dma_wait3A, %dma_wait3A_7] : memref<100000x128xf32, #tpu.memory_space<hbm>> -> memref<100000x128xf32, #tpu.memory_space<hbm>>
    tpu.wait_indirect_dma semaphore(%arg7 : memref<!tpu.dma_semaphore, #tpu.memory_space<semaphore_mem>>) src(%dma_wait3A_8 : memref<100000x128xf32, #tpu.memory_space<hbm>>) dst(%arg6 : memref<128x128xf32, #tpu.memory_space<vmem>>)
    "tpu.region"() ({
      %run_scoped3A = tpu.sem_alloc : memref<!tpu.dma_semaphore, #tpu.memory_space<semaphore_mem>>
      %dma_start3A_65 = arith.constant 0 : i32
      %dma_start3A_66 = tpu.memref_slice %arg4[%add3A_4, %dma_start3A_65] : memref<32768x128xf32, #tpu.memory_space<hbm>> -> memref<128x128xf32, #tpu.memory_space<hbm>>
      %dma_start3A_67 = arith.constant 0 : i32
      %dma_start3A_68 = tpu.memref_slice %arg4[%add3A_4, %dma_start3A_67] : memref<32768x128xf32, #tpu.memory_space<hbm>> -> memref<128x128xf32, #tpu.memory_space<hbm>>
      tpu.enqueue_dma source(%arg6 : memref<128x128xf32, #tpu.memory_space<vmem>>) target(%dma_start3A_68 : memref<128x128xf32, #tpu.memory_space<hbm>>) target_semaphore(%run_scoped3A : memref<!tpu.dma_semaphore, #tpu.memory_space<semaphore_mem>>)
      %dma_wait3A_69 = arith.constant 0 : i32
      %dma_wait3A_70 = tpu.memref_slice %arg4[%add3A_4, %dma_wait3A_69] : memref<32768x128xf32, #tpu.memory_space<hbm>> -> memref<128x128xf32, #tpu.memory_space<hbm>>
      %dma_wait3A_71 = arith.constant 0 : i32
      %dma_wait3A_72 = tpu.memref_slice %arg4[%add3A_4, %dma_wait3A_71] : memref<32768x128xf32, #tpu.memory_space<hbm>> -> memref<128x128xf32, #tpu.memory_space<hbm>>
      tpu.wait_dma2 semaphore(%run_scoped3A : memref<!tpu.dma_semaphore, #tpu.memory_space<semaphore_mem>>) src(%arg6 : memref<128x128xf32, #tpu.memory_space<vmem>>) dst(%dma_wait3A_72 : memref<128x128xf32, #tpu.memory_space<hbm>>)
      tpu.yield
    }) : () -> ()
    %add3A_9 = arith.constant 128 : i32
    %add3A_10 = arith.addi %mul3A_2, %add3A_9 : i32
    "tpu.region"() ({
      %run_scoped3A = tpu.sem_alloc : memref<!tpu.dma_semaphore, #tpu.memory_space<semaphore_mem>>
      %dma_start3A_65 = tpu.memref_slice %arg3[%add3A_10] : memref<32768xi32, #tpu.memory_space<hbm>> -> memref<128xi32, #tpu.memory_space<hbm>>
      %dma_start3A_66 = tpu.memref_slice %arg3[%add3A_10] : memref<32768xi32, #tpu.memory_space<hbm>> -> memref<128xi32, #tpu.memory_space<hbm>>
      tpu.enqueue_dma source(%dma_start3A_66 : memref<128xi32, #tpu.memory_space<hbm>>) target(%arg5 : memref<128xi32, #tpu.memory_space<vmem>>) target_semaphore(%run_scoped3A : memref<!tpu.dma_semaphore, #tpu.memory_space<semaphore_mem>>)
      %dma_wait3A_67 = tpu.memref_slice %arg3[%add3A_10] : memref<32768xi32, #tpu.memory_space<hbm>> -> memref<128xi32, #tpu.memory_space<hbm>>
      %dma_wait3A_68 = tpu.memref_slice %arg3[%add3A_10] : memref<32768xi32, #tpu.memory_space<hbm>> -> memref<128xi32, #tpu.memory_space<hbm>>
      tpu.wait_dma2 semaphore(%run_scoped3A : memref<!tpu.dma_semaphore, #tpu.memory_space<semaphore_mem>>) src(%dma_wait3A_68 : memref<128xi32, #tpu.memory_space<hbm>>) dst(%arg5 : memref<128xi32, #tpu.memory_space<vmem>>)
      tpu.yield
    }) : () -> ()
    %dma_start3A_11 = arith.constant 0 : i32
    %dma_start3A_12 = arith.constant 0 : i32
    %dma_start3A_13 = tpu.memref_slice %arg2[%dma_start3A_11, %dma_start3A_12] : memref<100000x128xf32, #tpu.memory_space<hbm>> -> memref<100000x128xf32, #tpu.memory_space<hbm>>
    tpu.enqueue_indirect_dma source(%dma_start3A_13 : memref<100000x128xf32, #tpu.memory_space<hbm>>) target(%arg6 : memref<128x128xf32, #tpu.memory_space<vmem>>) offsets(%arg5 : memref<128xi32, #tpu.memory_space<vmem>>) semaphore(%arg7 : memref<!tpu.dma_semaphore, #tpu.memory_space<semaphore_mem>>)
    %dma_wait3A_14 = arith.constant 0 : i32
    %dma_wait3A_15 = arith.constant 0 : i32
    %dma_wait3A_16 = tpu.memref_slice %arg2[%dma_wait3A_14, %dma_wait3A_15] : memref<100000x128xf32, #tpu.memory_space<hbm>> -> memref<100000x128xf32, #tpu.memory_space<hbm>>
    tpu.wait_indirect_dma semaphore(%arg7 : memref<!tpu.dma_semaphore, #tpu.memory_space<semaphore_mem>>) src(%dma_wait3A_16 : memref<100000x128xf32, #tpu.memory_space<hbm>>) dst(%arg6 : memref<128x128xf32, #tpu.memory_space<vmem>>)
    "tpu.region"() ({
      %run_scoped3A = tpu.sem_alloc : memref<!tpu.dma_semaphore, #tpu.memory_space<semaphore_mem>>
      %dma_start3A_65 = arith.constant 0 : i32
      %dma_start3A_66 = tpu.memref_slice %arg4[%add3A_10, %dma_start3A_65] : memref<32768x128xf32, #tpu.memory_space<hbm>> -> memref<128x128xf32, #tpu.memory_space<hbm>>
      %dma_start3A_67 = arith.constant 0 : i32
      %dma_start3A_68 = tpu.memref_slice %arg4[%add3A_10, %dma_start3A_67] : memref<32768x128xf32, #tpu.memory_space<hbm>> -> memref<128x128xf32, #tpu.memory_space<hbm>>
      tpu.enqueue_dma source(%arg6 : memref<128x128xf32, #tpu.memory_space<vmem>>) target(%dma_start3A_68 : memref<128x128xf32, #tpu.memory_space<hbm>>) target_semaphore(%run_scoped3A : memref<!tpu.dma_semaphore, #tpu.memory_space<semaphore_mem>>)
      %dma_wait3A_69 = arith.constant 0 : i32
      %dma_wait3A_70 = tpu.memref_slice %arg4[%add3A_10, %dma_wait3A_69] : memref<32768x128xf32, #tpu.memory_space<hbm>> -> memref<128x128xf32, #tpu.memory_space<hbm>>
      %dma_wait3A_71 = arith.constant 0 : i32
      %dma_wait3A_72 = tpu.memref_slice %arg4[%add3A_10, %dma_wait3A_71] : memref<32768x128xf32, #tpu.memory_space<hbm>> -> memref<128x128xf32, #tpu.memory_space<hbm>>
      tpu.wait_dma2 semaphore(%run_scoped3A : memref<!tpu.dma_semaphore, #tpu.memory_space<semaphore_mem>>) src(%arg6 : memref<128x128xf32, #tpu.memory_space<vmem>>) dst(%dma_wait3A_72 : memref<128x128xf32, #tpu.memory_space<hbm>>)
      tpu.yield
    }) : () -> ()
    %add3A_17 = arith.constant 256 : i32
    %add3A_18 = arith.addi %mul3A_2, %add3A_17 : i32
    "tpu.region"() ({
      %run_scoped3A = tpu.sem_alloc : memref<!tpu.dma_semaphore, #tpu.memory_space<semaphore_mem>>
      %dma_start3A_65 = tpu.memref_slice %arg3[%add3A_18] : memref<32768xi32, #tpu.memory_space<hbm>> -> memref<128xi32, #tpu.memory_space<hbm>>
      %dma_start3A_66 = tpu.memref_slice %arg3[%add3A_18] : memref<32768xi32, #tpu.memory_space<hbm>> -> memref<128xi32, #tpu.memory_space<hbm>>
      tpu.enqueue_dma source(%dma_start3A_66 : memref<128xi32, #tpu.memory_space<hbm>>) target(%arg5 : memref<128xi32, #tpu.memory_space<vmem>>) target_semaphore(%run_scoped3A : memref<!tpu.dma_semaphore, #tpu.memory_space<semaphore_mem>>)
      %dma_wait3A_67 = tpu.memref_slice %arg3[%add3A_18] : memref<32768xi32, #tpu.memory_space<hbm>> -> memref<128xi32, #tpu.memory_space<hbm>>
      %dma_wait3A_68 = tpu.memref_slice %arg3[%add3A_18] : memref<32768xi32, #tpu.memory_space<hbm>> -> memref<128xi32, #tpu.memory_space<hbm>>
      tpu.wait_dma2 semaphore(%run_scoped3A : memref<!tpu.dma_semaphore, #tpu.memory_space<semaphore_mem>>) src(%dma_wait3A_68 : memref<128xi32, #tpu.memory_space<hbm>>) dst(%arg5 : memref<128xi32, #tpu.memory_space<vmem>>)
      tpu.yield
    }) : () -> ()
    %dma_start3A_19 = arith.constant 0 : i32
    %dma_start3A_20 = arith.constant 0 : i32
    %dma_start3A_21 = tpu.memref_slice %arg2[%dma_start3A_19, %dma_start3A_20] : memref<100000x128xf32, #tpu.memory_space<hbm>> -> memref<100000x128xf32, #tpu.memory_space<hbm>>
    tpu.enqueue_indirect_dma source(%dma_start3A_21 : memref<100000x128xf32, #tpu.memory_space<hbm>>) target(%arg6 : memref<128x128xf32, #tpu.memory_space<vmem>>) offsets(%arg5 : memref<128xi32, #tpu.memory_space<vmem>>) semaphore(%arg7 : memref<!tpu.dma_semaphore, #tpu.memory_space<semaphore_mem>>)
    %dma_wait3A_22 = arith.constant 0 : i32
    %dma_wait3A_23 = arith.constant 0 : i32
    %dma_wait3A_24 = tpu.memref_slice %arg2[%dma_wait3A_22, %dma_wait3A_23] : memref<100000x128xf32, #tpu.memory_space<hbm>> -> memref<100000x128xf32, #tpu.memory_space<hbm>>
    tpu.wait_indirect_dma semaphore(%arg7 : memref<!tpu.dma_semaphore, #tpu.memory_space<semaphore_mem>>) src(%dma_wait3A_24 : memref<100000x128xf32, #tpu.memory_space<hbm>>) dst(%arg6 : memref<128x128xf32, #tpu.memory_space<vmem>>)
    "tpu.region"() ({
      %run_scoped3A = tpu.sem_alloc : memref<!tpu.dma_semaphore, #tpu.memory_space<semaphore_mem>>
      %dma_start3A_65 = arith.constant 0 : i32
      %dma_start3A_66 = tpu.memref_slice %arg4[%add3A_18, %dma_start3A_65] : memref<32768x128xf32, #tpu.memory_space<hbm>> -> memref<128x128xf32, #tpu.memory_space<hbm>>
      %dma_start3A_67 = arith.constant 0 : i32
      %dma_start3A_68 = tpu.memref_slice %arg4[%add3A_18, %dma_start3A_67] : memref<32768x128xf32, #tpu.memory_space<hbm>> -> memref<128x128xf32, #tpu.memory_space<hbm>>
      tpu.enqueue_dma source(%arg6 : memref<128x128xf32, #tpu.memory_space<vmem>>) target(%dma_start3A_68 : memref<128x128xf32, #tpu.memory_space<hbm>>) target_semaphore(%run_scoped3A : memref<!tpu.dma_semaphore, #tpu.memory_space<semaphore_mem>>)
      %dma_wait3A_69 = arith.constant 0 : i32
      %dma_wait3A_70 = tpu.memref_slice %arg4[%add3A_18, %dma_wait3A_69] : memref<32768x128xf32, #tpu.memory_space<hbm>> -> memref<128x128xf32, #tpu.memory_space<hbm>>
      %dma_wait3A_71 = arith.constant 0 : i32
      %dma_wait3A_72 = tpu.memref_slice %arg4[%add3A_18, %dma_wait3A_71] : memref<32768x128xf32, #tpu.memory_space<hbm>> -> memref<128x128xf32, #tpu.memory_space<hbm>>
      tpu.wait_dma2 semaphore(%run_scoped3A : memref<!tpu.dma_semaphore, #tpu.memory_space<semaphore_mem>>) src(%arg6 : memref<128x128xf32, #tpu.memory_space<vmem>>) dst(%dma_wait3A_72 : memref<128x128xf32, #tpu.memory_space<hbm>>)
      tpu.yield
    }) : () -> ()
    %add3A_25 = arith.constant 384 : i32
    %add3A_26 = arith.addi %mul3A_2, %add3A_25 : i32
    "tpu.region"() ({
      %run_scoped3A = tpu.sem_alloc : memref<!tpu.dma_semaphore, #tpu.memory_space<semaphore_mem>>
      %dma_start3A_65 = tpu.memref_slice %arg3[%add3A_26] : memref<32768xi32, #tpu.memory_space<hbm>> -> memref<128xi32, #tpu.memory_space<hbm>>
      %dma_start3A_66 = tpu.memref_slice %arg3[%add3A_26] : memref<32768xi32, #tpu.memory_space<hbm>> -> memref<128xi32, #tpu.memory_space<hbm>>
      tpu.enqueue_dma source(%dma_start3A_66 : memref<128xi32, #tpu.memory_space<hbm>>) target(%arg5 : memref<128xi32, #tpu.memory_space<vmem>>) target_semaphore(%run_scoped3A : memref<!tpu.dma_semaphore, #tpu.memory_space<semaphore_mem>>)
      %dma_wait3A_67 = tpu.memref_slice %arg3[%add3A_26] : memref<32768xi32, #tpu.memory_space<hbm>> -> memref<128xi32, #tpu.memory_space<hbm>>
      %dma_wait3A_68 = tpu.memref_slice %arg3[%add3A_26] : memref<32768xi32, #tpu.memory_space<hbm>> -> memref<128xi32, #tpu.memory_space<hbm>>
      tpu.wait_dma2 semaphore(%run_scoped3A : memref<!tpu.dma_semaphore, #tpu.memory_space<semaphore_mem>>) src(%dma_wait3A_68 : memref<128xi32, #tpu.memory_space<hbm>>) dst(%arg5 : memref<128xi32, #tpu.memory_space<vmem>>)
      tpu.yield
    }) : () -> ()
    %dma_start3A_27 = arith.constant 0 : i32
    %dma_start3A_28 = arith.constant 0 : i32
    %dma_start3A_29 = tpu.memref_slice %arg2[%dma_start3A_27, %dma_start3A_28] : memref<100000x128xf32, #tpu.memory_space<hbm>> -> memref<100000x128xf32, #tpu.memory_space<hbm>>
    tpu.enqueue_indirect_dma source(%dma_start3A_29 : memref<100000x128xf32, #tpu.memory_space<hbm>>) target(%arg6 : memref<128x128xf32, #tpu.memory_space<vmem>>) offsets(%arg5 : memref<128xi32, #tpu.memory_space<vmem>>) semaphore(%arg7 : memref<!tpu.dma_semaphore, #tpu.memory_space<semaphore_mem>>)
    %dma_wait3A_30 = arith.constant 0 : i32
    %dma_wait3A_31 = arith.constant 0 : i32
    %dma_wait3A_32 = tpu.memref_slice %arg2[%dma_wait3A_30, %dma_wait3A_31] : memref<100000x128xf32, #tpu.memory_space<hbm>> -> memref<100000x128xf32, #tpu.memory_space<hbm>>
    tpu.wait_indirect_dma semaphore(%arg7 : memref<!tpu.dma_semaphore, #tpu.memory_space<semaphore_mem>>) src(%dma_wait3A_32 : memref<100000x128xf32, #tpu.memory_space<hbm>>) dst(%arg6 : memref<128x128xf32, #tpu.memory_space<vmem>>)
    "tpu.region"() ({
      %run_scoped3A = tpu.sem_alloc : memref<!tpu.dma_semaphore, #tpu.memory_space<semaphore_mem>>
      %dma_start3A_65 = arith.constant 0 : i32
      %dma_start3A_66 = tpu.memref_slice %arg4[%add3A_26, %dma_start3A_65] : memref<32768x128xf32, #tpu.memory_space<hbm>> -> memref<128x128xf32, #tpu.memory_space<hbm>>
      %dma_start3A_67 = arith.constant 0 : i32
      %dma_start3A_68 = tpu.memref_slice %arg4[%add3A_26, %dma_start3A_67] : memref<32768x128xf32, #tpu.memory_space<hbm>> -> memref<128x128xf32, #tpu.memory_space<hbm>>
      tpu.enqueue_dma source(%arg6 : memref<128x128xf32, #tpu.memory_space<vmem>>) target(%dma_start3A_68 : memref<128x128xf32, #tpu.memory_space<hbm>>) target_semaphore(%run_scoped3A : memref<!tpu.dma_semaphore, #tpu.memory_space<semaphore_mem>>)
      %dma_wait3A_69 = arith.constant 0 : i32
      %dma_wait3A_70 = tpu.memref_slice %arg4[%add3A_26, %dma_wait3A_69] : memref<32768x128xf32, #tpu.memory_space<hbm>> -> memref<128x128xf32, #tpu.memory_space<hbm>>
      %dma_wait3A_71 = arith.constant 0 : i32
      %dma_wait3A_72 = tpu.memref_slice %arg4[%add3A_26, %dma_wait3A_71] : memref<32768x128xf32, #tpu.memory_space<hbm>> -> memref<128x128xf32, #tpu.memory_space<hbm>>
      tpu.wait_dma2 semaphore(%run_scoped3A : memref<!tpu.dma_semaphore, #tpu.memory_space<semaphore_mem>>) src(%arg6 : memref<128x128xf32, #tpu.memory_space<vmem>>) dst(%dma_wait3A_72 : memref<128x128xf32, #tpu.memory_space<hbm>>)
      tpu.yield
    }) : () -> ()
    %add3A_33 = arith.constant 512 : i32
    %add3A_34 = arith.addi %mul3A_2, %add3A_33 : i32
    "tpu.region"() ({
      %run_scoped3A = tpu.sem_alloc : memref<!tpu.dma_semaphore, #tpu.memory_space<semaphore_mem>>
      %dma_start3A_65 = tpu.memref_slice %arg3[%add3A_34] : memref<32768xi32, #tpu.memory_space<hbm>> -> memref<128xi32, #tpu.memory_space<hbm>>
      %dma_start3A_66 = tpu.memref_slice %arg3[%add3A_34] : memref<32768xi32, #tpu.memory_space<hbm>> -> memref<128xi32, #tpu.memory_space<hbm>>
      tpu.enqueue_dma source(%dma_start3A_66 : memref<128xi32, #tpu.memory_space<hbm>>) target(%arg5 : memref<128xi32, #tpu.memory_space<vmem>>) target_semaphore(%run_scoped3A : memref<!tpu.dma_semaphore, #tpu.memory_space<semaphore_mem>>)
      %dma_wait3A_67 = tpu.memref_slice %arg3[%add3A_34] : memref<32768xi32, #tpu.memory_space<hbm>> -> memref<128xi32, #tpu.memory_space<hbm>>
      %dma_wait3A_68 = tpu.memref_slice %arg3[%add3A_34] : memref<32768xi32, #tpu.memory_space<hbm>> -> memref<128xi32, #tpu.memory_space<hbm>>
      tpu.wait_dma2 semaphore(%run_scoped3A : memref<!tpu.dma_semaphore, #tpu.memory_space<semaphore_mem>>) src(%dma_wait3A_68 : memref<128xi32, #tpu.memory_space<hbm>>) dst(%arg5 : memref<128xi32, #tpu.memory_space<vmem>>)
      tpu.yield
    }) : () -> ()
    %dma_start3A_35 = arith.constant 0 : i32
    %dma_start3A_36 = arith.constant 0 : i32
    %dma_start3A_37 = tpu.memref_slice %arg2[%dma_start3A_35, %dma_start3A_36] : memref<100000x128xf32, #tpu.memory_space<hbm>> -> memref<100000x128xf32, #tpu.memory_space<hbm>>
    tpu.enqueue_indirect_dma source(%dma_start3A_37 : memref<100000x128xf32, #tpu.memory_space<hbm>>) target(%arg6 : memref<128x128xf32, #tpu.memory_space<vmem>>) offsets(%arg5 : memref<128xi32, #tpu.memory_space<vmem>>) semaphore(%arg7 : memref<!tpu.dma_semaphore, #tpu.memory_space<semaphore_mem>>)
    %dma_wait3A_38 = arith.constant 0 : i32
    %dma_wait3A_39 = arith.constant 0 : i32
    %dma_wait3A_40 = tpu.memref_slice %arg2[%dma_wait3A_38, %dma_wait3A_39] : memref<100000x128xf32, #tpu.memory_space<hbm>> -> memref<100000x128xf32, #tpu.memory_space<hbm>>
    tpu.wait_indirect_dma semaphore(%arg7 : memref<!tpu.dma_semaphore, #tpu.memory_space<semaphore_mem>>) src(%dma_wait3A_40 : memref<100000x128xf32, #tpu.memory_space<hbm>>) dst(%arg6 : memref<128x128xf32, #tpu.memory_space<vmem>>)
    "tpu.region"() ({
      %run_scoped3A = tpu.sem_alloc : memref<!tpu.dma_semaphore, #tpu.memory_space<semaphore_mem>>
      %dma_start3A_65 = arith.constant 0 : i32
      %dma_start3A_66 = tpu.memref_slice %arg4[%add3A_34, %dma_start3A_65] : memref<32768x128xf32, #tpu.memory_space<hbm>> -> memref<128x128xf32, #tpu.memory_space<hbm>>
      %dma_start3A_67 = arith.constant 0 : i32
      %dma_start3A_68 = tpu.memref_slice %arg4[%add3A_34, %dma_start3A_67] : memref<32768x128xf32, #tpu.memory_space<hbm>> -> memref<128x128xf32, #tpu.memory_space<hbm>>
      tpu.enqueue_dma source(%arg6 : memref<128x128xf32, #tpu.memory_space<vmem>>) target(%dma_start3A_68 : memref<128x128xf32, #tpu.memory_space<hbm>>) target_semaphore(%run_scoped3A : memref<!tpu.dma_semaphore, #tpu.memory_space<semaphore_mem>>)
      %dma_wait3A_69 = arith.constant 0 : i32
      %dma_wait3A_70 = tpu.memref_slice %arg4[%add3A_34, %dma_wait3A_69] : memref<32768x128xf32, #tpu.memory_space<hbm>> -> memref<128x128xf32, #tpu.memory_space<hbm>>
      %dma_wait3A_71 = arith.constant 0 : i32
      %dma_wait3A_72 = tpu.memref_slice %arg4[%add3A_34, %dma_wait3A_71] : memref<32768x128xf32, #tpu.memory_space<hbm>> -> memref<128x128xf32, #tpu.memory_space<hbm>>
      tpu.wait_dma2 semaphore(%run_scoped3A : memref<!tpu.dma_semaphore, #tpu.memory_space<semaphore_mem>>) src(%arg6 : memref<128x128xf32, #tpu.memory_space<vmem>>) dst(%dma_wait3A_72 : memref<128x128xf32, #tpu.memory_space<hbm>>)
      tpu.yield
    }) : () -> ()
    %add3A_41 = arith.constant 640 : i32
    %add3A_42 = arith.addi %mul3A_2, %add3A_41 : i32
    "tpu.region"() ({
      %run_scoped3A = tpu.sem_alloc : memref<!tpu.dma_semaphore, #tpu.memory_space<semaphore_mem>>
      %dma_start3A_65 = tpu.memref_slice %arg3[%add3A_42] : memref<32768xi32, #tpu.memory_space<hbm>> -> memref<128xi32, #tpu.memory_space<hbm>>
      %dma_start3A_66 = tpu.memref_slice %arg3[%add3A_42] : memref<32768xi32, #tpu.memory_space<hbm>> -> memref<128xi32, #tpu.memory_space<hbm>>
      tpu.enqueue_dma source(%dma_start3A_66 : memref<128xi32, #tpu.memory_space<hbm>>) target(%arg5 : memref<128xi32, #tpu.memory_space<vmem>>) target_semaphore(%run_scoped3A : memref<!tpu.dma_semaphore, #tpu.memory_space<semaphore_mem>>)
      %dma_wait3A_67 = tpu.memref_slice %arg3[%add3A_42] : memref<32768xi32, #tpu.memory_space<hbm>> -> memref<128xi32, #tpu.memory_space<hbm>>
      %dma_wait3A_68 = tpu.memref_slice %arg3[%add3A_42] : memref<32768xi32, #tpu.memory_space<hbm>> -> memref<128xi32, #tpu.memory_space<hbm>>
      tpu.wait_dma2 semaphore(%run_scoped3A : memref<!tpu.dma_semaphore, #tpu.memory_space<semaphore_mem>>) src(%dma_wait3A_68 : memref<128xi32, #tpu.memory_space<hbm>>) dst(%arg5 : memref<128xi32, #tpu.memory_space<vmem>>)
      tpu.yield
    }) : () -> ()
    %dma_start3A_43 = arith.constant 0 : i32
    %dma_start3A_44 = arith.constant 0 : i32
    %dma_start3A_45 = tpu.memref_slice %arg2[%dma_start3A_43, %dma_start3A_44] : memref<100000x128xf32, #tpu.memory_space<hbm>> -> memref<100000x128xf32, #tpu.memory_space<hbm>>
    tpu.enqueue_indirect_dma source(%dma_start3A_45 : memref<100000x128xf32, #tpu.memory_space<hbm>>) target(%arg6 : memref<128x128xf32, #tpu.memory_space<vmem>>) offsets(%arg5 : memref<128xi32, #tpu.memory_space<vmem>>) semaphore(%arg7 : memref<!tpu.dma_semaphore, #tpu.memory_space<semaphore_mem>>)
    %dma_wait3A_46 = arith.constant 0 : i32
    %dma_wait3A_47 = arith.constant 0 : i32
    %dma_wait3A_48 = tpu.memref_slice %arg2[%dma_wait3A_46, %dma_wait3A_47] : memref<100000x128xf32, #tpu.memory_space<hbm>> -> memref<100000x128xf32, #tpu.memory_space<hbm>>
    tpu.wait_indirect_dma semaphore(%arg7 : memref<!tpu.dma_semaphore, #tpu.memory_space<semaphore_mem>>) src(%dma_wait3A_48 : memref<100000x128xf32, #tpu.memory_space<hbm>>) dst(%arg6 : memref<128x128xf32, #tpu.memory_space<vmem>>)
    "tpu.region"() ({
      %run_scoped3A = tpu.sem_alloc : memref<!tpu.dma_semaphore, #tpu.memory_space<semaphore_mem>>
      %dma_start3A_65 = arith.constant 0 : i32
      %dma_start3A_66 = tpu.memref_slice %arg4[%add3A_42, %dma_start3A_65] : memref<32768x128xf32, #tpu.memory_space<hbm>> -> memref<128x128xf32, #tpu.memory_space<hbm>>
      %dma_start3A_67 = arith.constant 0 : i32
      %dma_start3A_68 = tpu.memref_slice %arg4[%add3A_42, %dma_start3A_67] : memref<32768x128xf32, #tpu.memory_space<hbm>> -> memref<128x128xf32, #tpu.memory_space<hbm>>
      tpu.enqueue_dma source(%arg6 : memref<128x128xf32, #tpu.memory_space<vmem>>) target(%dma_start3A_68 : memref<128x128xf32, #tpu.memory_space<hbm>>) target_semaphore(%run_scoped3A : memref<!tpu.dma_semaphore, #tpu.memory_space<semaphore_mem>>)
      %dma_wait3A_69 = arith.constant 0 : i32
      %dma_wait3A_70 = tpu.memref_slice %arg4[%add3A_42, %dma_wait3A_69] : memref<32768x128xf32, #tpu.memory_space<hbm>> -> memref<128x128xf32, #tpu.memory_space<hbm>>
      %dma_wait3A_71 = arith.constant 0 : i32
      %dma_wait3A_72 = tpu.memref_slice %arg4[%add3A_42, %dma_wait3A_71] : memref<32768x128xf32, #tpu.memory_space<hbm>> -> memref<128x128xf32, #tpu.memory_space<hbm>>
      tpu.wait_dma2 semaphore(%run_scoped3A : memref<!tpu.dma_semaphore, #tpu.memory_space<semaphore_mem>>) src(%arg6 : memref<128x128xf32, #tpu.memory_space<vmem>>) dst(%dma_wait3A_72 : memref<128x128xf32, #tpu.memory_space<hbm>>)
      tpu.yield
    }) : () -> ()
    %add3A_49 = arith.constant 768 : i32
    %add3A_50 = arith.addi %mul3A_2, %add3A_49 : i32
    "tpu.region"() ({
      %run_scoped3A = tpu.sem_alloc : memref<!tpu.dma_semaphore, #tpu.memory_space<semaphore_mem>>
      %dma_start3A_65 = tpu.memref_slice %arg3[%add3A_50] : memref<32768xi32, #tpu.memory_space<hbm>> -> memref<128xi32, #tpu.memory_space<hbm>>
      %dma_start3A_66 = tpu.memref_slice %arg3[%add3A_50] : memref<32768xi32, #tpu.memory_space<hbm>> -> memref<128xi32, #tpu.memory_space<hbm>>
      tpu.enqueue_dma source(%dma_start3A_66 : memref<128xi32, #tpu.memory_space<hbm>>) target(%arg5 : memref<128xi32, #tpu.memory_space<vmem>>) target_semaphore(%run_scoped3A : memref<!tpu.dma_semaphore, #tpu.memory_space<semaphore_mem>>)
      %dma_wait3A_67 = tpu.memref_slice %arg3[%add3A_50] : memref<32768xi32, #tpu.memory_space<hbm>> -> memref<128xi32, #tpu.memory_space<hbm>>
      %dma_wait3A_68 = tpu.memref_slice %arg3[%add3A_50] : memref<32768xi32, #tpu.memory_space<hbm>> -> memref<128xi32, #tpu.memory_space<hbm>>
      tpu.wait_dma2 semaphore(%run_scoped3A : memref<!tpu.dma_semaphore, #tpu.memory_space<semaphore_mem>>) src(%dma_wait3A_68 : memref<128xi32, #tpu.memory_space<hbm>>) dst(%arg5 : memref<128xi32, #tpu.memory_space<vmem>>)
      tpu.yield
    }) : () -> ()
    %dma_start3A_51 = arith.constant 0 : i32
    %dma_start3A_52 = arith.constant 0 : i32
    %dma_start3A_53 = tpu.memref_slice %arg2[%dma_start3A_51, %dma_start3A_52] : memref<100000x128xf32, #tpu.memory_space<hbm>> -> memref<100000x128xf32, #tpu.memory_space<hbm>>
    tpu.enqueue_indirect_dma source(%dma_start3A_53 : memref<100000x128xf32, #tpu.memory_space<hbm>>) target(%arg6 : memref<128x128xf32, #tpu.memory_space<vmem>>) offsets(%arg5 : memref<128xi32, #tpu.memory_space<vmem>>) semaphore(%arg7 : memref<!tpu.dma_semaphore, #tpu.memory_space<semaphore_mem>>)
    %dma_wait3A_54 = arith.constant 0 : i32
    %dma_wait3A_55 = arith.constant 0 : i32
    %dma_wait3A_56 = tpu.memref_slice %arg2[%dma_wait3A_54, %dma_wait3A_55] : memref<100000x128xf32, #tpu.memory_space<hbm>> -> memref<100000x128xf32, #tpu.memory_space<hbm>>
    tpu.wait_indirect_dma semaphore(%arg7 : memref<!tpu.dma_semaphore, #tpu.memory_space<semaphore_mem>>) src(%dma_wait3A_56 : memref<100000x128xf32, #tpu.memory_space<hbm>>) dst(%arg6 : memref<128x128xf32, #tpu.memory_space<vmem>>)
    "tpu.region"() ({
      %run_scoped3A = tpu.sem_alloc : memref<!tpu.dma_semaphore, #tpu.memory_space<semaphore_mem>>
      %dma_start3A_65 = arith.constant 0 : i32
      %dma_start3A_66 = tpu.memref_slice %arg4[%add3A_50, %dma_start3A_65] : memref<32768x128xf32, #tpu.memory_space<hbm>> -> memref<128x128xf32, #tpu.memory_space<hbm>>
      %dma_start3A_67 = arith.constant 0 : i32
      %dma_start3A_68 = tpu.memref_slice %arg4[%add3A_50, %dma_start3A_67] : memref<32768x128xf32, #tpu.memory_space<hbm>> -> memref<128x128xf32, #tpu.memory_space<hbm>>
      tpu.enqueue_dma source(%arg6 : memref<128x128xf32, #tpu.memory_space<vmem>>) target(%dma_start3A_68 : memref<128x128xf32, #tpu.memory_space<hbm>>) target_semaphore(%run_scoped3A : memref<!tpu.dma_semaphore, #tpu.memory_space<semaphore_mem>>)
      %dma_wait3A_69 = arith.constant 0 : i32
      %dma_wait3A_70 = tpu.memref_slice %arg4[%add3A_50, %dma_wait3A_69] : memref<32768x128xf32, #tpu.memory_space<hbm>> -> memref<128x128xf32, #tpu.memory_space<hbm>>
      %dma_wait3A_71 = arith.constant 0 : i32
      %dma_wait3A_72 = tpu.memref_slice %arg4[%add3A_50, %dma_wait3A_71] : memref<32768x128xf32, #tpu.memory_space<hbm>> -> memref<128x128xf32, #tpu.memory_space<hbm>>
      tpu.wait_dma2 semaphore(%run_scoped3A : memref<!tpu.dma_semaphore, #tpu.memory_space<semaphore_mem>>) src(%arg6 : memref<128x128xf32, #tpu.memory_space<vmem>>) dst(%dma_wait3A_72 : memref<128x128xf32, #tpu.memory_space<hbm>>)
      tpu.yield
    }) : () -> ()
    %add3A_57 = arith.constant 896 : i32
    %add3A_58 = arith.addi %mul3A_2, %add3A_57 : i32
    "tpu.region"() ({
      %run_scoped3A = tpu.sem_alloc : memref<!tpu.dma_semaphore, #tpu.memory_space<semaphore_mem>>
      %dma_start3A_65 = tpu.memref_slice %arg3[%add3A_58] : memref<32768xi32, #tpu.memory_space<hbm>> -> memref<128xi32, #tpu.memory_space<hbm>>
      %dma_start3A_66 = tpu.memref_slice %arg3[%add3A_58] : memref<32768xi32, #tpu.memory_space<hbm>> -> memref<128xi32, #tpu.memory_space<hbm>>
      tpu.enqueue_dma source(%dma_start3A_66 : memref<128xi32, #tpu.memory_space<hbm>>) target(%arg5 : memref<128xi32, #tpu.memory_space<vmem>>) target_semaphore(%run_scoped3A : memref<!tpu.dma_semaphore, #tpu.memory_space<semaphore_mem>>)
      %dma_wait3A_67 = tpu.memref_slice %arg3[%add3A_58] : memref<32768xi32, #tpu.memory_space<hbm>> -> memref<128xi32, #tpu.memory_space<hbm>>
      %dma_wait3A_68 = tpu.memref_slice %arg3[%add3A_58] : memref<32768xi32, #tpu.memory_space<hbm>> -> memref<128xi32, #tpu.memory_space<hbm>>
      tpu.wait_dma2 semaphore(%run_scoped3A : memref<!tpu.dma_semaphore, #tpu.memory_space<semaphore_mem>>) src(%dma_wait3A_68 : memref<128xi32, #tpu.memory_space<hbm>>) dst(%arg5 : memref<128xi32, #tpu.memory_space<vmem>>)
      tpu.yield
    }) : () -> ()
    %dma_start3A_59 = arith.constant 0 : i32
    %dma_start3A_60 = arith.constant 0 : i32
    %dma_start3A_61 = tpu.memref_slice %arg2[%dma_start3A_59, %dma_start3A_60] : memref<100000x128xf32, #tpu.memory_space<hbm>> -> memref<100000x128xf32, #tpu.memory_space<hbm>>
    tpu.enqueue_indirect_dma source(%dma_start3A_61 : memref<100000x128xf32, #tpu.memory_space<hbm>>) target(%arg6 : memref<128x128xf32, #tpu.memory_space<vmem>>) offsets(%arg5 : memref<128xi32, #tpu.memory_space<vmem>>) semaphore(%arg7 : memref<!tpu.dma_semaphore, #tpu.memory_space<semaphore_mem>>)
    %dma_wait3A_62 = arith.constant 0 : i32
    %dma_wait3A_63 = arith.constant 0 : i32
    %dma_wait3A_64 = tpu.memref_slice %arg2[%dma_wait3A_62, %dma_wait3A_63] : memref<100000x128xf32, #tpu.memory_space<hbm>> -> memref<100000x128xf32, #tpu.memory_space<hbm>>
    tpu.wait_indirect_dma semaphore(%arg7 : memref<!tpu.dma_semaphore, #tpu.memory_space<semaphore_mem>>) src(%dma_wait3A_64 : memref<100000x128xf32, #tpu.memory_space<hbm>>) dst(%arg6 : memref<128x128xf32, #tpu.memory_space<vmem>>)
    "tpu.region"() ({
      %run_scoped3A = tpu.sem_alloc : memref<!tpu.dma_semaphore, #tpu.memory_space<semaphore_mem>>
      %dma_start3A_65 = arith.constant 0 : i32
      %dma_start3A_66 = tpu.memref_slice %arg4[%add3A_58, %dma_start3A_65] : memref<32768x128xf32, #tpu.memory_space<hbm>> -> memref<128x128xf32, #tpu.memory_space<hbm>>
      %dma_start3A_67 = arith.constant 0 : i32
      %dma_start3A_68 = tpu.memref_slice %arg4[%add3A_58, %dma_start3A_67] : memref<32768x128xf32, #tpu.memory_space<hbm>> -> memref<128x128xf32, #tpu.memory_space<hbm>>
      tpu.enqueue_dma source(%arg6 : memref<128x128xf32, #tpu.memory_space<vmem>>) target(%dma_start3A_68 : memref<128x128xf32, #tpu.memory_space<hbm>>) target_semaphore(%run_scoped3A : memref<!tpu.dma_semaphore, #tpu.memory_space<semaphore_mem>>)
      %dma_wait3A_69 = arith.constant 0 : i32
      %dma_wait3A_70 = tpu.memref_slice %arg4[%add3A_58, %dma_wait3A_69] : memref<32768x128xf32, #tpu.memory_space<hbm>> -> memref<128x128xf32, #tpu.memory_space<hbm>>
      %dma_wait3A_71 = arith.constant 0 : i32
      %dma_wait3A_72 = tpu.memref_slice %arg4[%add3A_58, %dma_wait3A_71] : memref<32768x128xf32, #tpu.memory_space<hbm>> -> memref<128x128xf32, #tpu.memory_space<hbm>>
      tpu.wait_dma2 semaphore(%run_scoped3A : memref<!tpu.dma_semaphore, #tpu.memory_space<semaphore_mem>>) src(%arg6 : memref<128x128xf32, #tpu.memory_space<vmem>>) dst(%dma_wait3A_72 : memref<128x128xf32, #tpu.memory_space<hbm>>)
      tpu.yield
    }) : () -> ()
    return
  }
}

module attributes {stable_mosaic.version = 14 : i64} {
  func.func @_dense_body(%arg0: i32, %arg1: memref<8x128xf32, #tpu.memory_space<vmem>>, %arg2: memref<128x128xf32, #tpu.memory_space<vmem>>, %arg3: memref<8x32x128xf32, #tpu.memory_space<vmem>>, %arg4: memref<8x128xf32, #tpu.memory_space<vmem>>, %arg5: memref<8x128xf32, #tpu.memory_space<vmem>>, %arg6: memref<8x32xf32, #tpu.memory_space<vmem>>, %arg7: memref<8x1xi32, #tpu.memory_space<vmem>>) attributes {dimension_semantics = [#tpu.dimension_semantics<arbitrary>], iteration_bounds = array<i64: 128>, scalar_prefetch = 0 : i64, scratch_operands = 0 : i64, tpu.core_type = #tpu.core_type<tc>, window_params = [{transform_indices = @transform_0, window_bounds = array<i64: 8, 128>}, {pipeline_mode = #tpu.pipeline_mode<synchronous>, transform_indices = @transform_1, window_bounds = array<i64: 128, 128>}, {transform_indices = @transform_2, window_bounds = array<i64: 8, 32, 128>}, {transform_indices = @transform_3, window_bounds = array<i64: 8, 128>}, {transform_indices = @transform_4, window_bounds = array<i64: 8, 128>}, {transform_indices = @transform_5, window_bounds = array<i64: 8, 32>}, {transform_indices = @transform_6, window_bounds = array<i64: 8, 1>}]} {
    %get3A = arith.constant 0 : index
    %get3A_0 = arith.constant 0 : index
    %get3A_1 = vector.load %arg1[%get3A, %get3A_0] : memref<8x128xf32, #tpu.memory_space<vmem>>, vector<8x128xf32>
    %get3A_2 = arith.constant 0 : index
    %get3A_3 = arith.constant 0 : index
    %get3A_4 = vector.load %arg2[%get3A_2, %get3A_3] : memref<128x128xf32, #tpu.memory_space<vmem>>, vector<128x128xf32>
    %dot_general3A = arith.constant dense<0.000000e+00> : vector<8x128xf32>
    %dot_general3A_5 = tpu.matmul %get3A_1, %get3A_4, %dot_general3A {dimension_numbers = #tpu.dot_dimension_numbers<[1], [1], [0], [0], [0, 0, 1, 0], [], []>, transpose_lhs_hint = false} : vector<8x128xf32>, vector<128x128xf32>, vector<8x128xf32> -> vector<8x128xf32>
    %swap3A = arith.constant 0 : index
    %swap3A_6 = arith.constant 0 : index
    %swap3A_7 = vector.load %arg4[%swap3A, %swap3A_6] : memref<8x128xf32, #tpu.memory_space<vmem>>, vector<8x128xf32>
    tpu.vector_store %arg4[%swap3A, %swap3A_6], %dot_general3A_5 {strides = array<i32>} : memref<8x128xf32, #tpu.memory_space<vmem>>, vector<8x128xf32>,
    %get3A_8 = arith.constant 0 : index
    %get3A_9 = arith.constant 0 : index
    %get3A_10 = arith.constant 0 : index
    %get3A_11 = vector.load %arg3[%get3A_8, %get3A_9, %get3A_10] : memref<8x32x128xf32, #tpu.memory_space<vmem>>, vector<8x32x128xf32>
    %reshape3A = vector.shape_cast %get3A_11 : vector<8x32x128xf32> to vector<256x128xf32>
    %convert_element_type3A = arith.truncf %reshape3A : vector<256x128xf32> to vector<256x128xbf16>
    %convert_element_type3A_12 = arith.truncf %dot_general3A_5 : vector<8x128xf32> to vector<8x128xbf16>
    %dot_general3A_13 = arith.constant dense<0.000000e+00> : vector<256x8xf32>
    %dot_general3A_14 = tpu.matmul %convert_element_type3A, %convert_element_type3A_12, %dot_general3A_13 {dimension_numbers = #tpu.dot_dimension_numbers<[1], [1], [0], [0], [0, 0, 1, 0], [], []>, transpose_lhs_hint = false} : vector<256x128xbf16>, vector<8x128xbf16>, vector<256x8xf32> -> vector<256x8xf32>
    %iota3A = tpu.iota {dimensions = array<i32: 0>} : vector<256x8xi32>
    %jit3A = arith.constant 32 : i32
    %div3A = vector.broadcast %jit3A : i32 to vector<256x8xi32>
    %div3A_15 = arith.divsi %iota3A, %div3A : vector<256x8xi32>
    %sign3A = arith.constant 0 : i32
    %sign3A_16 = vector.broadcast %sign3A : i32 to vector<256x8xi32>
    %sign3A_17 = arith.cmpi sgt, %iota3A, %sign3A_16 : vector<256x8xi32>
    %sign3A_18 = arith.extui %sign3A_17 : vector<256x8xi1> to vector<256x8xi32>
    %sign3A_19 = arith.constant 0 : i32
    %sign3A_20 = vector.broadcast %sign3A_19 : i32 to vector<256x8xi32>
    %sign3A_21 = arith.cmpi slt, %iota3A, %sign3A_20 : vector<256x8xi32>
    %sign3A_22 = arith.extui %sign3A_21 : vector<256x8xi1> to vector<256x8xi32>
    %sign3A_23 = arith.subi %sign3A_18, %sign3A_22 : vector<256x8xi32>
    %sign3A_24 = arith.constant 0 : i32
    %sign3A_25 = arith.cmpi sgt, %jit3A, %sign3A_24 : i32
    %sign3A_26 = arith.extui %sign3A_25 : i1 to i32
    %sign3A_27 = arith.constant 0 : i32
    %sign3A_28 = arith.cmpi slt, %jit3A, %sign3A_27 : i32
    %sign3A_29 = arith.extui %sign3A_28 : i1 to i32
    %sign3A_30 = arith.subi %sign3A_26, %sign3A_29 : i32
    %ne3A = vector.broadcast %sign3A_30 : i32 to vector<256x8xi32>
    %ne3A_31 = arith.cmpi ne, %sign3A_23, %ne3A : vector<256x8xi32>
    %rem3A = vector.broadcast %jit3A : i32 to vector<256x8xi32>
    %rem3A_32 = arith.remsi %iota3A, %rem3A : vector<256x8xi32>
    %ne3A_33 = arith.constant 0 : i32
    %ne3A_34 = vector.broadcast %ne3A_33 : i32 to vector<256x8xi32>
    %ne3A_35 = arith.cmpi ne, %rem3A_32, %ne3A_34 : vector<256x8xi32>
    %and3A = arith.andi %ne3A_31, %ne3A_35 : vector<256x8xi1>
    %sub3A = arith.constant 1 : i32
    %sub3A_36 = vector.broadcast %sub3A : i32 to vector<256x8xi32>
    %sub3A_37 = arith.subi %div3A_15, %sub3A_36 : vector<256x8xi32>
    %select_n3A = arith.select %and3A, %sub3A_37, %div3A_15 : vector<256x8xi1>, vector<256x8xi32>
    %iota3A_38 = tpu.iota {dimensions = array<i32: 1>} : vector<256x8xi32>
    %eq3A = arith.cmpi eq, %select_n3A, %iota3A_38 : vector<256x8xi32>
    %jit3A_39 = arith.constant 0.000000e+00 : f32
    %broadcast_in_dim3A = vector.broadcast %jit3A_39 : f32 to vector<256x8xf32>
    %select_n3A_40 = arith.select %eq3A, %dot_general3A_14, %broadcast_in_dim3A : vector<256x8xi1>, vector<256x8xf32>
    %reduce_sum3A = arith.constant dense<0.000000e+00> : vector<256xf32>
    %reduce_sum3A_41 = vector.multi_reduction <add>, %select_n3A_40, %reduce_sum3A [1] : vector<256x8xf32> to vector<256xf32>
    %reshape3A_42 = vector.shape_cast %reduce_sum3A_41 : vector<256xf32> to vector<8x32xf32>
    %reduce_max3A = arith.constant dense<0xFF800000> : vector<8xf32>
    %reduce_max3A_43 = vector.multi_reduction <maximumf>, %reshape3A_42, %reduce_max3A [1] : vector<8x32xf32> to vector<8xf32>
    %broadcast_in_dim3A_44 = vector.shape_cast %reduce_max3A_43 : vector<8xf32> to vector<8x1xf32>
    %sub3A_45 = vector.broadcast %broadcast_in_dim3A_44 : vector<8x1xf32> to vector<8x32xf32>
    %sub3A_46 = arith.subf %reshape3A_42, %sub3A_45 : vector<8x32xf32>
    %exp3A = math.exp %sub3A_46 : vector<8x32xf32>
    %reduce_sum3A_47 = arith.constant dense<0.000000e+00> : vector<8xf32>
    %reduce_sum3A_48 = vector.multi_reduction <add>, %exp3A, %reduce_sum3A_47 [1] : vector<8x32xf32> to vector<8xf32>
    %broadcast_in_dim3A_49 = vector.shape_cast %reduce_sum3A_48 : vector<8xf32> to vector<8x1xf32>
    %div3A_50 = vector.broadcast %broadcast_in_dim3A_49 : vector<8x1xf32> to vector<8x32xf32>
    %div3A_51 = arith.divf %exp3A, %div3A_50 : vector<8x32xf32>
    %swap3A_52 = arith.constant 0 : index
    %swap3A_53 = arith.constant 0 : index
    %swap3A_54 = vector.load %arg6[%swap3A_52, %swap3A_53] : memref<8x32xf32, #tpu.memory_space<vmem>>, vector<8x32xf32>
    tpu.vector_store %arg6[%swap3A_52, %swap3A_53], %div3A_51 {strides = array<i32>} : memref<8x32xf32, #tpu.memory_space<vmem>>, vector<8x32xf32>,
    %broadcast_in_dim3A_55 = vector.shape_cast %div3A_51 : vector<8x32xf32> to vector<8x32x1xf32>
    %mul3A = vector.broadcast %broadcast_in_dim3A_55 : vector<8x32x1xf32> to vector<8x32x128xf32>
    %mul3A_56 = arith.mulf %get3A_11, %mul3A : vector<8x32x128xf32>
    %reduce_sum3A_57 = arith.constant dense<0.000000e+00> : vector<8x128xf32>
    %reduce_sum3A_58 = vector.multi_reduction <add>, %mul3A_56, %reduce_sum3A_57 [1] : vector<8x32x128xf32> to vector<8x128xf32>
    %swap3A_59 = arith.constant 0 : index
    %swap3A_60 = arith.constant 0 : index
    %swap3A_61 = vector.load %arg5[%swap3A_59, %swap3A_60] : memref<8x128xf32, #tpu.memory_space<vmem>>, vector<8x128xf32>
    tpu.vector_store %arg5[%swap3A_59, %swap3A_60], %reduce_sum3A_58 {strides = array<i32>} : memref<8x128xf32, #tpu.memory_space<vmem>>, vector<8x128xf32>,
    %iota3A_62 = tpu.iota {dimensions = array<i32: 1>} : vector<8x32xi32>
    %eq3A_63 = vector.broadcast %broadcast_in_dim3A_44 : vector<8x1xf32> to vector<8x32xf32>
    %eq3A_64 = arith.cmpf oeq, %reshape3A_42, %eq3A_63 : vector<8x32xf32>
    %jit3A_65 = arith.constant 1073741824 : i32
    %broadcast_in_dim3A_66 = vector.broadcast %jit3A_65 : i32 to vector<8x32xi32>
    %select_n3A_67 = arith.select %eq3A_64, %iota3A_62, %broadcast_in_dim3A_66 : vector<8x32xi1>, vector<8x32xi32>
    %reduce_min3A = arith.constant dense<2147483647> : vector<8xi32>
    %reduce_min3A_68 = vector.multi_reduction <minsi>, %select_n3A_67, %reduce_min3A [1] : vector<8x32xi32> to vector<8xi32>
    %broadcast_in_dim3A_69 = vector.shape_cast %reduce_min3A_68 : vector<8xi32> to vector<8x1xi32>
    %swap3A_70 = arith.constant 0 : index
    %swap3A_71 = arith.constant 0 : index
    %swap3A_72 = vector.load %arg7[%swap3A_70, %swap3A_71] : memref<8x1xi32, #tpu.memory_space<vmem>>, vector<8x1xi32>
    tpu.vector_store %arg7[%swap3A_70, %swap3A_71], %broadcast_in_dim3A_69 {strides = array<i32>} : memref<8x1xi32, #tpu.memory_space<vmem>>, vector<8x1xi32>,
    return
  }
  func.func @transform_0(%arg0: i32) -> (i32, i32) {
    %c0_i32 = arith.constant 0 : i32
    %c0_i32_0 = arith.constant 0 : i32
    return %arg0, %c0_i32 : i32, i32
  }
  func.func @transform_1(%arg0: i32) -> (i32, i32) {
    %c0_i32 = arith.constant 0 : i32
    %c0_i32_0 = arith.constant 0 : i32
    %c0_i32_1 = arith.constant 0 : i32
    return %c0_i32, %c0_i32_0 : i32, i32
  }
  func.func @transform_2(%arg0: i32) -> (i32, i32, i32) {
    %c0_i32 = arith.constant 0 : i32
    %c0_i32_0 = arith.constant 0 : i32
    %c0_i32_1 = arith.constant 0 : i32
    return %arg0, %c0_i32, %c0_i32_0 : i32, i32, i32
  }
  func.func @transform_3(%arg0: i32) -> (i32, i32) {
    %c0_i32 = arith.constant 0 : i32
    %c0_i32_0 = arith.constant 0 : i32
    return %arg0, %c0_i32 : i32, i32
  }
  func.func @transform_4(%arg0: i32) -> (i32, i32) {
    %c0_i32 = arith.constant 0 : i32
    %c0_i32_0 = arith.constant 0 : i32
    return %arg0, %c0_i32 : i32, i32
  }
  func.func @transform_5(%arg0: i32) -> (i32, i32) {
    %c0_i32 = arith.constant 0 : i32
    %c0_i32_0 = arith.constant 0 : i32
    return %arg0, %c0_i32 : i32, i32
  }
  func.func @transform_6(%arg0: i32) -> (i32, i32) {
    %c0_i32 = arith.constant 0 : i32
    %c0_i32_0 = arith.constant 0 : i32
    return %arg0, %c0_i32 : i32, i32
  }
}

</mosaic_0001>

<sc_bundles>
// kernel: kernel.5.cloned.1.call-start
scs
__scs_entry_jumppad:
0x0: {  	(pc) =	sbr.rel $0x88, $3  }
0x1: {  	(tag) =	ssettag $0x0;
	lr =	simm.s32 $0x1  }
0x2: {  	[smem:$0x3F9D] =	sst lr;
	_ =	strace $0xD0000000  }
0x3: {  	_ = 	snop  }
0x4: {  	_ = 	snop  }
0x5: {  	_ = 	snop  }
0x6: {  	_ = 	snop  }
0x7: {  	_ = 	snop  }
__scs_overlays_trampoline_lowered:
0x8: {  	[smem:$0x3FAC] =	sst s0  }
0x9: {  	[smem:$0x3FAD] =	sst s1  }
0xa: {  	[smem:$0x3FAE] =	sst s2  }
0xb: {  	[smem:$0x3FAF] =	sst s3  }
0xc: {  	[smem:$0x3FB0] =	sst s4  }
0xd: {  	[smem:$0x3FB1] =	sst s5  }
0xe: {  	[smem:$0x3FB2] =	sst s6  }
0xf: {  	[smem:$0x3FB3] =	sst s7  }
0x10: {  	[smem:$0x3FB4] =	sst s8  }
0x11: {  	[smem:$0x3FB5] =	sst s9;
	s0 =	simm.s32 @!p0 $0x0  }
0x12: {  	s1 =	sld [smem:$0x3F9B];
	s0 =	simm.s32 @p0 $0x1  }
0x13: {  	[smem:$0x3FB6] =	sst s0;
	s0 =	simm.s32 @!p1 $0x0  }
0x14: {  	s2 =	sld [smem:$0x3F9A];
	s0 =	simm.s32 @p1 $0x1  }
0x15: {  	[smem:$0x3FB7] =	sst s0;
	s0 =	simm.s32 @!p2 $0x0  }
0x16: {  	s3 =	sld [smem:$0x3FDB];
	s0 =	simm.s32 @p2 $0x1  }
0x17: {  	s4 =	simm.s32 $0x1BF5;
	[smem:$0x3FB9] =	sst s0  }
0x18: {  	s0 =	sld [smem:$0x3F9C];
	_ =	swait.ge [sflag:s4], $0x0  }
0x19: {  	s7 =	sld [smem:$0x3F9D]  }
0x1a: {  	s8 =	sadd.s32 $0xFFFFE003, lr  }
0x1b: {  	s9 =	sadd.s32 $0xFFFFFEF7, lr;
	s5 =	simm.s32 $0xFFFFFFFF;
	p2 =	slt.u32 s8, $0xFFFFF086  }
0x1c: {  	p1 =	slt.u32 s9, $0xF7A;
	s5 =	simm.s32 @!p2 $0x0  }
0x1d: {  	s5 =	simm.s32 @p1 $0x1;
	p0 =	seq.s32 s7, s2  }
0x1e: {  	s7 =	smul.u32 @!p0 $0xF7A, s2;
	p2 =	seq.s32 @!p0 s5, $0x0  }
0x1f: {  	s9 =	smul.u32 $0xF7A, s1;
	s8 =	simm.s32 @!p0 $0x1BF5;
	p2 =	por !p2, p0  }
0x20: {  	[sflag:s8] =	ssyncset.s32 @!p0 $0xFFFFF086;
	s6 =	sadd.s32 @!p0 s3, s7;
	s7 =	simm.s32 @!p0 $0x108  }
0x21: {  	s3 =	sadd.s32 s3, s9;
	s6 =	sadd.s32 @!p0 $0x88, s6;
	s7 =	simm.s32 @p2 $0x1082  }
0x22: {  	[simem:s7], [sflag:s8] =	dma.local @!p0 [hbm:s6], $0xF7A  }
0x23: {  	s9 =	sor.u32 $0xD0000000, s2;
	s6 =	simm.s32 $0x108;
	_ =	swait.ge @!p0 [sflag:s8], $0x0  }
0x24: {  	s3 =	sadd.s32 $0x88, s3;
	s6 =	simm.s32 @!p1 $0x1082;
	[sflag:s4] =	ssyncset.s32 $0xFFFFF086  }
0x25: {  	[simem:s6], [sflag:s4] =	dma.local [hbm:s3], $0xF7A  }
0x26: {  	[smem:$0x3F9D] =	sst s1;
	(tag) =	ssettag s2;
	_ =	strace s9  }
0x27: {  	s1 =	sld [smem:$0x3FAD]  }
0x28: {  	s2 =	sld [smem:$0x3FAE]  }
0x29: {  	s4 =	sld [smem:$0x3FB0]  }
0x2a: {  	p0 =	seq.s32 s5, $0x0;
	s5 =	sld [smem:$0x3FB1]  }
0x2b: {  	s6 =	sld [smem:$0x3FB2]  }
0x2c: {  	s7 =	sld [smem:$0x3FB3]  }
0x2d: {  	s3 =	simm.s32 $0x108;
	s8 =	sld [smem:$0x3FB4]  }
0x2e: {  	s3 =	simm.s32 @!p0 $0x1082;
	s9 =	sld [smem:$0x3FB5]  }
0x2f: {  	lr =	sadd.s32 s0, s3;
	s0 =	sld [smem:$0x3FAC]  }
0x30: {  	s3 =	sld [smem:$0x3FAF]  }
0x31: {  	[smem:$0x3FB8] =	sst s10  }
0x32: {  	s10 =	sld [smem:$0x3FB6];
	_ =	sdelay $0x3  }
0x33: {  	p0 =	seq.s32 s10, $0x1;
	s10 =	sld [smem:$0x3FB8];
	_ =	sdelay $0x3  }
0x34: {  	[smem:$0x3FB8] =	sst s10  }
0x35: {  	s10 =	sld [smem:$0x3FB7];
	_ =	sdelay $0x3  }
0x36: {  	p1 =	seq.s32 s10, $0x1;
	s10 =	sld [smem:$0x3FB8];
	_ =	sdelay $0x3  }
0x37: {  	[smem:$0x3FB8] =	sst s10  }
0x38: {  	s10 =	sld [smem:$0x3FB9]  }
0x39: {  	_ = 	snop;
	(pc) =	sbr.ind lr, $3  }
0x3a: {  	_ = 	snop  }
0x3b: {  	_ = 	snop  }
0x3c: {  	p2 =	seq.s32 s10, $0x1;
	s10 =	sld [smem:$0x3FB8]  }
0x3d: {  	_ =	shalt  }
0x3e: {  	_ =	shalt  }
0x3f: {  	_ =	shalt  }
0x40: {  	_ =	shalt  }
0x41: {  	_ =	shalt  }
0x42: {  	_ =	shalt  }
0x43: {  	_ =	shalt  }
0x44: {  	_ =	shalt  }
0x45: {  	_ =	shalt  }
0x46: {  	_ =	shalt  }
0x47: {  	_ =	shalt  }
0x48: {  	_ =	shalt  }
0x49: {  	_ =	shalt  }
0x4a: {  	_ =	shalt  }
0x4b: {  	_ =	shalt  }
0x4c: {  	_ =	shalt  }
0x4d: {  	_ =	shalt  }
0x4e: {  	_ =	shalt  }
0x4f: {  	_ =	shalt  }
0x50: {  	_ =	shalt  }
0x51: {  	_ =	shalt  }
0x52: {  	_ =	shalt  }
0x53: {  	_ =	shalt  }
0x54: {  	_ =	shalt  }
0x55: {  	_ =	shalt  }
0x56: {  	_ =	shalt  }
0x57: {  	_ =	shalt  }
0x58: {  	_ =	shalt  }
0x59: {  	_ =	shalt  }
0x5a: {  	_ =	shalt  }
0x5b: {  	_ =	shalt  }
0x5c: {  	_ =	shalt  }
0x5d: {  	_ =	shalt  }
0x5e: {  	_ =	shalt  }
0x5f: {  	_ =	shalt  }
0x60: {  	_ =	shalt  }
0x61: {  	_ =	shalt  }
0x62: {  	_ =	shalt  }
0x63: {  	_ =	shalt  }
0x64: {  	_ =	shalt  }
0x65: {  	_ =	shalt  }
0x66: {  	_ =	shalt  }
0x67: {  	_ =	shalt  }
0x68: {  	_ =	shalt  }
0x69: {  	_ =	shalt  }
0x6a: {  	_ =	shalt  }
0x6b: {  	_ =	shalt  }
0x6c: {  	_ =	shalt  }
0x6d: {  	_ =	shalt  }
0x6e: {  	_ =	shalt  }
0x6f: {  	_ =	shalt  }
0x70: {  	_ =	shalt  }
0x71: {  	_ =	shalt  }
0x72: {  	_ =	shalt  }
0x73: {  	_ =	shalt  }
0x74: {  	_ =	shalt  }
0x75: {  	_ =	shalt  }
0x76: {  	_ =	shalt  }
0x77: {  	_ =	shalt  }
0x78: {  	_ =	shalt  }
0x79: {  	_ =	shalt  }
0x7a: {  	_ =	shalt  }
0x7b: {  	_ =	shalt  }
0x7c: {  	_ =	shalt  }
0x7d: {  	_ =	shalt  }
0x7e: {  	_ =	shalt  }
0x7f: {  	_ =	shalt  }
0x80: {  	_ =	shalt  }
0x81: {  	_ =	shalt  }
0x82: {  	_ =	shalt  }
0x83: {  	_ =	shalt  }
0x84: {  	_ =	shalt  }
0x85: {  	_ =	shalt  }
0x86: {  	_ =	shalt  }
0x87: {  	_ =	shalt  }
.Lfunc_end0:
.L_simem_size_0:
called_computation_lowered:
.L_overlay_start_0:
0x88: {  	s2 =	sld [smem:$0x3FD9]  }
0x89: {  	s3 =	sld [smem:$0x3FFE];
	_ =	sdelay $0x1  }
0x8a: {  	s1 =	srdreg.scid  }
0x8b: {  	s0 =	sand.u32 $0x1, s1  }
0x8c: {  	s14 =	sshll.u32 s0, $0xA;
	s2 =	sadd.s32 s3, s2  }
0x8d: {  	s2 =	sadd.s32 s2, s14  }
0x8e: {  	[smem:$0x3FC4] =	sst s2  }
0x8f: {  	_ = 	snop  }
0x90: {  	s2 =	sld [smem:$0x3FD0];
	_ =	sdelay $0x2  }
0x91: {  	s15 =	simm.s32 $0xA;
	s4 =	simm.s32 $0x10  }
0x92: {  	[smem:s4], [sflag:s15] =	dma.local [hbm:s2], $0x1  }
0x93: {  	_ =	swait.eq [sflag:s15], $0x1  }
0x94: {  	[sflag:s15] =	ssyncset.done $0x0  }
0x95: {  	[sflag:s15] =	ssyncadd.s32 $0xFFFFFFFF  }
0x96: {  	s16 =	sld [smem:$0x12];
	(tm) =	ssettm $0x1  }
0x97: {  	s17 =	sld [smem:$0x3FFB];
	_ =	sdelay $0x3  }
0x98: {  	_ =	strace s17  }
0x99: {  	s3 =	sld [smem:$0x3FFC];
	_ =	sdelay $0x3  }
0x9a: {  	_ =	strace s3  }
0x9b: {  	s3 =	sld [smem:$0x3FFD];
	_ =	sdelay $0x3  }
0x9c: {  	_ =	strace s3  }
0x9d: {  	_ =	strace $0x8FFFFFFF  }
0x9e: {  	s18 =	sld [smem:$0x3FDB];
	_ =	sdelay $0x1  }
0x9f: {  	s19 =	simm.s32 $_scs_section_size  }
0xa0: {  	s5 =	simm.s32 $_size__tile_overlayer_lowered;
	s6 =	simm.s32 $_tile_overlayer_lowered  }
0xa1: {  	s22 =	simm.s32 $0x1BFF;
	s21 =	sshll.u32 s6, $0x1;
	s3 =	sadd.s32 s19, s18  }
0xa2: {  	s7 =	simm.s32 $0x0;
	s20 =	sshll.u32 s5, $0x1;
	s5 =	sadd.s32 s21, s3  }
0xa3: {  	[timem:s7], [sflag:s22] =	dma.local [hbm:s5], s20  }
0xa4: {  	_ =	swait.ge [sflag:s22], s20  }
0xa5: {  	s4 =	ssub.s32 $0x0, s20;
	[sflag:s22] =	ssyncset.done $0x0  }
0xa6: {  	[sflag:s22] =	ssyncadd.s32 s4;
	_ =	sdelay $0x1  }
0xa7: {  	s23 =	simm.s32 $0x1B8B  }
0xa8: {  	_ =	swait.ge [sflag:s23], $0x1  }
0xa9: {  	[sflag:s23] =	ssyncset.done $0x0  }
0xaa: {  	s25 =	simm.s32 $0x1B8E;
	s24 =	sld [smem:$0x3FFE];
	[sflag:s23] =	ssyncadd.s32 $0xFFFFFFFF  }
0xab: {  	s26 =	simm.s32 $execute0_lowered;
	[smem:$0x3FD2] =	sst s25  }
0xac: {  	s5 =	sshll.u32 s26, $0x1;
	_ =	strace $0x80000046;
	[dreg:$0x1] =	wrdreg $0xFFFFFFFF  }
0xad: {  	s28 =	simm.s32 $_size_execute0_lowered;
	s3 =	sadd.s32 s3, s5;
	[dreg:$0x0] =	wrdreg $0x0  }
0xae: {  	s5 =	sshll.u32 s28, $0x1;
	[dreg:$0x2] =	wrdreg s3  }
0xaf: {  	[dreg:$0x3] =	wrdreg s5  }
0xb0: {  	[dreg:$0x4] =	wrdreg $0xC0  }
0xb1: {  	_ =	task [dreg:s7], $0x5FFFF  }
0xb2: {  	[dreg:$0x1] =	wrdreg $0xFFFFFFFF  }
0xb3: {  	[dreg:$0x0] =	wrdreg $0x60  }
0xb4: {  	[dreg:$0x2] =	wrdreg s24  }
0xb5: {  	[dreg:$0x3] =	wrdreg s16  }
0xb6: {  	[dreg:$0x4] =	wrdreg $0x9  }
0xb7: {  	_ =	task.clear_ibuf [dreg:s7], $0x5FFFF;
	_ =	strace $0x90000046  }
0xb8: {  	s29 =	simm.s32 $0x9;
	_ =	strace $0x80000048  }
0xb9: {  	_ =	swait.ge [sflag:s29], $0x1  }
0xba: {  	[sflag:s29] =	ssyncadd.s32 $0xFFFFFFFF  }
0xbb: {  	_ =	strace $0x90000048  }
0xbc: {  	_ =	sfence  }
0xbd: {  	s30 =	sld [smem:$0x0];
	_ =	sdelay $0x2  }
0xbe: {  	s31 =	sshll.u32 s1, $0xD;
	s1 =	sshrl.u32 s1, $0x2  }
0xbf: {  	s3 =	sand.u32 $0x4000, s31;
	s1 =	sadd.s32 s1, s30  }
0xc0: {  	s0 =	sor.u32 s3, s0;
	s1 =	sshll.u32 s1, $0x11  }
0xc1: {  	s0 =	sor.u32 s1, s0  }
0xc2: {  	s0 =	sadd.s32 $0x8F2B, s0  }
0xc3: {  	[sflag:s0] =	ssyncadd.remote.s32 $0x1  }
0xc4: {  	_ =	sfence.sel $0xFFFF  }
0xc5: {  	[dreg:$0x0] =	wrdreg $0xFFFFFFFF;
	(pc) =	sbr.abs _section_cstart, $3  }
0xc6: {  	[dreg:$0x1] =	wrdreg $0xFFFFFFFF  }
0xc7: {  	_ =	task.clear_ibuf [dreg:s7], $0x2FFFF;
	_ =	strace $0x9FFFFFFF  }
0xc8: {  	(tm) =	ssettm $0x7FFFFFFF  }
0xc9: {  	_ =	shalt  }
tec
execute0_lowered:
.L_overlay_start_1:
0x0: {  	(tag) =	ssettag $0x1  }
0x1: {  	s4 =	rddreg [dreg:$0x0]  }
0x2: {  	s1 =	rddreg [dreg:$0x1];
	s2 =	simm.s32 $0x0  }
0x3: {  	[smem:$0x7FF] =	sst s2  }
0x4: {  	s0 =	rddreg [dreg:$0x2];
	v0 =	vimm.f32 $-Inf;
	_ =	strace $0x80000047  }
0x5: {  	(xrf0) =	vmax.scan.msk.f32 $0xffff, v0;
	_ =	sdelay $0x1  }
0x6: {  	vm1 =	vmmov $0x3;
	v2 =	vimm.s32 $0x0  }
0x7: {  	v2 =	vsel vm1, $0xFFFFFFFF, v2  }
0x8: {  	vm2 =	vmmov $0x7;
	[tilespmem:$0x1FF60] =	vst v2;
	v2 =	vimm.s32 $0x0  }
0x9: {  	v2 =	vsel vm2, $0xFFFFFFFF, v2  }
0xa: {  	vm4 =	vmmov $0x1f;
	[tilespmem:$0x1FF70] =	vst v2;
	v2 =	vimm.s32 $0x0;
	v0, _, _ =	vpop (xrf0)  }
0xb: {  	v2 =	vsel vm4, $0xFFFFFFFF, v2;
	(v2sf) =	vpush v0, $0xF  }
0xc: {  	vm7 =	vmmov $0x7f;
	[tilespmem:$0x1FF80] =	vst v2;
	v2 =	vimm.s32 $0x0  }
0xd: {  	v2 =	vsel vm7, $0xFFFFFFFF, v2  }
0xe: {  	vm9 =	vmmov $0x1ff;
	[tilespmem:$0x1FF90] =	vst v2;
	v2 =	vimm.s32 $0x0  }
0xf: {  	v2 =	vsel vm9, $0xFFFFFFFF, v2  }
0x10: {  	vm11 =	vmmov $0x7ff;
	[tilespmem:$0x1FFA0] =	vst v2;
	v2 =	vimm.s32 $0x0  }
0x11: {  	v2 =	vsel vm11, $0xFFFFFFFF, v2  }
0x12: {  	vm13 =	vmmov $0x1fff;
	[tilespmem:$0x1FFB0] =	vst v2;
	v2 =	vimm.s32 $0x0  }
0x13: {  	v2 =	vsel vm13, $0xFFFFFFFF, v2  }
0x14: {  	s5 =	srdreg.scid;
	s3 =	stileid.u32;
	s9 =	simm.s32 $0xC380;
	vm14 =	vmmov $0x7fff;
	[tilespmem:$0x1FFC0] =	vst v2;
	v2 =	vimm.s32 $0x0  }
0x15: {  	s10 =	simm.s32 $0x1;
	s11 =	simm.s32 $0x2;
	s12 =	simm.s32 $0x19A80;
	v2 =	vsel vm14, $0xFFFFFFFF, v2  }
.Ltmp0:
0x16: {  	vm0 =	vmmov $0x1;
	vm12 =	vmmov $0x3fff;
	s5 =	sand.u32 $0x1, s5;
	s6 =	sshll.u32 s3, $0x1;
	[tilespmem:$0x1FFD0] =	vst v2;
	v2 =	vimm.s32 $0x0;
	(pc) =	sbr.rel .LBB2_1-.Ltmp0, $4  }
0x17: {  	vm5 =	vmmov $0x3f;
	s13 =	simm.s32 $0x3;
	s7 =	ssub.s32 $0x2, s5;
	s5 =	sor.u32 s5, s6;
	v0 =	vimm.s32 $0x0;
	v2 =	vsel vm12, $0xFFFFFFFF, v2  }
0x18: {  	vm3 =	vmmov $0xf;
	s14 =	simm.s32 $0x0;
	s31 =	sshrl.u32 s7, $0x1;
	s8 =	smul.u32 $0x61A80, s5;
	v0 =	vsel vm5, $0xFFFFFFFF, v0;
	[tilespmem:$0x1FFE0] =	vst v2;
	v2 =	vimm.s32 $0x0  }
0x19: {  	vm6 =	vmmov $0xff;
	s4 =	sadd.s32 $0xC38C00, s4;
	s5 =	sshll.u32 s5, $0x5;
	s7 =	ssub.s32 s7, s31;
	[tilespmem:$0x1FF50] =	vst v0;
	v0 =	vlaneseq.u32;
	v2 =	vsel vm0, $0xFFFFFFFF, v2  }
0x1a: {  	vm8 =	vmmov $0x3ff;
	vm10 =	vmmov $0xfff;
	s6 =	sadd.s32 s4, s8;
	s7 =	smax.u32 s7, $0x1;
	v1 =	vor.u32 $0xC30, v0;
	[tilespmem:$0x1FFF0] =	vst v2;
	s8 =	spop (v2sf)  }
.LBB2_48:
0x1b: {  	s14 =	sadd.s32 $0x1, s14  }
0x1c: {  	p0 =	sne.s32 s14, s7  }
.Ltmp1:
0x1d: {  	_ = 	snop;
	(pc) =	sbr.rel @!p0 .LBB2_49-.Ltmp1, $1  }
0x1e: {  	_ =	sdelay $0x3  }
.LBB2_1:
.Ltmp2:
0x1f: {  	(pc) =	sbr.rel .LBB2_2-.Ltmp2, $3  }
0x20: {  	_ =	sdelay $0x1  }
0x21: {  	[tilespmem:s2], [sflag:$0x1] =	stream.linear.gather [hbm4b:s6+s2], $0xC350, $0x38;
	[tilespmem:$0x19B00] =	vst v63  }
0x22: {  	s16 =	simm.s32 $0x0  }
.LBB2_47:
0x23: {  	[tilespmem:$0x19A80] =	vst v3;
	s15 =	sshll.u32 s15, $0x2  }
0x24: {  	[tilespmem:$0x19A90] =	vst v2;
	s15 =	sadd.s32 s1, s15  }
0x25: {  	[hbm4b:s15+s2] =	stream.linear.scatter [tilespmem:s12], [sflag:$0x3], $0x20, $0x38;
	[tilespmem:$0x19B00] =	vst v63  }
0x26: {  	_ =	swait.ge [sflag:s13], $0x20  }
0x27: {  	p0 =	sne.s32 s16, $0x20;
	v2 =	vld [tilespmem:$0x1FF60]  }
.Ltmp3:
0x28: {  	_ = 	snop;
	(pc) =	sbr.rel @!p0 .LBB2_48-.Ltmp3, $3  }
0x29: {  	_ =	sdelay $0x1  }
0x2a: {  	[sflag:s13] =	ssyncset.done $0x0  }
0x2b: {  	[sflag:s13] =	ssyncadd.s32 $0xFFFFFFE0;
	vm1 =	vnez.u8 v2  }
.LBB2_2:
0x2c: {  	s15 =	sadd.s32 s5, s16  }
0x2d: {  	s17 =	smul.u32 $0x186A0, s15;
	_ =	sdelay $0x1  }
0x2e: {  	s18 =	sshrl.u32 s17, $0x3  }
0x2f: {  	s18 =	sadd.s32 s4, s18  }
0x30: {  	s18 =	sadd.s32 $0x186A, s18  }
0x31: {  	[tilespmem:s9], [sflag:$0x2] =	stream.linear.gather [hbm4b:s18+s2], $0xC350, $0x38;
	[tilespmem:$0x19B00] =	vst v63  }
0x32: {  	_ =	swait.ge [sflag:s10], $0xC350  }
0x33: {  	[sflag:s10] =	ssyncset.done $0x0  }
0x34: {  	s19 =	simm.s32 $0x80;
	[sflag:s10] =	ssyncadd.s32 $0xFFFF3CB0  }
0x35: {  	v2 =	vld [tilespmem:s19+$0x60]  }
0x36: {  	v6 =	vld [tilespmem:s19+$0x40]  }
0x37: {  	v4 =	vld [tilespmem:s19+$0x20]  }
0x38: {  	v8 =	vld [tilespmem:s19+$0x0]  }
0x39: {  	v11 =	vld [tilespmem:s19+$0xFFFFFFE0]  }
0x3a: {  	v3 =	vld [tilespmem:s19+$0xFFFFFFC0]  }
0x3b: {  	v5 =	vld [tilespmem:s19+$0xFFFFFFA0]  }
0x3c: {  	v7 =	vld [tilespmem:s19+$0xFFFFFF80]  }
0x3d: {  	v9 =	vld [tilespmem:s19+$0xFFFFFF90]  }
0x3e: {  	v10 =	vld [tilespmem:s19+$0xFFFFFFB0]  }
0x3f: {  	v15 =	vld [tilespmem:s19+$0xFFFFFFD0]  }
0x40: {  	v16 =	vld [tilespmem:s19+$0xFFFFFFF0]  }
0x41: {  	v13 =	vimm.f32 $-Inf;
	v12 =	vld [tilespmem:s19+$0x10]  }
0x42: {  	v7 =	vmax.f32 v13, v7;
	v9 =	vmax.f32 v13, v9;
	v13 =	vld [tilespmem:s19+$0x30]  }
0x43: {  	v14 =	vld [tilespmem:s19+$0x50];
	v5 =	vmax.f32 v7, v5;
	v7 =	vmax.f32 v9, v10  }
0x44: {  	vm5 =	vmmov vm3;
	s18 =	simm.s32 $0x0;
	v18 =	vmax.f32 v5, v3;
	v17 =	vmax.f32 v7, v15;
	v15 =	vld [tilespmem:s19+$0x70];
	s19 =	simm.s32 $0x180  }
.LBB2_3:
0x45: {  	v3 =	vld [tilespmem:s19+$0x60];
	v5 =	vmax.f32 v18, v11;
	v7 =	vmax.f32 v17, v16  }
0x46: {  	v9 =	vld [tilespmem:s19+$0x40];
	v5 =	vmax.f32 v5, v8;
	v7 =	vmax.f32 v7, v12  }
0x47: {  	v5 =	vmax.f32 v5, v4;
	v4 =	vld [tilespmem:s19+$0x20];
	v7 =	vmax.f32 v7, v13  }
0x48: {  	v8 =	vld [tilespmem:s19+$0x0];
	v5 =	vmax.f32 v5, v6;
	v6 =	vmax.f32 v7, v14  }
0x49: {  	v11 =	vld [tilespmem:s19+$0xFFFFFFE0];
	v5 =	vmax.f32 v5, v2;
	v7 =	vmax.f32 v6, v15  }
0x4a: {  	v10 =	vld [tilespmem:s19+$0xFFFFFFC0];
	v2 =	vmov v3  }
0x4b: {  	v3 =	vld [tilespmem:s19+$0xFFFFFFA0];
	v6 =	vmov v9  }
0x4c: {  	v9 =	vld [tilespmem:s19+$0xFFFFFF80]  }
0x4d: {  	s18 =	sadd.s32 $0x8, s18;
	v13 =	vld [tilespmem:s19+$0xFFFFFF90]  }
0x4e: {  	p0 =	slt.u32 s18, $0x610;
	v14 =	vld [tilespmem:s19+$0xFFFFFFB0]  }
0x4f: {  	v15 =	vld [tilespmem:s19+$0xFFFFFFD0]  }
.Ltmp4:
0x50: {  	v16 =	vld [tilespmem:s19+$0xFFFFFFF0];
	(pc) =	sbr.rel @p0 .LBB2_3-.Ltmp4, $4  }
0x51: {  	v12 =	vld [tilespmem:s19+$0x10]  }
0x52: {  	v5 =	vmax.f32 v5, v9;
	v7 =	vmax.f32 v7, v13;
	v13 =	vld [tilespmem:s19+$0x30]  }
0x53: {  	v3 =	vmax.f32 v5, v3;
	v5 =	vmax.f32 v7, v14;
	v14 =	vld [tilespmem:s19+$0x50]  }
0x54: {  	v18 =	vmax.f32 v3, v10;
	v17 =	vmax.f32 v5, v15;
	v15 =	vld [tilespmem:s19+$0x70];
	s19 =	sadd.s32 $0x100, s19  }
0x55: {  	v19 =	vld [tilespmem:$0xC300]  }
0x56: {  	v20 =	vld [tilespmem:$0xC310]  }
0x57: {  	v21 =	vld [tilespmem:$0xC320]  }
0x58: {  	v22 =	vld [tilespmem:$0xC330]  }
0x59: {  	v23 =	vld [tilespmem:$0xC340];
	_ =	swait.ge [sflag:s11], $0xC350  }
0x5a: {  	[sflag:s11] =	ssyncset.done $0x0  }
0x5b: {  	s19 =	simm.s32 $0xC400;
	[sflag:s11] =	ssyncadd.s32 $0xFFFF3CB0  }
0x5c: {  	v3 =	vld [tilespmem:s19+$0x60]  }
0x5d: {  	v7 =	vld [tilespmem:s19+$0x40]  }
0x5e: {  	v5 =	vld [tilespmem:s19+$0x20]  }
0x5f: {  	v9 =	vld [tilespmem:s19+$0x0]  }
0x60: {  	v10 =	vld [tilespmem:s19+$0xFFFFFFE0]  }
0x61: {  	v11 =	vmax.f32 v18, v11;
	v62 =	vld [tilespmem:s19+$0xFFFFFFC0]  }
0x62: {  	v16 =	vmax.f32 v17, v16;
	v8 =	vmax.f32 v11, v8;
	v11 =	vld [tilespmem:s19+$0xFFFFFFA0]  }
0x63: {  	v12 =	vmax.f32 v16, v12;
	v4 =	vmax.f32 v8, v4;
	v63 =	vld [tilespmem:s19+$0xFFFFFF80]  }
0x64: {  	v8 =	vmax.f32 v12, v13;
	v4 =	vmax.f32 v4, v6;
	v6 =	vld [tilespmem:s19+$0xFFFFFF90]  }
0x65: {  	v8 =	vmax.f32 v8, v14;
	v12 =	vld [tilespmem:s19+$0xFFFFFFB0];
	v2 =	vmax.f32 v4, v2  }
0x66: {  	v14 =	vld [tilespmem:s19+$0xFFFFFFD0];
	v4 =	vmax.f32 v8, v15;
	v2 =	vmax.f32 v2, v19  }
0x67: {  	v8 =	vld [tilespmem:s19+$0xFFFFFFF0];
	v4 =	vmax.f32 v4, v20;
	v2 =	vmax.f32 v2, v21  }
0x68: {  	v4 =	vmax.f32 v4, v22;
	v13 =	vmax.f32 v2, v23;
	v2 =	vld [tilespmem:s19+$0x10]  }
0x69: {  	v13 =	vmax.f32 v13, v63;
	v6 =	vmax.f32 v4, v6;
	v4 =	vld [tilespmem:s19+$0x30]  }
0x6a: {  	v11 =	vmax.f32 v13, v11;
	v12 =	vmax.f32 v6, v12;
	v6 =	vld [tilespmem:s19+$0x50]  }
0x6b: {  	vm3 =	vmmov vm0;
	s18 =	simm.s32 $0x0;
	v13 =	vmax.f32 v11, v62;
	v12 =	vmax.f32 v12, v14;
	v11 =	vld [tilespmem:s19+$0x70];
	s19 =	simm.s32 $0xC500  }
.LBB2_5:
0x6c: {  	v14 =	vld [tilespmem:s19+$0x60];
	v10 =	vmax.f32 v13, v10;
	v8 =	vmax.f32 v12, v8  }
0x6d: {  	v12 =	vld [tilespmem:s19+$0x40];
	v9 =	vmax.f32 v10, v9;
	v2 =	vmax.f32 v8, v2  }
0x6e: {  	v8 =	vmax.f32 v9, v5;
	v5 =	vld [tilespmem:s19+$0x20];
	v2 =	vmax.f32 v2, v4  }
0x6f: {  	v9 =	vld [tilespmem:s19+$0x0];
	v4 =	vmax.f32 v8, v7;
	v2 =	vmax.f32 v2, v6  }
0x70: {  	v10 =	vld [tilespmem:s19+$0xFFFFFFE0];
	v4 =	vmax.f32 v4, v3;
	v6 =	vmax.f32 v2, v11  }
0x71: {  	v11 =	vld [tilespmem:s19+$0xFFFFFFC0];
	v3 =	vmov v14  }
0x72: {  	v13 =	vld [tilespmem:s19+$0xFFFFFFA0];
	v7 =	vmov v12  }
0x73: {  	v12 =	vld [tilespmem:s19+$0xFFFFFF80]  }
0x74: {  	s18 =	sadd.s32 $0x8, s18;
	v14 =	vld [tilespmem:s19+$0xFFFFFF90]  }
0x75: {  	p0 =	slt.u32 s18, $0x610;
	v15 =	vld [tilespmem:s19+$0xFFFFFFB0]  }
0x76: {  	v16 =	vld [tilespmem:s19+$0xFFFFFFD0]  }
.Ltmp5:
0x77: {  	v8 =	vld [tilespmem:s19+$0xFFFFFFF0];
	(pc) =	sbr.rel @p0 .LBB2_5-.Ltmp5, $4  }
0x78: {  	v2 =	vld [tilespmem:s19+$0x10]  }
0x79: {  	v12 =	vmax.f32 v4, v12;
	v6 =	vmax.f32 v6, v14;
	v4 =	vld [tilespmem:s19+$0x30]  }
0x7a: {  	v12 =	vmax.f32 v12, v13;
	v14 =	vmax.f32 v6, v15;
	v6 =	vld [tilespmem:s19+$0x50]  }
0x7b: {  	v13 =	vmax.f32 v12, v11;
	v12 =	vmax.f32 v14, v16;
	v11 =	vld [tilespmem:s19+$0x70];
	s19 =	sadd.s32 $0x100, s19  }
0x7c: {  	v14 =	vld [tilespmem:$0x18680]  }
0x7d: {  	v10 =	vmax.f32 v13, v10;
	v47 =	vld [tilespmem:$0x18690]  }
0x7e: {  	v48 =	vld [tilespmem:$0x186A0];
	v9 =	vmax.f32 v10, v9  }
0x7f: {  	v8 =	vmax.f32 v12, v8;
	v49 =	vld [tilespmem:$0x186C0];
	v5 =	vmax.f32 v9, v5  }
0x80: {  	v2 =	vmax.f32 v8, v2;
	v5 =	vmax.f32 v5, v7;
	v7 =	vld [tilespmem:$0x186B0]  }
0x81: {  	v2 =	vmax.f32 v2, v4;
	v3 =	vmax.f32 v5, v3  }
0x82: {  	v2 =	vmax.f32 v2, v6;
	v3 =	vmax.f32 v3, v14  }
0x83: {  	v2 =	vmax.f32 v2, v11;
	v3 =	vmax.f32 v3, v48  }
0x84: {  	v2 =	vmax.f32 v2, v47;
	v3 =	vmax.f32 v3, v49  }
0x85: {  	v2 =	vmax.f32 v2, v7;
	(xrf0) =	vmin.scan.msk.f32 $0xffff, v3  }
0x86: {  	(xrf0) =	vmin.scan.msk.f32 $0xffff, v2;
	_ =	sdelay $0x4  }
0x87: {  	v2, _, _ =	vpop (xrf0)  }
0x88: {  	(v2sf) =	vpush v2, $0xF;
	v2, _, _ =	vpop (xrf0)  }
0x89: {  	(v2sf) =	vpush v2, $0xF;
	_ =	sdelay $0xa  }
0x8a: {  	s18 =	simm.s32 $0x80  }
0x8b: {  	v4 =	vld [tilespmem:s18+$0xFFFFFF90]  }
0x8c: {  	v3 =	vld [tilespmem:s18+$0xFFFFFF80]  }
0x8d: {  	s19 =	spop (v2sf)  }
0x8e: {  	s20 =	spop (v2sf)  }
0x8f: {  	s19 =	smin.f32 s19, s20  }
0x90: {  	v2 =	vmov s19  }
0x91: {  	vm15 =	vge.f32 v3, v2;
	vm0 =	vge.f32 v4, v2;
	v3 =	vimm.s32 $0x0  }
0x92: {  	v6 =	vld [tilespmem:s18+$0xFFFFFFB0];
	v3 =	vsel vm0, $0xFFFFFFFF, v3  }
0x93: {  	v5 =	vld [tilespmem:s18+$0xFFFFFFA0];
	[tilespmem:$0x1FF40] =	vst v3  }
0x94: {  	v51 =	vld [tilespmem:$0x1FF40]  }
0x95: {  	v7 =	vld [tilespmem:s18+$0xFFFFFFC0]  }
0x96: {  	v50 =	vld [tilespmem:s18+$0xFFFFFFD0]  }
0x97: {  	v3 =	vld [tilespmem:s18+$0xFFFFFFE0]  }
0x98: {  	v4 =	vmpcnt.ones.xlane vm15;
	vm15 =	vge.f32 v5, v2  }
0x99: {  	v5 =	vld [tilespmem:s18+$0xFFFFFFF0];
	v52 =	vmpcnt.ones.xlane vm15;
	vm15 =	vge.f32 v6, v2;
	vm0 =	vnez.u8 v51  }
0x9a: {  	v6 =	vld [tilespmem:s18+$0x0];
	v53 =	vmpcnt.ones.xlane vm15;
	vm15 =	vge.f32 v7, v2;
	v9 =	vmpcnt.ones.xlane vm0  }
0x9b: {  	v59 =	vld [tilespmem:$0x1FF50];
	v54 =	vmpcnt.ones.xlane vm15;
	vm15 =	vge.f32 v50, v2  }
0x9c: {  	v7 =	vld [tilespmem:s18+$0x10];
	v56 =	vmpcnt.ones.xlane vm15;
	vm15 =	vge.f32 v3, v2;
	v4 =	vsel vm3, v4, v9  }
0x9d: {  	v55 =	vld [tilespmem:s18+$0x20];
	v57 =	vmpcnt.ones.xlane vm15;
	v4 =	vsel vm1, v4, v52  }
0x9e: {  	v3 =	vld [tilespmem:s18+$0x30];
	vm15 =	vge.f32 v5, v2;
	vm0 =	vmmov vm3;
	v4 =	vsel vm2, v4, v53  }
0x9f: {  	v5 =	vld [tilespmem:s18+$0x40];
	v58 =	vmpcnt.ones.xlane vm15;
	vm15 =	vge.f32 v6, v2;
	v4 =	vsel vm5, v4, v54  }
0xa0: {  	v6 =	vld [tilespmem:s18+$0x50];
	vm3 =	vmmov vm5;
	vm5 =	vnez.u8 v59;
	v4 =	vsel vm4, v4, v56  }
0xa1: {  	v60 =	vmpcnt.ones.xlane vm15;
	vm15 =	vge.f32 v7, v2;
	v7 =	vld [tilespmem:s18+$0x60];
	v4 =	vsel vm5, v4, v57  }
0xa2: {  	v62 =	vld [tilespmem:s18+$0x70];
	v61 =	vmpcnt.ones.xlane vm15;
	vm15 =	vge.f32 v55, v2;
	v4 =	vsel vm7, v4, v58  }
0xa3: {  	v63 =	vmpcnt.ones.xlane vm15;
	vm15 =	vge.f32 v3, v2;
	v4 =	vsel vm6, v4, v60  }
0xa4: {  	v3 =	vsel vm9, v4, v61;
	v4 =	vmpcnt.ones.xlane vm15;
	vm15 =	vge.f32 v5, v2  }
0xa5: {  	v3 =	vsel vm8, v3, v63;
	v5 =	vmpcnt.ones.xlane vm15;
	vm15 =	vge.f32 v6, v2  }
0xa6: {  	v3 =	vsel vm11, v3, v4;
	v4 =	vmpcnt.ones.xlane vm15;
	vm15 =	vge.f32 v7, v2  }
0xa7: {  	v3 =	vsel vm10, v3, v5;
	v5 =	vmpcnt.ones.xlane vm15;
	vm15 =	vge.f32 v62, v2  }
0xa8: {  	v3 =	vsel vm13, v3, v4;
	v4 =	vmpcnt.ones.xlane vm15  }
0xa9: {  	v3 =	vsel vm12, v3, v5  }
0xaa: {  	p0 =	por $0x1, $0x1;
	s19 =	simm.s32 $0x0;
	s18 =	simm.s32 $0x0;
	v3 =	vsel vm14, v3, v4  }
0xab: {  	s19 =	simm.s32 @!p0 $0x200;
	vm15 =	vgt.s32 v3, $0x0;
	v3 =	vor.u32 s18, v0  }
0xac: {  	s20 =	simm.s32 $0x180;
	[tilespmem:s19+$0x19800] =	vst.msk vm15, v3;
	v5 =	vmpcnt.ones.xlane vm15  }
0xad: {  	v3 =	vld [tilespmem:s20+$0xFFFFFF80]  }
0xae: {  	s21 =	simm.s32 $0x20;
	vm14 =	vmmov vm1;
	s19 =	simm.s32 $0x10;
	v4 =	vld [tilespmem:s20+$0xFFFFFF90];
	(v2sf) =	vpush v5, $0x0  }
.LBB2_7:
0xaf: {  	v5 =	vld [tilespmem:s20+$0xFFFFFFA0]  }
0xb0: {  	v6 =	vld [tilespmem:s20+$0xFFFFFFB0]  }
0xb1: {  	v7 =	vld [tilespmem:s20+$0xFFFFFFC0]  }
0xb2: {  	v8 =	vld [tilespmem:s20+$0xFFFFFFD0]  }
0xb3: {  	vm15 =	vge.f32 v3, v2;
	vm1 =	vge.f32 v4, v2;
	v3 =	vld [tilespmem:s20+$0xFFFFFFE0]  }
0xb4: {  	v4 =	vmpcnt.ones.xlane vm15;
	v9 =	vmpcnt.ones.xlane vm1;
	vm1 =	vge.f32 v5, v2;
	v5 =	vld [tilespmem:s20+$0xFFFFFFF0]  }
0xb5: {  	v10 =	vmpcnt.ones.xlane vm1;
	vm1 =	vge.f32 v6, v2;
	v6 =	vld [tilespmem:s20+$0x0]  }
0xb6: {  	v4 =	vsel vm0, v4, v9;
	v54 =	vmpcnt.ones.xlane vm1;
	vm1 =	vge.f32 v7, v2;
	v7 =	vld [tilespmem:s20+$0x10]  }
0xb7: {  	v56 =	vld [tilespmem:s20+$0x20];
	v4 =	vsel vm14, v4, v10;
	v55 =	vmpcnt.ones.xlane vm1;
	vm1 =	vge.f32 v8, v2  }
0xb8: {  	v4 =	vsel vm2, v4, v54;
	v57 =	vmpcnt.ones.xlane vm1;
	vm1 =	vge.f32 v3, v2;
	v3 =	vld [tilespmem:s20+$0x30]  }
0xb9: {  	v4 =	vsel vm3, v4, v55;
	v58 =	vmpcnt.ones.xlane vm1;
	vm1 =	vge.f32 v5, v2;
	v5 =	vld [tilespmem:s20+$0x40]  }
0xba: {  	v4 =	vsel vm4, v4, v57;
	v59 =	vmpcnt.ones.xlane vm1;
	vm1 =	vge.f32 v6, v2;
	v6 =	vld [tilespmem:s20+$0x50]  }
0xbb: {  	v4 =	vsel vm5, v4, v58;
	v60 =	vmpcnt.ones.xlane vm1;
	vm1 =	vge.f32 v7, v2;
	v7 =	vld [tilespmem:s20+$0x60]  }
0xbc: {  	v4 =	vsel vm7, v4, v59;
	v61 =	vmpcnt.ones.xlane vm1;
	vm1 =	vge.f32 v56, v2  }
0xbd: {  	v4 =	vsel vm6, v4, v60;
	v63 =	vmpcnt.ones.xlane vm1;
	vm1 =	vge.f32 v3, v2  }
0xbe: {  	v3 =	vsel vm9, v4, v61;
	v4 =	vmpcnt.ones.xlane vm1;
	vm1 =	vge.f32 v5, v2  }
0xbf: {  	v3 =	vsel vm8, v3, v63;
	v5 =	vmpcnt.ones.xlane vm1;
	vm1 =	vge.f32 v6, v2  }
0xc0: {  	v3 =	vsel vm11, v3, v4;
	v4 =	vmpcnt.ones.xlane vm1;
	vm1 =	vge.f32 v7, v2  }
0xc1: {  	v62 =	vld [tilespmem:s20+$0x70];
	v3 =	vsel vm10, v3, v5;
	v5 =	vmpcnt.ones.xlane vm1  }
0xc2: {  	v3 =	vsel vm13, v3, v4  }
0xc3: {  	v3 =	vsel vm12, v3, v5;
	v5 =	vld [tilespmem:$0x1FFD0];
	_ =	sdelay $0x2  }
0xc4: {  	vm1 =	vge.f32 v62, v2  }
0xc5: {  	s22 =	spop (v2sf);
	v4 =	vmpcnt.ones.xlane vm1  }
0xc6: {  	p0 =	sne.s32 s21, $0xC20;
	s18 =	sadd.s32 s18, s22;
	vm1 =	vnez.u8 v5  }
.Ltmp6:
0xc7: {  	p1 =	slt.s32 s18, $0x200;
	s22 =	smov.u32 s18;
	v3 =	vsel vm1, v3, v4;
	(pc) =	sbr.rel @p0 .LBB2_7-.Ltmp6, $4  }
0xc8: {  	s22 =	simm.s32 @!p1 $0x200;
	vm1 =	vgt.s32 v3, $0x0;
	v3 =	vor.u32 s19, v0  }
0xc9: {  	s20 =	sadd.s32 $0x100, s20;
	[tilespmem:s22+$0x19800] =	vst.msk vm1, v3;
	v5 =	vmpcnt.ones.xlane vm1  }
0xca: {  	v3 =	vld [tilespmem:s20+$0xFFFFFF80]  }
0xcb: {  	s19 =	smov.u32 s21;
	s21 =	sadd.s32 $0x10, s21;
	v4 =	vld [tilespmem:s20+$0xFFFFFF90];
	(v2sf) =	vpush v5, $0x0  }
0xcc: {  	v5 =	vld [tilespmem:s20+$0xFFFFFFA0]  }
0xcd: {  	v6 =	vld [tilespmem:s20+$0xFFFFFFB0]  }
0xce: {  	v7 =	vld [tilespmem:s20+$0xFFFFFFC0]  }
0xcf: {  	v8 =	vld [tilespmem:s20+$0xFFFFFFD0]  }
0xd0: {  	vm1 =	vge.f32 v3, v2;
	v3 =	vld [tilespmem:s20+$0xFFFFFFE0];
	vm15 =	vge.f32 v4, v2  }
0xd1: {  	v34 =	vld [tilespmem:s20+$0xFFFFFFF0];
	v33 =	vmpcnt.ones.xlane vm1;
	v9 =	vmpcnt.ones.xlane vm15;
	vm1 =	vge.f32 v5, v2  }
0xd2: {  	v35 =	vld [tilespmem:s20+$0x0];
	v10 =	vmpcnt.ones.xlane vm1;
	vm1 =	vge.f32 v6, v2  }
0xd3: {  	v37 =	vld [tilespmem:s20+$0x10];
	v4 =	vsel vm0, v33, v9;
	v36 =	vmpcnt.ones.xlane vm1;
	vm1 =	vge.f32 v7, v2  }
0xd4: {  	v39 =	vld [tilespmem:s20+$0x20];
	v4 =	vsel vm14, v4, v10;
	v38 =	vmpcnt.ones.xlane vm1;
	vm1 =	vge.f32 v8, v2  }
0xd5: {  	v4 =	vsel vm2, v4, v36;
	v40 =	vmpcnt.ones.xlane vm1;
	vm1 =	vge.f32 v3, v2;
	v3 =	vld [tilespmem:s20+$0x30]  }
0xd6: {  	v42 =	vld [tilespmem:s20+$0x40];
	v4 =	vsel vm3, v4, v38;
	v41 =	vmpcnt.ones.xlane vm1;
	vm1 =	vge.f32 v34, v2  }
0xd7: {  	v44 =	vld [tilespmem:s20+$0x50];
	v4 =	vsel vm4, v4, v40;
	v43 =	vmpcnt.ones.xlane vm1;
	vm1 =	vge.f32 v35, v2  }
0xd8: {  	v46 =	vld [tilespmem:s20+$0x60];
	v4 =	vsel vm5, v4, v41;
	v45 =	vmpcnt.ones.xlane vm1;
	vm1 =	vge.f32 v37, v2  }
0xd9: {  	v48 =	vld [tilespmem:s20+$0x70];
	v4 =	vsel vm7, v4, v43;
	v47 =	vmpcnt.ones.xlane vm1;
	vm1 =	vge.f32 v39, v2  }
0xda: {  	v4 =	vsel vm6, v4, v45;
	v49 =	vmpcnt.ones.xlane vm1;
	vm1 =	vge.f32 v3, v2  }
0xdb: {  	v54 =	vld [tilespmem:$0x1FFD0];
	v3 =	vsel vm9, v4, v47;
	v50 =	vmpcnt.ones.xlane vm1;
	vm1 =	vge.f32 v42, v2  }
0xdc: {  	v3 =	vsel vm8, v3, v49;
	v5 =	vmpcnt.ones.xlane vm1;
	vm1 =	vge.f32 v44, v2  }
0xdd: {  	v3 =	vsel vm11, v3, v50;
	v51 =	vmpcnt.ones.xlane vm1;
	vm1 =	vge.f32 v46, v2  }
0xde: {  	v3 =	vsel vm10, v3, v5;
	v52 =	vmpcnt.ones.xlane vm1;
	vm1 =	vge.f32 v48, v2  }
0xdf: {  	s29 =	spop (v2sf);
	v3 =	vsel vm13, v3, v51;
	v53 =	vmpcnt.ones.xlane vm1  }
0xe0: {  	vm0 =	vnez.u8 v54;
	s18 =	sadd.s32 s18, s29;
	v3 =	vsel vm12, v3, v52  }
0xe1: {  	p0 =	slt.s32 s18, $0x200;
	s20 =	smov.u32 s18;
	v3 =	vsel vm0, v3, v53  }
0xe2: {  	s20 =	simm.s32 @!p0 $0x200;
	vm1 =	vgt.s32 v3, $0x0;
	v3 =	vor.u32 s19, v0  }
0xe3: {  	[tilespmem:s20+$0x19800] =	vst.msk vm1, v3  }
0xe4: {  	v3 =	vld [tilespmem:$0xC300]  }
0xe5: {  	v55 =	vld [tilespmem:$0xC310]  }
0xe6: {  	v59 =	vld [tilespmem:$0x1FFF0]  }
0xe7: {  	v56 =	vld [tilespmem:$0xC320]  }
0xe8: {  	v57 =	vld [tilespmem:$0xC330]  }
0xe9: {  	v58 =	vld [tilespmem:$0xC340];
	vm15 =	vge.f32 v3, v2  }
0xea: {  	v3 =	vmpcnt.ones.xlane vm15;
	vm15 =	vge.f32 v55, v2  }
0xeb: {  	vm2 =	vnez.u8 v59;
	v4 =	vmpcnt.ones.xlane vm15  }
0xec: {  	vm0 =	vcmask $0x314;
	vm15 =	vge.f32 v56, v2;
	v3 =	vnsel vm2, $0x0, v3  }
0xed: {  	v60 =	vmpcnt.ones.xlane vm15;
	vm15 =	vge.f32 v57, v2;
	v3 =	vsel vm0, v3, v4  }
0xee: {  	v61 =	vmpcnt.ones.xlane vm15;
	vm15 =	vge.f32 v58, v2;
	vm0 =	vcmask $0x714  }
0xef: {  	v62 =	vmpcnt.ones.xlane vm15;
	v3 =	vsel vm0, v3, v60;
	vm0 =	vcmask $0xB14  }
0xf0: {  	v3 =	vsel vm0, v3, v61;
	vm0 =	vcmask $0xF14  }
0xf1: {  	v3 =	vsel vm0, v3, v62  }
0xf2: {  	v63 =	vmpcnt.ones.xlane vm1;
	vm1 =	vgt.s32 v3, $0x0  }
0xf3: {  	v3 =	vmpcnt.ones.xlane vm1  }
0xf4: {  	(v2sf) =	vpush v63, $0x0  }
0xf5: {  	(v2sf) =	vpush v3, $0x0;
	_ =	sdelay $0xd  }
0xf6: {  	s30 =	spop (v2sf)  }
0xf7: {  	s18 =	sadd.s32 s18, s30;
	s31 =	spop (v2sf)  }
0xf8: {  	p0 =	slt.s32 s18, $0x200;
	s21 =	smov.u32 s18;
	s20 =	sadd.s32 s18, s31  }
0xf9: {  	s21 =	simm.s32 @!p0 $0x200;
	p0 =	slt.s32 s20, $0x1  }
.Ltmp7:
0xfa: {  	_ = 	snop;
	(pc) =	sbr.rel @p0 .LBB2_15-.Ltmp7, $4  }
0xfb: {  	_ = 	snop  }
0xfc: {  	vm14 =	vmmov vm3;
	vm3 =	vmmov vm12  }
0xfd: {  	vm4 =	vmmov vm5;
	vm5 =	vmmov vm10;
	vm9 =	vmmov vm14  }
0xfe: {  	vm14 =	vmmov vm3;
	vm10 =	vmmov vm8;
	vm12 =	vmmov vm5;
	s19 =	simm.s32 $0x0;
	[tilespmem:s21+$0x19800] =	vst.msk vm1, v1;
	s18 =	simm.s32 $0x19800  }
0xff: {  	p1 =	sne.s32 s20, $0x1  }
.Ltmp8:
0x100: {  	_ = 	snop;
	(pc) =	sbr.rel @!p1 .LBB2_10-.Ltmp8, $2  }
0x101: {  	_ =	sdelay $0x2  }
0x102: {  	v3 =	vld [tilespmem:s18+$0x0];
	s21 =	sadd.s32 $0xFFFFFFFF, s20;
	p0 =	por $0x0, $0x0  }
0x103: {  	_ =	sdelay $0x3  }
0x104: {  	(v2sf) =	vpush v3, $0x0;
	_ =	sdelay $0xe  }
0x105: {  	s20 =	spop (v2sf)  }
0x106: {  	s20 =	sshll.u32 s20, $0x4  }
0x107: {  	v3 =	vld [tilespmem:s20+$0x0];
	_ =	sdelay $0x1  }
0x108: {  	p1 =	sne.s32 s21, $0x1  }
.Ltmp9:
0x109: {  	_ = 	snop;
	(pc) =	sbr.rel @!p1 .LBB2_12-.Ltmp9, $4  }
0x10a: {  	p0 =	slt.s32 s19, $0x800;
	s22 =	simm.s32 $0x0  }
0x10b: {  	s22 =	simm.s32 @!p0 $0x800;
	v4 =	vor.u32 s20, v0;
	vm1 =	vge.f32 v3, v2  }
0x10c: {  	s20 =	sadd.s32 $0x1, s18;
	[tilespmem:s22+$0x18700] =	vst.msk vm1, v4;
	v4 =	vmpcnt.ones.xlane vm1  }
0x10d: {  	s21 =	sadd.s32 $0xFFFFFFFF, s21;
	p0 =	por $0x1, $0x1;
	s18 =	simm.s32 $0x0;
	v3 =	vld [tilespmem:s20+$0x0]  }
.LBB2_13:
0x10e: {  	p1 =	sne.s32 s21, $0x1;
	(v2sf) =	vpush v4, $0x0;
	_ =	sdelay $0x3  }
0x10f: {  	(v2sf) =	vpush v3, $0x0;
	_ =	sdelay $0xa  }
0x110: {  	s22 =	spop (v2sf)  }
0x111: {  	s18 =	sadd.s32 s18, s22  }
0x112: {  	p2 =	slt.s32 s18, $0x800;
	s22 =	smov.u32 s18  }
0x113: {  	s22 =	simm.s32 @!p2 $0x800  }
0x114: {  	s23 =	spop (v2sf)  }
0x115: {  	s23 =	sshll.u32 s23, $0x4  }
0x116: {  	v3 =	vld [tilespmem:s23+$0x0];
	v4 =	vor.u32 s23, v0;
	_ =	sdelay $0x2  }
.Ltmp10:
0x117: {  	(pc) =	sbr.rel @p1 .LBB2_13-.Ltmp10, $4  }
0x118: {  	_ = 	snop  }
0x119: {  	vm1 =	vge.f32 v3, v2  }
0x11a: {  	s20 =	sadd.s32 $0x1, s20;
	[tilespmem:s22+$0x18700] =	vst.msk vm1, v4;
	v4 =	vmpcnt.ones.xlane vm1  }
0x11b: {  	s21 =	sadd.s32 $0xFFFFFFFF, s21;
	v3 =	vld [tilespmem:s20+$0x0]  }
.LBB2_14:
0x11c: {  	_ =	sdelay $0x2  }
0x11d: {  	(v2sf) =	vpush @p0 v4, $0x0  }
0x11e: {  	(v2sf) =	vpush v3, $0x0;
	_ =	sdelay $0xd  }
0x11f: {  	s20 =	spop @p0 (v2sf)  }
0x120: {  	s21 =	spop (v2sf)  }
0x121: {  	s21 =	sshll.u32 s21, $0x4  }
0x122: {  	v3 =	vld [tilespmem:s21+$0x0];
	_ =	sdelay $0x4  }
0x123: {  	vm1 =	vge.f32 v3, v2  }
0x124: {  	v3 =	vmpcnt.ones.xlane vm1;
	_ =	sdelay $0x1  }
0x125: {  	(v2sf) =	vpush v3, $0x0;
	_ =	sdelay $0xb  }
0x126: {  	s18 =	sadd.s32 @p0 s18, s20  }
0x127: {  	s19 =	smov.u32 @p0 s18  }
0x128: {  	p0 =	slt.s32 s19, $0x800;
	s18 =	smov.u32 s19  }
0x129: {  	s18 =	simm.s32 @!p0 $0x800;
	v3 =	vor.u32 s21, v0;
	s31 =	spop (v2sf)  }
0x12a: {  	[tilespmem:s18+$0x18700] =	vst.msk vm1, v3;
	s19 =	sadd.s32 s19, s31  }
.LBB2_15:
0x12b: {  	s18 =	sadd.s32 $0xF, s19  }
0x12c: {  	s20 =	sand.u32 $0xF, s18  }
0x12d: {  	s21 =	sshra.s32 s18, $0x1F;
	p0 =	slt.s32 s18, $0x1;
	p1 =	sne.s32 s20, $0x0  }
0x12e: {  	s31 =	sshrl.u32 s21, $0x1C;
	p0 =	por !p0, !p1  }
0x12f: {  	s20 =	simm.s32 $0x1;
	s18 =	sadd.s32 s31, s18;
	p0 =	por !p0, !p0  }
0x130: {  	s18 =	sshra.s32 s18, $0x4;
	s20 =	simm.s32 @!p0 $0x0  }
0x131: {  	s18 =	ssub.s32 s18, s20  }
0x132: {  	p0 =	slt.s32 s18, $0x1  }
.Ltmp11:
0x133: {  	_ = 	snop;
	(pc) =	sbr.rel @p0 .LBB2_22-.Ltmp11, $2  }
0x134: {  	_ =	sdelay $0x2  }
0x135: {  	vm8 =	vmmov vm6;
	vm6 =	vmmov vm4;
	vm4 =	vmmov vm9  }
0x136: {  	p1 =	sne.s32 s18, $0x1  }
.Ltmp12:
0x137: {  	_ = 	snop;
	(pc) =	sbr.rel @!p1 .LBB2_17-.Ltmp12, $3  }
0x138: {  	_ =	sdelay $0x1  }
0x139: {  	s21 =	simm.s32 $0x18700;
	s20 =	simm.s32 $0x18F80  }
0x13a: {  	v3 =	vmov s19;
	s19 =	simm.s32 $0x0;
	p0 =	por $0x0, $0x0;
	v4 =	vld [tilespmem:s21+$0x0];
	s21 =	sadd.s32 $0xFFFFFFFF, s18  }
0x13b: {  	_ =	sdelay $0x3  }
0x13c: {  	v5 =	vor.u32 s19, v0;
	vm1 =	vgt.s32 v4, $0x0  }
0x13d: {  	vm15 =	vlt.s32 v5, v3;
	v4 =	vnsel vm1, $0x0, v4  }
0x13e: {  	v4 =	vmin.u32 v4, $0xC34F;
	_ =	sdelay $0x4  }
0x13f: {  	v4 =	vld.idx.msk [tilespmem:v4+s2+$0x0], vm15;
	_ =	sdelay $0x1  }
0x140: {  	p1 =	sne.s32 s21, $0x1  }
.Ltmp13:
0x141: {  	_ = 	snop;
	(pc) =	sbr.rel @!p1 .LBB2_19-.Ltmp13, $4  }
0x142: {  	_ = 	snop  }
0x143: {  	v4 =	vnsel vm15, $0xFF800000, v4  }
0x144: {  	s23 =	simm.s32 $0x18710;
	s24 =	sadd.s32 $0xFFFFFFFF, s21;
	[tilespmem:s20+$0x0] =	vst v4  }
0x145: {  	p0 =	por $0x1, $0x1;
	s22 =	simm.s32 $0x0;
	s21 =	simm.s32 $0x18F80;
	v4 =	vld [tilespmem:s23+$0x0]  }
.LBB2_20:
0x146: {  	p1 =	sne.s32 s24, $0x1;
	_ =	sdelay $0x2  }
0x147: {  	s22 =	sadd.s32 $0x10, s22  }
0x148: {  	v5 =	vor.u32 s22, v0;
	vm1 =	vgt.s32 v4, $0x0  }
0x149: {  	vm15 =	vlt.s32 v5, v3;
	v4 =	vnsel vm1, $0x0, v4  }
0x14a: {  	v4 =	vmin.u32 v4, $0xC34F;
	_ =	sdelay $0x4  }
0x14b: {  	v4 =	vld.idx.msk [tilespmem:v4+s2+$0x0], vm15;
	_ =	sdelay $0x3  }
.Ltmp14:
0x14c: {  	(pc) =	sbr.rel @p1 .LBB2_20-.Ltmp14, $4  }
0x14d: {  	_ = 	snop  }
0x14e: {  	s21 =	sadd.s32 $0x10, s21;
	v4 =	vnsel vm15, $0xFF800000, v4  }
0x14f: {  	s23 =	sadd.s32 $0x10, s23;
	[tilespmem:s21+$0x0] =	vst v4  }
0x150: {  	s24 =	sadd.s32 $0xFFFFFFFF, s24;
	v4 =	vld [tilespmem:s23+$0x0]  }
.LBB2_21:
0x151: {  	_ =	sdelay $0x1  }
0x152: {  	s22 =	sadd.s32 @p0 $0x10, s22  }
0x153: {  	s19 =	smov.u32 @p0 s22  }
0x154: {  	v5 =	vor.u32 s19, v0;
	vm1 =	vgt.s32 v4, $0x0  }
0x155: {  	vm15 =	vlt.s32 v5, v3;
	v3 =	vnsel vm1, $0x0, v4  }
0x156: {  	v3 =	vmin.u32 v3, $0xC34F;
	_ =	sdelay $0x4  }
0x157: {  	v3 =	vld.idx.msk [tilespmem:v3+s2+$0x0], vm15;
	_ =	sdelay $0x3  }
0x158: {  	s19 =	sadd.s32 @p0 $0x10, s21  }
0x159: {  	s20 =	smov.u32 @p0 s19;
	v3 =	vnsel vm15, $0xFF800000, v3  }
0x15a: {  	[tilespmem:s20+$0x0] =	vst v3  }
.LBB2_22:
0x15b: {  	p0 =	seq.s32 s16, $0x1F  }
0x15c: {  	s17 =	sshrl.u32 @!p0 s17, $0x3  }
0x15d: {  	s17 =	sadd.s32 @!p0 s4, s17  }
0x15e: {  	s31 =	simm.s32 $0xC400;
	v11 =	vld [tilespmem:$0x1FF60];
	s19 =	simm.s32 @!p0 $0x0;
	s17 =	sadd.s32 @!p0 $0x30D4, s17  }
0x15f: {  	v54 =	vld [tilespmem:$0x1FF70];
	[tilespmem:s19], [sflag:$0x1] =	stream.linear.gather @!p0 [hbm4b:s17+s19], $0xC350, $0x38  }
0x160: {  	v3 =	vld [tilespmem:s31+$0xFFFFFF80]  }
0x161: {  	v4 =	vld [tilespmem:s31+$0xFFFFFF90]  }
0x162: {  	v5 =	vld [tilespmem:s31+$0xFFFFFFA0]  }
0x163: {  	v6 =	vld [tilespmem:s31+$0xFFFFFFB0]  }
0x164: {  	v7 =	vld [tilespmem:s31+$0xFFFFFFC0]  }
0x165: {  	v8 =	vld [tilespmem:s31+$0xFFFFFFD0]  }
0x166: {  	vm1 =	vge.f32 v3, v2;
	v3 =	vld [tilespmem:s31+$0xFFFFFFE0]  }
0x167: {  	vm15 =	vge.f32 v4, v2;
	v4 =	vmpcnt.ones.xlane vm1;
	vm1 =	vge.f32 v5, v2;
	v5 =	vld [tilespmem:s31+$0xFFFFFFF0]  }
0x168: {  	v10 =	vmpcnt.ones.xlane vm1;
	vm1 =	vge.f32 v6, v2;
	v6 =	vld [tilespmem:s31+$0x0]  }
0x169: {  	v51 =	vmpcnt.ones.xlane vm1;
	vm1 =	vge.f32 v7, v2;
	v7 =	vld [tilespmem:s31+$0x10]  }
0x16a: {  	v53 =	vld [tilespmem:s31+$0x20];
	v52 =	vmpcnt.ones.xlane vm1;
	vm1 =	vge.f32 v8, v2  }
0x16b: {  	vm0 =	vnez.u8 v11;
	v55 =	vmpcnt.ones.xlane vm1;
	vm1 =	vge.f32 v3, v2;
	v3 =	vld [tilespmem:s31+$0x30]  }
0x16c: {  	v57 =	vld [tilespmem:$0x1FF80];
	v9 =	vmpcnt.ones.xlane vm15;
	v56 =	vmpcnt.ones.xlane vm1;
	vm1 =	vge.f32 v5, v2  }
0x16d: {  	vm3 =	vnez.u8 v54;
	v58 =	vmpcnt.ones.xlane vm1;
	vm1 =	vge.f32 v6, v2  }
0x16e: {  	v60 =	vld [tilespmem:$0x1FF90];
	v4 =	vsel vm2, v4, v9;
	v59 =	vmpcnt.ones.xlane vm1;
	vm1 =	vge.f32 v7, v2  }
0x16f: {  	v4 =	vsel vm0, v4, v10;
	v61 =	vmpcnt.ones.xlane vm1;
	vm1 =	vge.f32 v53, v2  }
0x170: {  	v4 =	vsel vm3, v4, v51;
	v63 =	vmpcnt.ones.xlane vm1;
	vm1 =	vge.f32 v3, v2;
	v3 =	vld [tilespmem:$0x1FFA0]  }
0x171: {  	vm5 =	vnez.u8 v57;
	v4 =	vsel vm4, v4, v52;
	v5 =	vld [tilespmem:s31+$0x40]  }
0x172: {  	v4 =	vsel vm5, v4, v55;
	v6 =	vld [tilespmem:s31+$0x50]  }
0x173: {  	vm7 =	vnez.u8 v60;
	v4 =	vsel vm6, v4, v56  }
0x174: {  	v4 =	vsel vm7, v4, v58  }
0x175: {  	v4 =	vsel vm8, v4, v59;
	vm9 =	vnez.u8 v3  }
0x176: {  	v3 =	vsel vm9, v4, v61;
	v4 =	vmpcnt.ones.xlane vm1;
	vm1 =	vge.f32 v5, v2  }
0x177: {  	v5 =	vmpcnt.ones.xlane vm1;
	vm1 =	vge.f32 v6, v2;
	v6 =	vld [tilespmem:$0x1FFB0];
	_ =	sdelay $0x3  }
0x178: {  	v7 =	vld [tilespmem:s31+$0x60]  }
0x179: {  	vm11 =	vnez.u8 v6;
	v6 =	vld [tilespmem:$0x1FFC0];
	_ =	sdelay $0x2  }
0x17a: {  	v3 =	vsel vm10, v3, v63  }
0x17b: {  	v3 =	vsel vm11, v3, v4;
	v4 =	vmpcnt.ones.xlane vm1;
	vm1 =	vge.f32 v7, v2  }
0x17c: {  	v62 =	vld [tilespmem:s31+$0x70];
	v3 =	vsel vm12, v3, v5;
	v5 =	vmpcnt.ones.xlane vm1;
	vm13 =	vnez.u8 v6  }
0x17d: {  	v3 =	vsel vm13, v3, v4  }
0x17e: {  	v3 =	vsel vm14, v3, v5;
	v5 =	vld [tilespmem:$0x1FFD0];
	_ =	sdelay $0x2  }
0x17f: {  	vm1 =	vge.f32 v62, v2  }
0x180: {  	v4 =	vmpcnt.ones.xlane vm1  }
0x181: {  	vm14 =	vnez.u8 v5  }
0x182: {  	s19 =	simm.s32 $0x0;
	p0 =	por $0x1, $0x1;
	s17 =	simm.s32 $0x0;
	v3 =	vsel vm14, v3, v4  }
0x183: {  	s17 =	simm.s32 @!p0 $0x200;
	vm1 =	vgt.s32 v3, $0x0;
	v3 =	vor.u32 s19, v0  }
0x184: {  	s21 =	simm.s32 $0xC500;
	[tilespmem:s17+$0x19800] =	vst.msk vm1, v3;
	v5 =	vmpcnt.ones.xlane vm1  }
0x185: {  	s16 =	sadd.s32 $0x1, s16;
	v3 =	vld [tilespmem:s21+$0xFFFFFF80]  }
0x186: {  	s20 =	simm.s32 $0x10;
	s22 =	simm.s32 $0x20;
	s17 =	sshll.u32 s18, $0x4;
	v4 =	vld [tilespmem:s21+$0xFFFFFF90];
	(v2sf) =	vpush v5, $0x0  }
.LBB2_23:
0x187: {  	v5 =	vld [tilespmem:s21+$0xFFFFFFA0]  }
0x188: {  	v6 =	vld [tilespmem:s21+$0xFFFFFFB0]  }
0x189: {  	v7 =	vld [tilespmem:s21+$0xFFFFFFC0]  }
0x18a: {  	v8 =	vld [tilespmem:s21+$0xFFFFFFD0]  }
0x18b: {  	vm1 =	vge.f32 v3, v2;
	vm15 =	vge.f32 v4, v2;
	v3 =	vld [tilespmem:s21+$0xFFFFFFE0]  }
0x18c: {  	v4 =	vmpcnt.ones.xlane vm1;
	v9 =	vmpcnt.ones.xlane vm15;
	vm1 =	vge.f32 v5, v2;
	v5 =	vld [tilespmem:s21+$0xFFFFFFF0]  }
0x18d: {  	v10 =	vmpcnt.ones.xlane vm1;
	vm1 =	vge.f32 v6, v2;
	v6 =	vld [tilespmem:s21+$0x0]  }
0x18e: {  	v4 =	vsel vm2, v4, v9;
	v54 =	vmpcnt.ones.xlane vm1;
	vm1 =	vge.f32 v7, v2;
	v7 =	vld [tilespmem:s21+$0x10]  }
0x18f: {  	v56 =	vld [tilespmem:s21+$0x20];
	v4 =	vsel vm0, v4, v10;
	v55 =	vmpcnt.ones.xlane vm1;
	vm1 =	vge.f32 v8, v2  }
0x190: {  	v4 =	vsel vm3, v4, v54;
	v57 =	vmpcnt.ones.xlane vm1;
	vm1 =	vge.f32 v3, v2;
	v3 =	vld [tilespmem:s21+$0x30]  }
0x191: {  	v4 =	vsel vm4, v4, v55;
	v58 =	vmpcnt.ones.xlane vm1;
	vm1 =	vge.f32 v5, v2;
	v5 =	vld [tilespmem:s21+$0x40]  }
0x192: {  	v4 =	vsel vm5, v4, v57;
	v59 =	vmpcnt.ones.xlane vm1;
	vm1 =	vge.f32 v6, v2;
	v6 =	vld [tilespmem:s21+$0x50]  }
0x193: {  	v4 =	vsel vm6, v4, v58;
	v60 =	vmpcnt.ones.xlane vm1;
	vm1 =	vge.f32 v7, v2  }
0x194: {  	v4 =	vsel vm7, v4, v59;
	v61 =	vmpcnt.ones.xlane vm1;
	vm1 =	vge.f32 v56, v2  }
0x195: {  	v7 =	vld [tilespmem:s21+$0x60];
	v4 =	vsel vm8, v4, v60;
	v63 =	vmpcnt.ones.xlane vm1;
	vm1 =	vge.f32 v3, v2  }
0x196: {  	v62 =	vld [tilespmem:s21+$0x70];
	v3 =	vsel vm9, v4, v61;
	v4 =	vmpcnt.ones.xlane vm1;
	vm1 =	vge.f32 v5, v2  }
0x197: {  	v5 =	vmpcnt.ones.xlane vm1;
	vm1 =	vge.f32 v6, v2;
	v6 =	vld [tilespmem:$0x1FFE0];
	_ =	sdelay $0x1  }
0x198: {  	v3 =	vsel vm10, v3, v63  }
0x199: {  	v3 =	vsel vm11, v3, v4;
	v4 =	vmpcnt.ones.xlane vm1;
	vm1 =	vge.f32 v7, v2  }
0x19a: {  	v3 =	vsel vm12, v3, v5;
	v5 =	vmpcnt.ones.xlane vm1;
	vm1 =	vge.f32 v62, v2  }
0x19b: {  	s23 =	spop (v2sf);
	v3 =	vsel vm13, v3, v4;
	v4 =	vmpcnt.ones.xlane vm1;
	vm1 =	vnez.u8 v6  }
0x19c: {  	p0 =	sne.s32 s22, $0xC20;
	s19 =	sadd.s32 s19, s23;
	v3 =	vsel vm1, v3, v5  }
.Ltmp15:
0x19d: {  	p1 =	slt.s32 s19, $0x200;
	s23 =	smov.u32 s19;
	v3 =	vsel vm14, v3, v4;
	(pc) =	sbr.rel @p0 .LBB2_23-.Ltmp15, $4  }
0x19e: {  	s23 =	simm.s32 @!p1 $0x200;
	vm1 =	vgt.s32 v3, $0x0;
	v3 =	vor.u32 s20, v0  }
0x19f: {  	s21 =	sadd.s32 $0x100, s21;
	[tilespmem:s23+$0x19800] =	vst.msk vm1, v3;
	v5 =	vmpcnt.ones.xlane vm1  }
0x1a0: {  	v3 =	vld [tilespmem:s21+$0xFFFFFF80]  }
0x1a1: {  	s20 =	smov.u32 s22;
	s22 =	sadd.s32 $0x10, s22;
	v4 =	vld [tilespmem:s21+$0xFFFFFF90];
	(v2sf) =	vpush v5, $0x0  }
0x1a2: {  	v5 =	vld [tilespmem:s21+$0xFFFFFFA0]  }
0x1a3: {  	v6 =	vld [tilespmem:s21+$0xFFFFFFB0]  }
0x1a4: {  	v7 =	vld [tilespmem:s21+$0xFFFFFFC0]  }
0x1a5: {  	v8 =	vld [tilespmem:s21+$0xFFFFFFD0]  }
0x1a6: {  	vm1 =	vge.f32 v3, v2;
	v3 =	vld [tilespmem:s21+$0xFFFFFFE0];
	vm15 =	vge.f32 v4, v2  }
0x1a7: {  	v36 =	vld [tilespmem:s21+$0xFFFFFFF0];
	v35 =	vmpcnt.ones.xlane vm1;
	v9 =	vmpcnt.ones.xlane vm15;
	vm1 =	vge.f32 v5, v2  }
0x1a8: {  	v37 =	vld [tilespmem:s21+$0x0];
	v10 =	vmpcnt.ones.xlane vm1;
	vm1 =	vge.f32 v6, v2  }
0x1a9: {  	v39 =	vld [tilespmem:s21+$0x10];
	v4 =	vsel vm2, v35, v9;
	v38 =	vmpcnt.ones.xlane vm1;
	vm1 =	vge.f32 v7, v2  }
0x1aa: {  	v41 =	vld [tilespmem:s21+$0x20];
	v4 =	vsel vm0, v4, v10;
	v40 =	vmpcnt.ones.xlane vm1;
	vm1 =	vge.f32 v8, v2  }
0x1ab: {  	v4 =	vsel vm3, v4, v38;
	v42 =	vmpcnt.ones.xlane vm1;
	vm1 =	vge.f32 v3, v2;
	v3 =	vld [tilespmem:s21+$0x30]  }
0x1ac: {  	v44 =	vld [tilespmem:s21+$0x40];
	v4 =	vsel vm4, v4, v40;
	v43 =	vmpcnt.ones.xlane vm1;
	vm1 =	vge.f32 v36, v2  }
0x1ad: {  	v46 =	vld [tilespmem:s21+$0x50];
	v4 =	vsel vm5, v4, v42;
	v45 =	vmpcnt.ones.xlane vm1;
	vm1 =	vge.f32 v37, v2  }
0x1ae: {  	v48 =	vld [tilespmem:s21+$0x60];
	v4 =	vsel vm6, v4, v43;
	v47 =	vmpcnt.ones.xlane vm1;
	vm1 =	vge.f32 v39, v2  }
0x1af: {  	v50 =	vld [tilespmem:s21+$0x70];
	v4 =	vsel vm7, v4, v45;
	v49 =	vmpcnt.ones.xlane vm1;
	vm1 =	vge.f32 v41, v2  }
0x1b0: {  	v56 =	vld [tilespmem:$0x1FFE0];
	v4 =	vsel vm8, v4, v47;
	v51 =	vmpcnt.ones.xlane vm1;
	vm1 =	vge.f32 v3, v2  }
0x1b1: {  	v3 =	vsel vm9, v4, v49;
	v52 =	vmpcnt.ones.xlane vm1;
	vm1 =	vge.f32 v44, v2  }
0x1b2: {  	v3 =	vsel vm10, v3, v51;
	v5 =	vmpcnt.ones.xlane vm1;
	vm1 =	vge.f32 v46, v2  }
0x1b3: {  	v3 =	vsel vm11, v3, v52;
	v53 =	vmpcnt.ones.xlane vm1;
	vm1 =	vge.f32 v48, v2  }
0x1b4: {  	v3 =	vsel vm12, v3, v5;
	v54 =	vmpcnt.ones.xlane vm1;
	vm1 =	vge.f32 v50, v2  }
0x1b5: {  	s29 =	spop (v2sf);
	v3 =	vsel vm13, v3, v53;
	v55 =	vmpcnt.ones.xlane vm1;
	vm13 =	vnez.u8 v56  }
0x1b6: {  	s19 =	sadd.s32 s19, s29;
	v3 =	vsel vm13, v3, v54  }
0x1b7: {  	p0 =	slt.s32 s19, $0x200;
	s21 =	smov.u32 s19;
	v3 =	vsel vm14, v3, v55  }
0x1b8: {  	s21 =	simm.s32 @!p0 $0x200;
	vm1 =	vgt.s32 v3, $0x0;
	v3 =	vor.u32 s20, v0  }
0x1b9: {  	[tilespmem:s21+$0x19800] =	vst.msk vm1, v3  }
0x1ba: {  	v3 =	vld [tilespmem:$0x18680]  }
0x1bb: {  	v57 =	vld [tilespmem:$0x18690];
	_ =	sdelay $0x1  }
0x1bc: {  	v58 =	vld [tilespmem:$0x186A0]  }
0x1bd: {  	v59 =	vld [tilespmem:$0x186B0]  }
0x1be: {  	v60 =	vld [tilespmem:$0x186C0];
	vm15 =	vge.f32 v3, v2  }
0x1bf: {  	v3 =	vmpcnt.ones.xlane vm15;
	vm15 =	vge.f32 v57, v2  }
0x1c0: {  	v4 =	vmpcnt.ones.xlane vm15  }
0x1c1: {  	vm0 =	vcmask $0x314;
	vm15 =	vge.f32 v58, v2;
	v3 =	vnsel vm2, $0x0, v3  }
0x1c2: {  	v5 =	vmpcnt.ones.xlane vm15;
	vm15 =	vge.f32 v59, v2;
	v3 =	vsel vm0, v3, v4  }
0x1c3: {  	v61 =	vmpcnt.ones.xlane vm15;
	vm15 =	vge.f32 v60, v2;
	vm0 =	vcmask $0x714  }
0x1c4: {  	v62 =	vmpcnt.ones.xlane vm15;
	v3 =	vsel vm0, v3, v5;
	vm0 =	vcmask $0xB14  }
0x1c5: {  	v3 =	vsel vm0, v3, v61;
	vm0 =	vcmask $0xF14  }
0x1c6: {  	v3 =	vsel vm0, v3, v62  }
0x1c7: {  	v63 =	vmpcnt.ones.xlane vm1;
	vm1 =	vgt.s32 v3, $0x0  }
0x1c8: {  	v3 =	vmpcnt.ones.xlane vm1  }
0x1c9: {  	(v2sf) =	vpush v63, $0x0  }
0x1ca: {  	(v2sf) =	vpush v3, $0x0;
	_ =	sdelay $0xd  }
0x1cb: {  	s30 =	spop (v2sf)  }
0x1cc: {  	s19 =	sadd.s32 s19, s30;
	s31 =	spop (v2sf)  }
0x1cd: {  	p0 =	slt.s32 s19, $0x200;
	s22 =	smov.u32 s19;
	s21 =	sadd.s32 s19, s31  }
0x1ce: {  	s22 =	simm.s32 @!p0 $0x200;
	p0 =	slt.s32 s21, $0x1  }
.Ltmp16:
0x1cf: {  	_ = 	snop;
	(pc) =	sbr.rel @p0 .LBB2_31-.Ltmp16, $3  }
0x1d0: {  	_ =	sdelay $0x1  }
0x1d1: {  	vm3 =	vmmov vm4;
	vm6 =	vmmov vm8;
	vm8 =	vmmov vm10  }
0x1d2: {  	vm10 =	vmmov vm12;
	vm12 =	vmmov vm13;
	s20 =	simm.s32 $0x19800;
	vm0 =	vmmov vm2;
	[tilespmem:s22+$0x19800] =	vst.msk vm1, v1;
	s19 =	smov.u32 s17  }
0x1d3: {  	p1 =	sne.s32 s21, $0x1  }
.Ltmp17:
0x1d4: {  	_ = 	snop;
	(pc) =	sbr.rel @!p1 .LBB2_26-.Ltmp17, $2  }
0x1d5: {  	_ =	sdelay $0x2  }
0x1d6: {  	v3 =	vld [tilespmem:s20+$0x0];
	s19 =	sadd.s32 $0xFFFFFFFF, s21;
	p0 =	por $0x0, $0x0  }
0x1d7: {  	_ =	sdelay $0x3  }
0x1d8: {  	(v2sf) =	vpush v3, $0x0;
	_ =	sdelay $0xe  }
0x1d9: {  	s21 =	spop (v2sf)  }
0x1da: {  	s21 =	sshll.u32 s21, $0x4  }
0x1db: {  	v3 =	vld [tilespmem:s21+$0xC380];
	_ =	sdelay $0x1  }
0x1dc: {  	p1 =	sne.s32 s19, $0x1  }
.Ltmp18:
0x1dd: {  	_ = 	snop;
	(pc) =	sbr.rel @!p1 .LBB2_28-.Ltmp18, $4  }
0x1de: {  	p0 =	slt.s32 s17, $0x800;
	s22 =	smov.u32 s17;
	s21 =	sadd.s32 $0xC350, s21  }
0x1df: {  	s22 =	simm.s32 @!p0 $0x800;
	vm1 =	vge.f32 v3, v2;
	v3 =	vor.u32 s21, v0  }
0x1e0: {  	s20 =	sadd.s32 $0x1, s20;
	[tilespmem:s22+$0x18700] =	vst.msk vm1, v3;
	v4 =	vmpcnt.ones.xlane vm1  }
0x1e1: {  	p0 =	por $0x1, $0x1;
	s21 =	sadd.s32 $0xFFFFFFFF, s19;
	s19 =	smov.u32 s17;
	v3 =	vld [tilespmem:s20+$0x0]  }
.LBB2_29:
0x1e2: {  	p1 =	sne.s32 s21, $0x1;
	(v2sf) =	vpush v4, $0x0;
	_ =	sdelay $0x3  }
0x1e3: {  	(v2sf) =	vpush v3, $0x0;
	_ =	sdelay $0xa  }
0x1e4: {  	s22 =	spop (v2sf)  }
0x1e5: {  	s19 =	sadd.s32 s19, s22  }
0x1e6: {  	p2 =	slt.s32 s19, $0x800;
	s22 =	smov.u32 s19  }
0x1e7: {  	s22 =	simm.s32 @!p2 $0x800  }
0x1e8: {  	s23 =	spop (v2sf)  }
0x1e9: {  	s23 =	sshll.u32 s23, $0x4  }
0x1ea: {  	v3 =	vld [tilespmem:s23+$0xC380];
	s23 =	sadd.s32 $0xC350, s23;
	_ =	sdelay $0x2  }
.Ltmp19:
0x1eb: {  	(pc) =	sbr.rel @p1 .LBB2_29-.Ltmp19, $4  }
0x1ec: {  	_ = 	snop  }
0x1ed: {  	vm1 =	vge.f32 v3, v2;
	v3 =	vor.u32 s23, v0  }
0x1ee: {  	s20 =	sadd.s32 $0x1, s20;
	[tilespmem:s22+$0x18700] =	vst.msk vm1, v3;
	v4 =	vmpcnt.ones.xlane vm1  }
0x1ef: {  	s21 =	sadd.s32 $0xFFFFFFFF, s21;
	v3 =	vld [tilespmem:s20+$0x0]  }
.LBB2_30:
0x1f0: {  	_ =	sdelay $0x2  }
0x1f1: {  	(v2sf) =	vpush @p0 v4, $0x0  }
0x1f2: {  	(v2sf) =	vpush v3, $0x0;
	_ =	sdelay $0xd  }
0x1f3: {  	s20 =	spop @p0 (v2sf)  }
0x1f4: {  	s21 =	spop (v2sf)  }
0x1f5: {  	s21 =	sshll.u32 s21, $0x4  }
0x1f6: {  	v3 =	vld [tilespmem:s21+$0xC380];
	_ =	sdelay $0x4  }
0x1f7: {  	vm1 =	vge.f32 v3, v2  }
0x1f8: {  	v2 =	vmpcnt.ones.xlane vm1;
	_ =	sdelay $0x1  }
0x1f9: {  	(v2sf) =	vpush v2, $0x0;
	_ =	sdelay $0xb  }
0x1fa: {  	s19 =	sadd.s32 @p0 s19, s20;
	s20 =	smov.u32 s17  }
0x1fb: {  	s20 =	smov.u32 @p0 s19  }
0x1fc: {  	p0 =	slt.s32 s20, $0x800;
	s19 =	smov.u32 s20;
	s21 =	sadd.s32 $0xC350, s21  }
0x1fd: {  	s19 =	simm.s32 @!p0 $0x800;
	v2 =	vor.u32 s21, v0;
	s31 =	spop (v2sf)  }
0x1fe: {  	[tilespmem:s19+$0x18700] =	vst.msk vm1, v2;
	s19 =	sadd.s32 s20, s31  }
.LBB2_31:
0x1ff: {  	v2 =	vld [tilespmem:$0x1FF70];
	_ =	sdelay $0x4  }
0x200: {  	vm2 =	vnez.u8 v2;
	v2 =	vld [tilespmem:$0x1FF80];
	_ =	sdelay $0x4  }
0x201: {  	vm4 =	vnez.u8 v2;
	v2 =	vld [tilespmem:$0x1FF90];
	_ =	sdelay $0x4  }
0x202: {  	vm7 =	vnez.u8 v2;
	v2 =	vld [tilespmem:$0x1FFA0];
	_ =	sdelay $0x4  }
0x203: {  	vm9 =	vnez.u8 v2;
	v2 =	vld [tilespmem:$0x1FFB0];
	_ =	sdelay $0x1  }
0x204: {  	s20 =	ssub.s32 s19, s17  }
0x205: {  	s20 =	sadd.s32 $0xF, s20  }
0x206: {  	s21 =	sand.u32 $0xF, s20  }
0x207: {  	s22 =	sshra.s32 s20, $0x1F;
	p0 =	slt.s32 s20, $0x1;
	p1 =	sne.s32 s21, $0x0;
	vm11 =	vnez.u8 v2;
	v2 =	vld [tilespmem:$0x1FFC0]  }
0x208: {  	s31 =	sshrl.u32 s22, $0x1C;
	p0 =	por !p0, !p1  }
0x209: {  	s21 =	simm.s32 $0x1;
	s20 =	sadd.s32 s31, s20;
	p0 =	por !p0, !p0  }
0x20a: {  	s20 =	sshra.s32 s20, $0x4;
	s21 =	simm.s32 @!p0 $0x0  }
0x20b: {  	s21 =	ssub.s32 s20, s21  }
0x20c: {  	p0 =	slt.s32 s21, $0x1;
	vm13 =	vnez.u8 v2;
	v2 =	vld [tilespmem:$0x1FFD0]  }
.Ltmp20:
0x20d: {  	_ = 	snop;
	(pc) =	sbr.rel @p0 .LBB2_38-.Ltmp20, $2  }
0x20e: {  	_ =	sdelay $0x2  }
0x20f: {  	vm14 =	vnez.u8 v2  }
0x210: {  	p1 =	sne.s32 s21, $0x1  }
.Ltmp21:
0x211: {  	_ = 	snop;
	(pc) =	sbr.rel @!p1 .LBB2_33-.Ltmp21, $4  }
0x212: {  	s18 =	sshll.u32 s18, $0x6  }
0x213: {  	s18 =	sshra.s32 s18, $0x2  }
0x214: {  	s20 =	sadd.s32 $0x18700, s18  }
0x215: {  	v2 =	vmov s19;
	s21 =	sadd.s32 $0xFFFFFFFF, s21;
	p0 =	por $0x0, $0x0;
	s18 =	sadd.s32 $0x18F80, s18;
	v3 =	vld [tilespmem:s20+$0x0]  }
0x216: {  	_ =	sdelay $0x3  }
0x217: {  	v3 =	vadd.s32 $0xFFFF3CB0, v3  }
0x218: {  	v4 =	vor.u32 s17, v0;
	vm1 =	vgt.s32 v3, $0x0  }
0x219: {  	vm15 =	vlt.s32 v4, v2;
	v3 =	vnsel vm1, $0x0, v3  }
0x21a: {  	v3 =	vmin.u32 v3, $0xC34F;
	_ =	sdelay $0x4  }
0x21b: {  	v3 =	vld.idx.msk [tilespmem:v3+s9+$0x0], vm15;
	_ =	sdelay $0x1  }
0x21c: {  	p1 =	sne.s32 s21, $0x1  }
.Ltmp22:
0x21d: {  	_ = 	snop;
	(pc) =	sbr.rel @!p1 .LBB2_35-.Ltmp22, $4  }
0x21e: {  	_ = 	snop  }
0x21f: {  	v3 =	vnsel vm15, $0xFF800000, v3  }
0x220: {  	s22 =	sadd.s32 $0x10, s20;
	s23 =	sadd.s32 $0xFFFFFFFF, s21;
	[tilespmem:s18+$0x0] =	vst v3  }
0x221: {  	p0 =	por $0x1, $0x1;
	s21 =	smov.u32 s17;
	s20 =	smov.u32 s18;
	v3 =	vld [tilespmem:s22+$0x0]  }
.LBB2_36:
0x222: {  	p1 =	sne.s32 s23, $0x1;
	_ =	sdelay $0x3  }
0x223: {  	s21 =	sadd.s32 $0x10, s21;
	v3 =	vadd.s32 $0xFFFF3CB0, v3  }
0x224: {  	v4 =	vor.u32 s21, v0;
	vm1 =	vgt.s32 v3, $0x0  }
0x225: {  	vm15 =	vlt.s32 v4, v2;
	v3 =	vnsel vm1, $0x0, v3  }
0x226: {  	v3 =	vmin.u32 v3, $0xC34F;
	_ =	sdelay $0x4  }
0x227: {  	v3 =	vld.idx.msk [tilespmem:v3+s9+$0x0], vm15;
	_ =	sdelay $0x3  }
.Ltmp23:
0x228: {  	(pc) =	sbr.rel @p1 .LBB2_36-.Ltmp23, $4  }
0x229: {  	_ = 	snop  }
0x22a: {  	s20 =	sadd.s32 $0x10, s20;
	v3 =	vnsel vm15, $0xFF800000, v3  }
0x22b: {  	s22 =	sadd.s32 $0x10, s22;
	[tilespmem:s20+$0x0] =	vst v3  }
0x22c: {  	s23 =	sadd.s32 $0xFFFFFFFF, s23;
	v3 =	vld [tilespmem:s22+$0x0]  }
.LBB2_37:
0x22d: {  	_ =	sdelay $0x2  }
0x22e: {  	s21 =	sadd.s32 @p0 $0x10, s21  }
0x22f: {  	s17 =	smov.u32 @p0 s21;
	v3 =	vadd.s32 $0xFFFF3CB0, v3  }
0x230: {  	v4 =	vor.u32 s17, v0;
	vm1 =	vgt.s32 v3, $0x0  }
0x231: {  	vm15 =	vlt.s32 v4, v2;
	v2 =	vnsel vm1, $0x0, v3  }
0x232: {  	v2 =	vmin.u32 v2, $0xC34F;
	_ =	sdelay $0x4  }
0x233: {  	v2 =	vld.idx.msk [tilespmem:v2+s9+$0x0], vm15;
	_ =	sdelay $0x3  }
0x234: {  	s17 =	sadd.s32 @p0 $0x10, s20  }
0x235: {  	s18 =	smov.u32 @p0 s17;
	v2 =	vnsel vm15, $0xFF800000, v2  }
0x236: {  	[tilespmem:s18+$0x0] =	vst v2  }
.LBB2_38:
0x237: {  	s17 =	sadd.s32 $0xF, s19  }
0x238: {  	s18 =	sand.u32 $0xF, s17  }
0x239: {  	s19 =	sshra.s32 s17, $0x1F;
	p0 =	slt.s32 s17, $0x1;
	p1 =	sne.s32 s18, $0x0  }
0x23a: {  	s31 =	sshrl.u32 s19, $0x1C;
	p0 =	por !p0, !p1  }
0x23b: {  	s18 =	simm.s32 $0x1;
	s17 =	sadd.s32 s31, s17;
	p0 =	por !p0, !p0  }
.Ltmp24:
0x23c: {  	s17 =	sshrl.u32 s17, $0x4;
	s18 =	simm.s32 @!p0 $0x0;
	(pc) =	sbr.rel .LBB2_39-.Ltmp24, $4  }
0x23d: {  	s17 =	ssub.s32 s17, s18  }
0x23e: {  	s17 =	sshll.u32 s17, $0x4  }
0x23f: {  	s20 =	simm.f32 $-Inf;
	s17 =	sshra.s32 s17, $0x4  }
0x240: {  	v2 =	vimm.s32 $0x0;
	s22 =	simm.s32 $0xFFFFFFFF;
	v3 =	vimm.s32 $0x0;
	s18 =	simm.s32 $0x0;
	p0 =	slt.s32 s17, $0x1  }
.LBB2_40:
0x241: {  	v4 =	vimm.s32 $0xC0000000;
	s20 =	smov.u32 s8  }
.LBB2_46:
0x242: {  	(xrf0) =	vmin.scan.msk.u32 $0xffff, v4;
	_ =	sdelay $0x5  }
0x243: {  	v4, _, _ =	vpop (xrf0)  }
0x244: {  	(v2sf) =	vpush v4, $0xF;
	_ =	sdelay $0xa  }
0x245: {  	s19 =	sadd.s32 $0xFFFFFFF0, s18;
	v4 =	vmov s18;
	s18 =	sadd.s32 $0x1, s18  }
0x246: {  	p1 =	sne.s32 s18, $0x20  }
.Ltmp25:
0x247: {  	_ = 	snop;
	(pc) =	sbr.rel @!p1 .LBB2_47-.Ltmp25, $4  }
0x248: {  	_ = 	snop  }
0x249: {  	v5 =	vmov s19;
	s21 =	spop (v2sf)  }
0x24a: {  	vm15 =	veq.s32 v5, v0;
	vm1 =	veq.s32 v4, v0;
	s22 =	sxor.u32 $0x80000000, s21  }
0x24b: {  	v3 =	vsel vm1, s22, v3;
	v2 =	vsel vm15, s22, v2  }
.LBB2_39:
.Ltmp26:
0x24c: {  	(pc) =	sbr.rel @p0 .LBB2_40-.Ltmp26, $1  }
0x24d: {  	_ =	sdelay $0x3  }
0x24e: {  	p1 =	sne.s32 s17, $0x1  }
.Ltmp27:
0x24f: {  	_ = 	snop;
	(pc) =	sbr.rel @!p1 .LBB2_43-.Ltmp27, $4  }
0x250: {  	_ = 	snop  }
0x251: {  	s21 =	simm.s32 $0x18F80  }
0x252: {  	s19 =	simm.s32 $0x18700;
	v7 =	vld [tilespmem:s21+$0x0]  }
0x253: {  	v5 =	vmov s20;
	v6 =	vmov s22;
	v4 =	vimm.f32 $-Inf;
	s22 =	sadd.s32 $0xFFFFFFFF, s17;
	s20 =	simm.s32 $0x18F80;
	s23 =	simm.s32 $0x18700;
	v8 =	vld [tilespmem:s19+$0x0]  }
.LBB2_42:
0x254: {  	p2 =	sne.s32 s22, $0x1;
	_ =	sdelay $0x3  }
0x255: {  	vm1 =	veq.f32 v7, v5;
	vm15 =	veq.s32 v8, v6  }
.Ltmp28:
0x256: {  	vm1 =	vmand vm1, vm15;
	(pc) =	sbr.rel @p2 .LBB2_42-.Ltmp28, $4  }
0x257: {  	v7 =	vsel vm1, $0xFF800000, v7  }
0x258: {  	[tilespmem:s20+$0x0] =	vst v7;
	v4 =	vmax.f32 v4, v7;
	s20 =	sadd.s32 $0x10, s20  }
0x259: {  	s23 =	sadd.s32 $0x10, s23;
	v7 =	vld [tilespmem:s20+$0x0]  }
0x25a: {  	s22 =	sadd.s32 $0xFFFFFFFF, s22;
	v8 =	vld [tilespmem:s23+$0x0]  }
.LBB2_43:
0x25b: {  	_ =	sdelay $0x3  }
0x25c: {  	vm1 =	veq.f32 v7, v5;
	vm15 =	veq.s32 v8, v6  }
0x25d: {  	vm1 =	vmand vm1, vm15  }
0x25e: {  	v5 =	vsel vm1, $0xFF800000, v7  }
0x25f: {  	v4 =	vmax.f32 v4, v5  }
0x260: {  	(xrf0) =	vmax.scan.msk.f32 $0xffff, v4;
	_ =	sdelay $0x5  }
0x261: {  	v4, _, _ =	vpop (xrf0)  }
0x262: {  	(v2sf) =	vpush v4, $0xF;
	_ =	sdelay $0x8  }
0x263: {  	[tilespmem:s20+$0x0] =	vst v5  }
0x264: {  	v7 =	vld [tilespmem:s21+$0x0]  }
.Ltmp29:
0x265: {  	v6 =	vld [tilespmem:s19+$0x0];
	(pc) =	sbr.rel @!p1 .LBB2_45-.Ltmp29, $3  }
0x266: {  	_ = 	snop  }
0x267: {  	v5 =	vbroadcast v4, $0xF;
	_ =	sdelay $0x1  }
0x268: {  	s22 =	simm.s32 $0x18F90;
	s21 =	sadd.s32 $0xFFFFFFFF, s17;
	v4 =	vimm.s32 $0x40000000;
	vm15 =	veq.f32 v7, v5;
	s20 =	spop (v2sf)  }
.LBB2_44:
0x269: {  	v7 =	vld [tilespmem:s22+$0x0];
	p1 =	sne.s32 s21, $0x1;
	s21 =	sadd.s32 $0xFFFFFFFF, s21;
	v8 =	vnsel vm15, $0x40000000, v6;
	s19 =	sadd.s32 $0x10, s19  }
.Ltmp30:
0x26a: {  	v6 =	vld [tilespmem:s19+$0x0];
	vm1 =	vlt.s32 v4, v8;
	(pc) =	sbr.rel @p1 .LBB2_44-.Ltmp30, $2  }
0x26b: {  	v4 =	vsel vm1, v4, v8;
	_ =	sdelay $0x2  }
0x26c: {  	s22 =	sadd.s32 $0x10, s22;
	vm15 =	veq.f32 v7, v5  }
.LBB2_45:
.Ltmp31:
0x26d: {  	(pc) =	sbr.rel .LBB2_46-.Ltmp31, $4  }
0x26e: {  	v5 =	vnsel vm15, $0x40000000, v6  }
0x26f: {  	vm1 =	vlt.s32 v4, v5  }
0x270: {  	v4 =	vsel vm1, v4, v5  }
0x271: {  	v4 =	vxor.u32 $0x80000000, v4  }
.LBB2_10:
.Ltmp32:
0x272: {  	(pc) =	sbr.rel .LBB2_14-.Ltmp32, $2  }
0x273: {  	_ =	sdelay $0x2  }
0x274: {  	s18 =	simm.s32 $0x0  }
.LBB2_17:
.Ltmp33:
0x275: {  	(pc) =	sbr.rel .LBB2_21-.Ltmp33, $2  }
0x276: {  	_ =	sdelay $0x2  }
0x277: {  	s22 =	simm.s32 $0x0;
	s21 =	simm.s32 $0x18F80  }
.LBB2_26:
.Ltmp34:
0x278: {  	(pc) =	sbr.rel .LBB2_30-.Ltmp34, $2  }
0x279: {  	_ =	sdelay $0x2  }
0x27a: {  	s19 =	smov.u32 s17  }
.LBB2_33:
.Ltmp35:
0x27b: {  	(pc) =	sbr.rel .LBB2_37-.Ltmp35, $2  }
0x27c: {  	_ =	sdelay $0x2  }
0x27d: {  	s21 =	smov.u32 s17;
	s20 =	smov.u32 s18  }
.LBB2_12:
.Ltmp36:
0x27e: {  	(pc) =	sbr.rel .LBB2_14-.Ltmp36, $2  }
0x27f: {  	_ =	sdelay $0x2  }
0x280: {  	s18 =	simm.s32 $0x0  }
.LBB2_19:
.Ltmp37:
0x281: {  	(pc) =	sbr.rel .LBB2_21-.Ltmp37, $2  }
0x282: {  	_ =	sdelay $0x2  }
0x283: {  	s22 =	simm.s32 $0x0;
	s21 =	simm.s32 $0x18F80  }
.LBB2_28:
.Ltmp38:
0x284: {  	(pc) =	sbr.rel .LBB2_30-.Ltmp38, $2  }
0x285: {  	_ =	sdelay $0x2  }
0x286: {  	s19 =	smov.u32 s17  }
.LBB2_35:
.Ltmp39:
0x287: {  	(pc) =	sbr.rel .LBB2_37-.Ltmp39, $2  }
0x288: {  	_ =	sdelay $0x2  }
0x289: {  	s21 =	smov.u32 s17;
	s20 =	smov.u32 s18  }
.LBB2_49:
0x28a: {  	_ =	sfence.sel $0x180000  }
0x28b: {  	[bflag:$0x0] =	sbarrier.arrive $0xFFFF  }
0x28c: {  	p0 =	sne.s32 s3, $0x0;
	_ =	strace $0x90000047  }
0x28d: {  	s0 =	sadd.s32 @!p0 $0x100000, s0;
	[bflag:$0x2] =	sbarrier.arrive $0xFFFF  }
0x28e: {  	[sflag:s0] =	ssyncadd.tile.s32 @!p0 $0x1;
	_ =	shalt  }
.Lfunc_end2:
_tile_overlayer_lowered:
.L_overlay_start_2:
0x28f: {  	(tag) =	ssettag $0x2  }
0x290: {  	s0 =	rddreg [dreg:$0x0];
	s2 =	stileid.u32  }
0x291: {  	s1 =	rddreg [dreg:$0x1];
	p0 =	sne.s32 s2, $0x0  }
0x292: {  	s3 =	rddreg [dreg:$0x2];
	[bflag:$0x3] =	sbarrier.arrive $0xFFFF;
	s2 =	simm.s32 @!p0 $0x1C03  }
0x293: {  	[timem:s3], [sflag:s2] =	dma.local @!p0 [hbm:s0], s1  }
0x294: {  	s0 =	simm.s32 @!p0 $0x3  }
0x295: {  	_ =	swait.ge @!p0 [sflag:s0], s1  }
0x296: {  	s1 =	ssub.s32 @!p0 $0x0, s1;
	[sflag:s0] =	ssyncset.done @!p0 $0x0  }
0x297: {  	[sflag:s0] =	ssyncadd.s32 @!p0 s1  }
0x298: {  	[bflag:$0x3] =	sbarrier.arrive $0xFFFF  }
0x299: {  	_ =	shalt  }

// kernel: kernel.8.cloned.1.call-start
scs
__scs_entry_jumppad:
0x0: {  	(pc) =	sbr.rel $0x88, $3  }
0x1: {  	(tag) =	ssettag $0x0;
	lr =	simm.s32 $0x1  }
0x2: {  	[smem:$0x3F9D] =	sst lr;
	_ =	strace $0xD0000000  }
0x3: {  	_ = 	snop  }
0x4: {  	_ = 	snop  }
0x5: {  	_ = 	snop  }
0x6: {  	_ = 	snop  }
0x7: {  	_ = 	snop  }
__scs_overlays_trampoline_lowered:
0x8: {  	[smem:$0x3FAC] =	sst s0  }
0x9: {  	[smem:$0x3FAD] =	sst s1  }
0xa: {  	[smem:$0x3FAE] =	sst s2  }
0xb: {  	[smem:$0x3FAF] =	sst s3  }
0xc: {  	[smem:$0x3FB0] =	sst s4  }
0xd: {  	[smem:$0x3FB1] =	sst s5  }
0xe: {  	[smem:$0x3FB2] =	sst s6  }
0xf: {  	[smem:$0x3FB3] =	sst s7  }
0x10: {  	[smem:$0x3FB4] =	sst s8  }
0x11: {  	[smem:$0x3FB5] =	sst s9;
	s0 =	simm.s32 @!p0 $0x0  }
0x12: {  	s1 =	sld [smem:$0x3F9B];
	s0 =	simm.s32 @p0 $0x1  }
0x13: {  	[smem:$0x3FB6] =	sst s0;
	s0 =	simm.s32 @!p1 $0x0  }
0x14: {  	s2 =	sld [smem:$0x3F9A];
	s0 =	simm.s32 @p1 $0x1  }
0x15: {  	[smem:$0x3FB7] =	sst s0;
	s0 =	simm.s32 @!p2 $0x0  }
0x16: {  	s3 =	sld [smem:$0x3FDB];
	s0 =	simm.s32 @p2 $0x1  }
0x17: {  	s4 =	simm.s32 $0x1BF5;
	[smem:$0x3FB9] =	sst s0  }
0x18: {  	s0 =	sld [smem:$0x3F9C];
	_ =	swait.ge [sflag:s4], $0x0  }
0x19: {  	s7 =	sld [smem:$0x3F9D]  }
0x1a: {  	s8 =	sadd.s32 $0xFFFFE003, lr  }
0x1b: {  	s9 =	sadd.s32 $0xFFFFFEF7, lr;
	s5 =	simm.s32 $0xFFFFFFFF;
	p2 =	slt.u32 s8, $0xFFFFF086  }
0x1c: {  	p1 =	slt.u32 s9, $0xF7A;
	s5 =	simm.s32 @!p2 $0x0  }
0x1d: {  	s5 =	simm.s32 @p1 $0x1;
	p0 =	seq.s32 s7, s2  }
0x1e: {  	s7 =	smul.u32 @!p0 $0xF7A, s2;
	p2 =	seq.s32 @!p0 s5, $0x0  }
0x1f: {  	s9 =	smul.u32 $0xF7A, s1;
	s8 =	simm.s32 @!p0 $0x1BF5;
	p2 =	por !p2, p0  }
0x20: {  	[sflag:s8] =	ssyncset.s32 @!p0 $0xFFFFF086;
	s6 =	sadd.s32 @!p0 s3, s7;
	s7 =	simm.s32 @!p0 $0x108  }
0x21: {  	s3 =	sadd.s32 s3, s9;
	s6 =	sadd.s32 @!p0 $0x88, s6;
	s7 =	simm.s32 @p2 $0x1082  }
0x22: {  	[simem:s7], [sflag:s8] =	dma.local @!p0 [hbm:s6], $0xF7A  }
0x23: {  	s9 =	sor.u32 $0xD0000000, s2;
	s6 =	simm.s32 $0x108;
	_ =	swait.ge @!p0 [sflag:s8], $0x0  }
0x24: {  	s3 =	sadd.s32 $0x88, s3;
	s6 =	simm.s32 @!p1 $0x1082;
	[sflag:s4] =	ssyncset.s32 $0xFFFFF086  }
0x25: {  	[simem:s6], [sflag:s4] =	dma.local [hbm:s3], $0xF7A  }
0x26: {  	[smem:$0x3F9D] =	sst s1;
	(tag) =	ssettag s2;
	_ =	strace s9  }
0x27: {  	s1 =	sld [smem:$0x3FAD]  }
0x28: {  	s2 =	sld [smem:$0x3FAE]  }
0x29: {  	s4 =	sld [smem:$0x3FB0]  }
0x2a: {  	p0 =	seq.s32 s5, $0x0;
	s5 =	sld [smem:$0x3FB1]  }
0x2b: {  	s6 =	sld [smem:$0x3FB2]  }
0x2c: {  	s7 =	sld [smem:$0x3FB3]  }
0x2d: {  	s3 =	simm.s32 $0x108;
	s8 =	sld [smem:$0x3FB4]  }
0x2e: {  	s3 =	simm.s32 @!p0 $0x1082;
	s9 =	sld [smem:$0x3FB5]  }
0x2f: {  	lr =	sadd.s32 s0, s3;
	s0 =	sld [smem:$0x3FAC]  }
0x30: {  	s3 =	sld [smem:$0x3FAF]  }
0x31: {  	[smem:$0x3FB8] =	sst s10  }
0x32: {  	s10 =	sld [smem:$0x3FB6];
	_ =	sdelay $0x3  }
0x33: {  	p0 =	seq.s32 s10, $0x1;
	s10 =	sld [smem:$0x3FB8];
	_ =	sdelay $0x3  }
0x34: {  	[smem:$0x3FB8] =	sst s10  }
0x35: {  	s10 =	sld [smem:$0x3FB7];
	_ =	sdelay $0x3  }
0x36: {  	p1 =	seq.s32 s10, $0x1;
	s10 =	sld [smem:$0x3FB8];
	_ =	sdelay $0x3  }
0x37: {  	[smem:$0x3FB8] =	sst s10  }
0x38: {  	s10 =	sld [smem:$0x3FB9]  }
0x39: {  	_ = 	snop;
	(pc) =	sbr.ind lr, $3  }
0x3a: {  	_ = 	snop  }
0x3b: {  	_ = 	snop  }
0x3c: {  	p2 =	seq.s32 s10, $0x1;
	s10 =	sld [smem:$0x3FB8]  }
0x3d: {  	_ =	shalt  }
0x3e: {  	_ =	shalt  }
0x3f: {  	_ =	shalt  }
0x40: {  	_ =	shalt  }
0x41: {  	_ =	shalt  }
0x42: {  	_ =	shalt  }
0x43: {  	_ =	shalt  }
0x44: {  	_ =	shalt  }
0x45: {  	_ =	shalt  }
0x46: {  	_ =	shalt  }
0x47: {  	_ =	shalt  }
0x48: {  	_ =	shalt  }
0x49: {  	_ =	shalt  }
0x4a: {  	_ =	shalt  }
0x4b: {  	_ =	shalt  }
0x4c: {  	_ =	shalt  }
0x4d: {  	_ =	shalt  }
0x4e: {  	_ =	shalt  }
0x4f: {  	_ =	shalt  }
0x50: {  	_ =	shalt  }
0x51: {  	_ =	shalt  }
0x52: {  	_ =	shalt  }
0x53: {  	_ =	shalt  }
0x54: {  	_ =	shalt  }
0x55: {  	_ =	shalt  }
0x56: {  	_ =	shalt  }
0x57: {  	_ =	shalt  }
0x58: {  	_ =	shalt  }
0x59: {  	_ =	shalt  }
0x5a: {  	_ =	shalt  }
0x5b: {  	_ =	shalt  }
0x5c: {  	_ =	shalt  }
0x5d: {  	_ =	shalt  }
0x5e: {  	_ =	shalt  }
0x5f: {  	_ =	shalt  }
0x60: {  	_ =	shalt  }
0x61: {  	_ =	shalt  }
0x62: {  	_ =	shalt  }
0x63: {  	_ =	shalt  }
0x64: {  	_ =	shalt  }
0x65: {  	_ =	shalt  }
0x66: {  	_ =	shalt  }
0x67: {  	_ =	shalt  }
0x68: {  	_ =	shalt  }
0x69: {  	_ =	shalt  }
0x6a: {  	_ =	shalt  }
0x6b: {  	_ =	shalt  }
0x6c: {  	_ =	shalt  }
0x6d: {  	_ =	shalt  }
0x6e: {  	_ =	shalt  }
0x6f: {  	_ =	shalt  }
0x70: {  	_ =	shalt  }
0x71: {  	_ =	shalt  }
0x72: {  	_ =	shalt  }
0x73: {  	_ =	shalt  }
0x74: {  	_ =	shalt  }
0x75: {  	_ =	shalt  }
0x76: {  	_ =	shalt  }
0x77: {  	_ =	shalt  }
0x78: {  	_ =	shalt  }
0x79: {  	_ =	shalt  }
0x7a: {  	_ =	shalt  }
0x7b: {  	_ =	shalt  }
0x7c: {  	_ =	shalt  }
0x7d: {  	_ =	shalt  }
0x7e: {  	_ =	shalt  }
0x7f: {  	_ =	shalt  }
0x80: {  	_ =	shalt  }
0x81: {  	_ =	shalt  }
0x82: {  	_ =	shalt  }
0x83: {  	_ =	shalt  }
0x84: {  	_ =	shalt  }
0x85: {  	_ =	shalt  }
0x86: {  	_ =	shalt  }
0x87: {  	_ =	shalt  }
.Lfunc_end0:
.L_simem_size_0:
called_computation.1_lowered:
.L_overlay_start_0:
0x88: {  	s2 =	sld [smem:$0x3FD9]  }
0x89: {  	s3 =	sld [smem:$0x3FFE];
	_ =	sdelay $0x1  }
0x8a: {  	s1 =	srdreg.scid  }
0x8b: {  	s0 =	sand.u32 $0x1, s1  }
0x8c: {  	s14 =	sshll.u32 s0, $0xA;
	s2 =	sadd.s32 s3, s2  }
0x8d: {  	s2 =	sadd.s32 s2, s14  }
0x8e: {  	[smem:$0x3FC4] =	sst s2  }
0x8f: {  	_ = 	snop  }
0x90: {  	s2 =	sld [smem:$0x3FD0];
	_ =	sdelay $0x2  }
0x91: {  	s4 =	simm.s32 $0xA;
	s5 =	simm.s32 $0x10;
	s15 =	sld [smem:$0x3FC8]  }
0x92: {  	[smem:s5], [sflag:s4] =	dma.local [hbm:s2], $0x1  }
0x93: {  	_ =	swait.eq [sflag:s4], $0x1  }
0x94: {  	[sflag:s4] =	ssyncset.done $0x0  }
0x95: {  	[sflag:s4] =	ssyncadd.s32 $0xFFFFFFFF  }
0x96: {  	s16 =	sld [smem:$0x12];
	(tm) =	ssettm $0x1  }
0x97: {  	s17 =	sld [smem:$0x3FFB];
	_ =	sdelay $0x3  }
0x98: {  	_ =	strace s17  }
0x99: {  	s4 =	sld [smem:$0x3FFC];
	_ =	sdelay $0x3  }
0x9a: {  	_ =	strace s4  }
0x9b: {  	s4 =	sld [smem:$0x3FFD];
	_ =	sdelay $0x3  }
0x9c: {  	_ =	strace s4  }
0x9d: {  	_ =	strace $0x8FFFFFFF  }
0x9e: {  	s18 =	sld [smem:$0x3FDB];
	_ =	sdelay $0x1  }
0x9f: {  	s19 =	simm.s32 $_scs_section_size  }
0xa0: {  	s6 =	simm.s32 $_size__tile_overlayer_lowered;
	s7 =	simm.s32 $_tile_overlayer_lowered  }
0xa1: {  	s22 =	simm.s32 $0x1BFF;
	s21 =	sshll.u32 s7, $0x1;
	s4 =	sadd.s32 s19, s18  }
0xa2: {  	s8 =	simm.s32 $0x0;
	s20 =	sshll.u32 s6, $0x1;
	s6 =	sadd.s32 s21, s4  }
0xa3: {  	[timem:s8], [sflag:s22] =	dma.local [hbm:s6], s20  }
0xa4: {  	_ =	swait.ge [sflag:s22], s20  }
0xa5: {  	s5 =	ssub.s32 $0x0, s20;
	[sflag:s22] =	ssyncset.done $0x0  }
0xa6: {  	[sflag:s22] =	ssyncadd.s32 s5;
	_ =	sdelay $0x1  }
0xa7: {  	s23 =	simm.s32 $0x1B8B  }
0xa8: {  	_ =	swait.ge [sflag:s23], $0x1  }
0xa9: {  	[sflag:s23] =	ssyncset.done $0x0  }
0xaa: {  	s25 =	simm.s32 $0x1B8E;
	s24 =	sld [smem:$0x3FFE];
	[sflag:s23] =	ssyncadd.s32 $0xFFFFFFFF  }
0xab: {  	s26 =	simm.s32 $execute0_lowered;
	[smem:$0x3FD2] =	sst s25  }
0xac: {  	s6 =	sshll.u32 s26, $0x1;
	_ =	strace $0x80000049;
	[dreg:$0x1] =	wrdreg $0xFFFFFFFF  }
0xad: {  	s28 =	simm.s32 $_size_execute0_lowered;
	s4 =	sadd.s32 s4, s6;
	[dreg:$0x0] =	wrdreg $0x0  }
0xae: {  	s6 =	sshll.u32 s28, $0x1;
	[dreg:$0x2] =	wrdreg s4  }
0xaf: {  	[dreg:$0x3] =	wrdreg s6  }
0xb0: {  	[dreg:$0x4] =	wrdreg $0xC0  }
0xb1: {  	_ =	task [dreg:s8], $0x5FFFF  }
0xb2: {  	[dreg:$0x1] =	wrdreg $0xFFFFFFFF  }
0xb3: {  	[dreg:$0x0] =	wrdreg $0x60  }
0xb4: {  	[dreg:$0x2] =	wrdreg s15  }
0xb5: {  	[dreg:$0x3] =	wrdreg s16  }
0xb6: {  	[dreg:$0x4] =	wrdreg s24  }
0xb7: {  	[dreg:$0x5] =	wrdreg $0x9  }
0xb8: {  	_ =	task.clear_ibuf [dreg:s8], $0x6FFFF;
	_ =	strace $0x90000049  }
0xb9: {  	s29 =	simm.s32 $0x9;
	_ =	strace $0x8000004B  }
0xba: {  	_ =	swait.ge [sflag:s29], $0x1  }
0xbb: {  	[sflag:s29] =	ssyncadd.s32 $0xFFFFFFFF  }
0xbc: {  	_ =	strace $0x9000004B  }
0xbd: {  	_ =	sfence  }
0xbe: {  	s30 =	sld [smem:$0x0];
	_ =	sdelay $0x2  }
0xbf: {  	s31 =	sshll.u32 s1, $0xD;
	s1 =	sshrl.u32 s1, $0x2  }
0xc0: {  	s3 =	sand.u32 $0x4000, s31;
	s1 =	sadd.s32 s1, s30  }
0xc1: {  	s0 =	sor.u32 s3, s0;
	s1 =	sshll.u32 s1, $0x11  }
0xc2: {  	s0 =	sor.u32 s1, s0  }
0xc3: {  	s0 =	sadd.s32 $0x8F2B, s0  }
0xc4: {  	[sflag:s0] =	ssyncadd.remote.s32 $0x1  }
0xc5: {  	_ =	sfence.sel $0xFFFF  }
0xc6: {  	[dreg:$0x0] =	wrdreg $0xFFFFFFFF;
	(pc) =	sbr.abs _section_cstart, $3  }
0xc7: {  	[dreg:$0x1] =	wrdreg $0xFFFFFFFF  }
0xc8: {  	_ =	task.clear_ibuf [dreg:s8], $0x2FFFF;
	_ =	strace $0x9FFFFFFF  }
0xc9: {  	(tm) =	ssettm $0x7FFFFFFF  }
tec
execute0_lowered:
.L_overlay_start_1:
0x0: {  	(tag) =	ssettag $0x1  }
0x1: {  	s1 =	rddreg [dreg:$0x0];
	s2 =	srdreg.scid  }
0x2: {  	s21 =	rddreg [dreg:$0x1];
	s0 =	stileid.u32;
	s22 =	sand.u32 $0x1, s2  }
0x3: {  	s8 =	rddreg [dreg:$0x2];
	s4 =	sshll.u32 s0, $0xB;
	s5 =	sshll.u32 s22, $0xA  }
0x4: {  	s3 =	simm.s32 $0x0;
	s2 =	rddreg [dreg:$0x3];
	s24 =	sor.u32 s5, s4  }
0x5: {  	[smem:$0x7FF] =	sst s3;
	s4 =	sshrl.u32 s24, $0x3  }
0x6: {  	_ =	strace $0x8000004A;
	s5 =	sadd.s32 s21, s4;
	s4 =	simm.s32 $0x2  }
0x7: {  	[tilespmem:s3], [sflag:$0x2] =	stream.linear.gather [hbm4b:s5+s3], $0x80, $0x38;
	[tilespmem:$0x4080] =	vst v63  }
0x8: {  	_ =	swait.ge [sflag:s4], $0x80  }
0x9: {  	[sflag:s4] =	ssyncset.done $0x0  }
0xa: {  	s6 =	simm.s32 $0x80;
	s7 =	simm.s32 $0x1;
	[sflag:s4] =	ssyncadd.s32 $0xFFFFFF80  }
0xb: {  	[tilespmem:s6], [sflag:$0x1] =	stream.indirect.gather [hbm4b:s1+s6], $0x80, s3, s6, $0xb8;
	[tilespmem:$0x4080] =	vst v63  }
0xc: {  	_ =	swait.ge [sflag:s7], $0x4000  }
0xd: {  	s23 =	sadd.s32 $0xC00, s8;
	s28 =	sshll.u32 s24, $0x4;
	[sflag:s7] =	ssyncset.done $0x0  }
0xe: {  	s8 =	sadd.s32 s23, s28;
	[sflag:s7] =	ssyncadd.s32 $0xFFFFC000  }
0xf: {  	[hbm4b:s8+s3] =	stream.linear.scatter [tilespmem:s6], [sflag:$0x2], $0x4000, $0x38;
	[tilespmem:$0x4080] =	vst v63  }
0x10: {  	s10 =	sor.u32 $0x80, s24;
	_ =	swait.ge [sflag:s4], $0x4000  }
0x11: {  	s9 =	sshrl.u32 s10, $0x3;
	[sflag:s4] =	ssyncset.done $0x0  }
0x12: {  	s9 =	sadd.s32 s21, s9;
	[sflag:s4] =	ssyncadd.s32 $0xFFFFC000  }
0x13: {  	[tilespmem:s3], [sflag:$0x2] =	stream.linear.gather [hbm4b:s9+s3], $0x80, $0x38;
	[tilespmem:$0x4080] =	vst v63  }
0x14: {  	_ =	swait.ge [sflag:s4], $0x80  }
0x15: {  	[sflag:s4] =	ssyncset.done $0x0  }
0x16: {  	[sflag:s4] =	ssyncadd.s32 $0xFFFFFF80  }
0x17: {  	[tilespmem:s6], [sflag:$0x1] =	stream.indirect.gather [hbm4b:s1+s6], $0x80, s3, s6, $0xb8;
	[tilespmem:$0x4080] =	vst v63  }
0x18: {  	_ =	swait.ge [sflag:s7], $0x4000  }
0x19: {  	s10 =	sshll.u32 s10, $0x4;
	[sflag:s7] =	ssyncset.done $0x0  }
0x1a: {  	s10 =	sadd.s32 s23, s10;
	[sflag:s7] =	ssyncadd.s32 $0xFFFFC000  }
0x1b: {  	[hbm4b:s10+s3] =	stream.linear.scatter [tilespmem:s6], [sflag:$0x2], $0x4000, $0x38;
	[tilespmem:$0x4080] =	vst v63  }
0x1c: {  	s12 =	sor.u32 $0x100, s24;
	_ =	swait.ge [sflag:s4], $0x4000  }
0x1d: {  	s11 =	sshrl.u32 s12, $0x3;
	[sflag:s4] =	ssyncset.done $0x0  }
0x1e: {  	s11 =	sadd.s32 s21, s11;
	[sflag:s4] =	ssyncadd.s32 $0xFFFFC000  }
0x1f: {  	[tilespmem:s3], [sflag:$0x2] =	stream.linear.gather [hbm4b:s11+s3], $0x80, $0x38;
	[tilespmem:$0x4080] =	vst v63  }
0x20: {  	_ =	swait.ge [sflag:s4], $0x80  }
0x21: {  	[sflag:s4] =	ssyncset.done $0x0  }
0x22: {  	[sflag:s4] =	ssyncadd.s32 $0xFFFFFF80  }
0x23: {  	[tilespmem:s6], [sflag:$0x1] =	stream.indirect.gather [hbm4b:s1+s6], $0x80, s3, s6, $0xb8;
	[tilespmem:$0x4080] =	vst v63  }
0x24: {  	_ =	swait.ge [sflag:s7], $0x4000  }
0x25: {  	s12 =	sshll.u32 s12, $0x4;
	[sflag:s7] =	ssyncset.done $0x0  }
0x26: {  	s12 =	sadd.s32 s23, s12;
	[sflag:s7] =	ssyncadd.s32 $0xFFFFC000  }
0x27: {  	[hbm4b:s12+s3] =	stream.linear.scatter [tilespmem:s6], [sflag:$0x2], $0x4000, $0x38;
	[tilespmem:$0x4080] =	vst v63  }
0x28: {  	s14 =	sor.u32 $0x180, s24;
	_ =	swait.ge [sflag:s4], $0x4000  }
0x29: {  	s13 =	sshrl.u32 s14, $0x3;
	[sflag:s4] =	ssyncset.done $0x0  }
0x2a: {  	s13 =	sadd.s32 s21, s13;
	[sflag:s4] =	ssyncadd.s32 $0xFFFFC000  }
0x2b: {  	[tilespmem:s3], [sflag:$0x2] =	stream.linear.gather [hbm4b:s13+s3], $0x80, $0x38;
	[tilespmem:$0x4080] =	vst v63  }
0x2c: {  	_ =	swait.ge [sflag:s4], $0x80  }
0x2d: {  	[sflag:s4] =	ssyncset.done $0x0  }
0x2e: {  	[sflag:s4] =	ssyncadd.s32 $0xFFFFFF80  }
0x2f: {  	[tilespmem:s6], [sflag:$0x1] =	stream.indirect.gather [hbm4b:s1+s6], $0x80, s3, s6, $0xb8;
	[tilespmem:$0x4080] =	vst v63  }
0x30: {  	_ =	swait.ge [sflag:s7], $0x4000  }
0x31: {  	s14 =	sshll.u32 s14, $0x4;
	[sflag:s7] =	ssyncset.done $0x0  }
0x32: {  	s14 =	sadd.s32 s23, s14;
	[sflag:s7] =	ssyncadd.s32 $0xFFFFC000  }
0x33: {  	[hbm4b:s14+s3] =	stream.linear.scatter [tilespmem:s6], [sflag:$0x2], $0x4000, $0x38;
	[tilespmem:$0x4080] =	vst v63  }
0x34: {  	s16 =	sor.u32 $0x200, s24;
	_ =	swait.ge [sflag:s4], $0x4000  }
0x35: {  	s15 =	sshrl.u32 s16, $0x3;
	[sflag:s4] =	ssyncset.done $0x0  }
0x36: {  	s15 =	sadd.s32 s21, s15;
	[sflag:s4] =	ssyncadd.s32 $0xFFFFC000  }
0x37: {  	[tilespmem:s3], [sflag:$0x2] =	stream.linear.gather [hbm4b:s15+s3], $0x80, $0x38;
	[tilespmem:$0x4080] =	vst v63  }
0x38: {  	_ =	swait.ge [sflag:s4], $0x80  }
0x39: {  	[sflag:s4] =	ssyncset.done $0x0  }
0x3a: {  	[sflag:s4] =	ssyncadd.s32 $0xFFFFFF80  }
0x3b: {  	[tilespmem:s6], [sflag:$0x1] =	stream.indirect.gather [hbm4b:s1+s6], $0x80, s3, s6, $0xb8;
	[tilespmem:$0x4080] =	vst v63  }
0x3c: {  	_ =	swait.ge [sflag:s7], $0x4000  }
0x3d: {  	s16 =	sshll.u32 s16, $0x4;
	[sflag:s7] =	ssyncset.done $0x0  }
0x3e: {  	s16 =	sadd.s32 s23, s16;
	[sflag:s7] =	ssyncadd.s32 $0xFFFFC000  }
0x3f: {  	[hbm4b:s16+s3] =	stream.linear.scatter [tilespmem:s6], [sflag:$0x2], $0x4000, $0x38;
	[tilespmem:$0x4080] =	vst v63  }
0x40: {  	s18 =	sor.u32 $0x280, s24;
	_ =	swait.ge [sflag:s4], $0x4000  }
0x41: {  	s17 =	sshrl.u32 s18, $0x3;
	[sflag:s4] =	ssyncset.done $0x0  }
0x42: {  	s17 =	sadd.s32 s21, s17;
	[sflag:s4] =	ssyncadd.s32 $0xFFFFC000  }
0x43: {  	[tilespmem:s3], [sflag:$0x2] =	stream.linear.gather [hbm4b:s17+s3], $0x80, $0x38;
	[tilespmem:$0x4080] =	vst v63  }
0x44: {  	_ =	swait.ge [sflag:s4], $0x80  }
0x45: {  	[sflag:s4] =	ssyncset.done $0x0  }
0x46: {  	[sflag:s4] =	ssyncadd.s32 $0xFFFFFF80  }
0x47: {  	[tilespmem:s6], [sflag:$0x1] =	stream.indirect.gather [hbm4b:s1+s6], $0x80, s3, s6, $0xb8;
	[tilespmem:$0x4080] =	vst v63  }
0x48: {  	_ =	swait.ge [sflag:s7], $0x4000  }
0x49: {  	s18 =	sshll.u32 s18, $0x4;
	[sflag:s7] =	ssyncset.done $0x0  }
0x4a: {  	s18 =	sadd.s32 s23, s18;
	[sflag:s7] =	ssyncadd.s32 $0xFFFFC000  }
0x4b: {  	[hbm4b:s18+s3] =	stream.linear.scatter [tilespmem:s6], [sflag:$0x2], $0x4000, $0x38;
	[tilespmem:$0x4080] =	vst v63  }
0x4c: {  	s20 =	sor.u32 $0x300, s24;
	_ =	swait.ge [sflag:s4], $0x4000  }
0x4d: {  	s19 =	sshrl.u32 s20, $0x3;
	[sflag:s4] =	ssyncset.done $0x0  }
0x4e: {  	s19 =	sadd.s32 s21, s19;
	[sflag:s4] =	ssyncadd.s32 $0xFFFFC000  }
0x4f: {  	[tilespmem:s3], [sflag:$0x2] =	stream.linear.gather [hbm4b:s19+s3], $0x80, $0x38;
	[tilespmem:$0x4080] =	vst v63  }
0x50: {  	_ =	swait.ge [sflag:s4], $0x80  }
0x51: {  	[sflag:s4] =	ssyncset.done $0x0  }
0x52: {  	[sflag:s4] =	ssyncadd.s32 $0xFFFFFF80  }
0x53: {  	[tilespmem:s6], [sflag:$0x1] =	stream.indirect.gather [hbm4b:s1+s6], $0x80, s3, s6, $0xb8;
	[tilespmem:$0x4080] =	vst v63  }
0x54: {  	_ =	swait.ge [sflag:s7], $0x4000  }
0x55: {  	s20 =	sshll.u32 s20, $0x4;
	[sflag:s7] =	ssyncset.done $0x0  }
0x56: {  	s20 =	sadd.s32 s23, s20;
	[sflag:s7] =	ssyncadd.s32 $0xFFFFC000  }
0x57: {  	[hbm4b:s20+s3] =	stream.linear.scatter [tilespmem:s6], [sflag:$0x2], $0x4000, $0x38;
	[tilespmem:$0x4080] =	vst v63  }
0x58: {  	s24 =	sor.u32 $0x380, s24;
	_ =	swait.ge [sflag:s4], $0x4000  }
0x59: {  	s25 =	sshrl.u32 s24, $0x3;
	[sflag:s4] =	ssyncset.done $0x0  }
0x5a: {  	s22 =	ssub.s32 $0x2, s22;
	s21 =	sadd.s32 s21, s25;
	[sflag:s4] =	ssyncadd.s32 $0xFFFFC000  }
0x5b: {  	[tilespmem:s3], [sflag:$0x2] =	stream.linear.gather [hbm4b:s21+s3], $0x80, $0x38;
	[tilespmem:$0x4080] =	vst v63  }
0x5c: {  	s29 =	sshrl.u32 s22, $0x1;
	_ =	swait.ge [sflag:s4], $0x80  }
0x5d: {  	s25 =	ssub.s32 s22, s29;
	[sflag:s4] =	ssyncset.done $0x0  }
0x5e: {  	s31 =	smax.u32 s25, $0x1;
	[sflag:s4] =	ssyncadd.s32 $0xFFFFFF80  }
0x5f: {  	[tilespmem:s6], [sflag:$0x1] =	stream.indirect.gather [hbm4b:s1+s6], $0x80, s3, s6, $0xb8;
	[tilespmem:$0x4080] =	vst v63  }
0x60: {  	p0 =	sne.s32 s31, $0x1;
	_ =	swait.ge [sflag:s7], $0x4000  }
.Ltmp0:
0x61: {  	s30 =	sshll.u32 s24, $0x4;
	[sflag:s7] =	ssyncset.done $0x0;
	(pc) =	sbr.rel @!p0 .LBB2_2-.Ltmp0, $4  }
0x62: {  	s22 =	sadd.s32 s23, s30;
	[sflag:s7] =	ssyncadd.s32 $0xFFFFC000  }
0x63: {  	[hbm4b:s22+s3] =	stream.linear.scatter [tilespmem:s6], [sflag:$0x2], $0x4000, $0x38;
	[tilespmem:$0x4080] =	vst v63  }
0x64: {  	_ =	swait.ge [sflag:s4], $0x4000  }
0x65: {  	s23 =	sadd.s32 $0xFFFFFFFF, s31;
	[sflag:s4] =	ssyncset.done $0x0  }
.LBB2_1:
0x66: {  	p0 =	sne.s32 s23, $0x1;
	s23 =	sadd.s32 $0xFFFFFFFF, s23;
	[sflag:s4] =	ssyncadd.s32 $0xFFFFC000  }
0x67: {  	[tilespmem:s3], [sflag:$0x2] =	stream.linear.gather [hbm4b:s5+s3], $0x80, $0x38;
	[tilespmem:$0x4080] =	vst v63  }
0x68: {  	_ =	swait.ge [sflag:s4], $0x80  }
0x69: {  	[sflag:s4] =	ssyncset.done $0x0  }
0x6a: {  	[sflag:s4] =	ssyncadd.s32 $0xFFFFFF80  }
0x6b: {  	[tilespmem:s6], [sflag:$0x1] =	stream.indirect.gather [hbm4b:s1+s6], $0x80, s3, s6, $0xb8;
	[tilespmem:$0x4080] =	vst v63  }
0x6c: {  	_ =	swait.ge [sflag:s7], $0x4000  }
0x6d: {  	[sflag:s7] =	ssyncset.done $0x0  }
0x6e: {  	[sflag:s7] =	ssyncadd.s32 $0xFFFFC000  }
0x6f: {  	[hbm4b:s8+s3] =	stream.linear.scatter [tilespmem:s6], [sflag:$0x2], $0x4000, $0x38;
	[tilespmem:$0x4080] =	vst v63  }
0x70: {  	_ =	swait.ge [sflag:s4], $0x4000  }
0x71: {  	[sflag:s4] =	ssyncset.done $0x0  }
0x72: {  	[sflag:s4] =	ssyncadd.s32 $0xFFFFC000  }
0x73: {  	[tilespmem:s3], [sflag:$0x2] =	stream.linear.gather [hbm4b:s9+s3], $0x80, $0x38;
	[tilespmem:$0x4080] =	vst v63  }
0x74: {  	_ =	swait.ge [sflag:s4], $0x80  }
0x75: {  	[sflag:s4] =	ssyncset.done $0x0  }
0x76: {  	[sflag:s4] =	ssyncadd.s32 $0xFFFFFF80  }
0x77: {  	[tilespmem:s6], [sflag:$0x1] =	stream.indirect.gather [hbm4b:s1+s6], $0x80, s3, s6, $0xb8;
	[tilespmem:$0x4080] =	vst v63  }
0x78: {  	_ =	swait.ge [sflag:s7], $0x4000  }
0x79: {  	[sflag:s7] =	ssyncset.done $0x0  }
0x7a: {  	[sflag:s7] =	ssyncadd.s32 $0xFFFFC000  }
0x7b: {  	[hbm4b:s10+s3] =	stream.linear.scatter [tilespmem:s6], [sflag:$0x2], $0x4000, $0x38;
	[tilespmem:$0x4080] =	vst v63  }
0x7c: {  	_ =	swait.ge [sflag:s4], $0x4000  }
0x7d: {  	[sflag:s4] =	ssyncset.done $0x0  }
0x7e: {  	[sflag:s4] =	ssyncadd.s32 $0xFFFFC000  }
0x7f: {  	[tilespmem:s3], [sflag:$0x2] =	stream.linear.gather [hbm4b:s11+s3], $0x80, $0x38;
	[tilespmem:$0x4080] =	vst v63  }
0x80: {  	_ =	swait.ge [sflag:s4], $0x80  }
0x81: {  	[sflag:s4] =	ssyncset.done $0x0  }
0x82: {  	[sflag:s4] =	ssyncadd.s32 $0xFFFFFF80  }
0x83: {  	[tilespmem:s6], [sflag:$0x1] =	stream.indirect.gather [hbm4b:s1+s6], $0x80, s3, s6, $0xb8;
	[tilespmem:$0x4080] =	vst v63  }
0x84: {  	_ =	swait.ge [sflag:s7], $0x4000  }
0x85: {  	[sflag:s7] =	ssyncset.done $0x0  }
0x86: {  	[sflag:s7] =	ssyncadd.s32 $0xFFFFC000  }
0x87: {  	[hbm4b:s12+s3] =	stream.linear.scatter [tilespmem:s6], [sflag:$0x2], $0x4000, $0x38;
	[tilespmem:$0x4080] =	vst v63  }
0x88: {  	_ =	swait.ge [sflag:s4], $0x4000  }
0x89: {  	[sflag:s4] =	ssyncset.done $0x0  }
0x8a: {  	[sflag:s4] =	ssyncadd.s32 $0xFFFFC000  }
0x8b: {  	[tilespmem:s3], [sflag:$0x2] =	stream.linear.gather [hbm4b:s13+s3], $0x80, $0x38;
	[tilespmem:$0x4080] =	vst v63  }
0x8c: {  	_ =	swait.ge [sflag:s4], $0x80  }
0x8d: {  	[sflag:s4] =	ssyncset.done $0x0  }
0x8e: {  	[sflag:s4] =	ssyncadd.s32 $0xFFFFFF80  }
0x8f: {  	[tilespmem:s6], [sflag:$0x1] =	stream.indirect.gather [hbm4b:s1+s6], $0x80, s3, s6, $0xb8;
	[tilespmem:$0x4080] =	vst v63  }
0x90: {  	_ =	swait.ge [sflag:s7], $0x4000  }
0x91: {  	[sflag:s7] =	ssyncset.done $0x0  }
0x92: {  	[sflag:s7] =	ssyncadd.s32 $0xFFFFC000  }
0x93: {  	[hbm4b:s14+s3] =	stream.linear.scatter [tilespmem:s6], [sflag:$0x2], $0x4000, $0x38;
	[tilespmem:$0x4080] =	vst v63  }
0x94: {  	_ =	swait.ge [sflag:s4], $0x4000  }
0x95: {  	[sflag:s4] =	ssyncset.done $0x0  }
0x96: {  	[sflag:s4] =	ssyncadd.s32 $0xFFFFC000  }
0x97: {  	[tilespmem:s3], [sflag:$0x2] =	stream.linear.gather [hbm4b:s15+s3], $0x80, $0x38;
	[tilespmem:$0x4080] =	vst v63  }
0x98: {  	_ =	swait.ge [sflag:s4], $0x80  }
0x99: {  	[sflag:s4] =	ssyncset.done $0x0  }
0x9a: {  	[sflag:s4] =	ssyncadd.s32 $0xFFFFFF80  }
0x9b: {  	[tilespmem:s6], [sflag:$0x1] =	stream.indirect.gather [hbm4b:s1+s6], $0x80, s3, s6, $0xb8;
	[tilespmem:$0x4080] =	vst v63  }
0x9c: {  	_ =	swait.ge [sflag:s7], $0x4000  }
0x9d: {  	[sflag:s7] =	ssyncset.done $0x0  }
0x9e: {  	[sflag:s7] =	ssyncadd.s32 $0xFFFFC000  }
0x9f: {  	[hbm4b:s16+s3] =	stream.linear.scatter [tilespmem:s6], [sflag:$0x2], $0x4000, $0x38;
	[tilespmem:$0x4080] =	vst v63  }
0xa0: {  	_ =	swait.ge [sflag:s4], $0x4000  }
0xa1: {  	[sflag:s4] =	ssyncset.done $0x0  }
0xa2: {  	[sflag:s4] =	ssyncadd.s32 $0xFFFFC000  }
0xa3: {  	[tilespmem:s3], [sflag:$0x2] =	stream.linear.gather [hbm4b:s17+s3], $0x80, $0x38;
	[tilespmem:$0x4080] =	vst v63  }
0xa4: {  	_ =	swait.ge [sflag:s4], $0x80  }
0xa5: {  	[sflag:s4] =	ssyncset.done $0x0  }
0xa6: {  	[sflag:s4] =	ssyncadd.s32 $0xFFFFFF80  }
0xa7: {  	[tilespmem:s6], [sflag:$0x1] =	stream.indirect.gather [hbm4b:s1+s6], $0x80, s3, s6, $0xb8;
	[tilespmem:$0x4080] =	vst v63  }
0xa8: {  	_ =	swait.ge [sflag:s7], $0x4000  }
0xa9: {  	[sflag:s7] =	ssyncset.done $0x0  }
0xaa: {  	[sflag:s7] =	ssyncadd.s32 $0xFFFFC000  }
0xab: {  	[hbm4b:s18+s3] =	stream.linear.scatter [tilespmem:s6], [sflag:$0x2], $0x4000, $0x38;
	[tilespmem:$0x4080] =	vst v63  }
0xac: {  	_ =	swait.ge [sflag:s4], $0x4000  }
0xad: {  	[sflag:s4] =	ssyncset.done $0x0  }
0xae: {  	[sflag:s4] =	ssyncadd.s32 $0xFFFFC000  }
0xaf: {  	[tilespmem:s3], [sflag:$0x2] =	stream.linear.gather [hbm4b:s19+s3], $0x80, $0x38;
	[tilespmem:$0x4080] =	vst v63  }
0xb0: {  	_ =	swait.ge [sflag:s4], $0x80  }
0xb1: {  	[sflag:s4] =	ssyncset.done $0x0  }
0xb2: {  	[sflag:s4] =	ssyncadd.s32 $0xFFFFFF80  }
0xb3: {  	[tilespmem:s6], [sflag:$0x1] =	stream.indirect.gather [hbm4b:s1+s6], $0x80, s3, s6, $0xb8;
	[tilespmem:$0x4080] =	vst v63  }
0xb4: {  	_ =	swait.ge [sflag:s7], $0x4000  }
0xb5: {  	[sflag:s7] =	ssyncset.done $0x0  }
0xb6: {  	[sflag:s7] =	ssyncadd.s32 $0xFFFFC000  }
0xb7: {  	[hbm4b:s20+s3] =	stream.linear.scatter [tilespmem:s6], [sflag:$0x2], $0x4000, $0x38;
	[tilespmem:$0x4080] =	vst v63  }
0xb8: {  	_ =	swait.ge [sflag:s4], $0x4000  }
0xb9: {  	[sflag:s4] =	ssyncset.done $0x0  }
0xba: {  	[sflag:s4] =	ssyncadd.s32 $0xFFFFC000  }
0xbb: {  	[tilespmem:s3], [sflag:$0x2] =	stream.linear.gather [hbm4b:s21+s3], $0x80, $0x38;
	[tilespmem:$0x4080] =	vst v63  }
0xbc: {  	_ =	swait.ge [sflag:s4], $0x80  }
0xbd: {  	[sflag:s4] =	ssyncset.done $0x0  }
0xbe: {  	[sflag:s4] =	ssyncadd.s32 $0xFFFFFF80  }
0xbf: {  	[tilespmem:s6], [sflag:$0x1] =	stream.indirect.gather [hbm4b:s1+s6], $0x80, s3, s6, $0xb8;
	[tilespmem:$0x4080] =	vst v63  }
0xc0: {  	_ =	swait.ge [sflag:s7], $0x4000  }
.Ltmp1:
0xc1: {  	[sflag:s7] =	ssyncset.done $0x0;
	(pc) =	sbr.rel @p0 .LBB2_1-.Ltmp1, $4  }
0xc2: {  	[sflag:s7] =	ssyncadd.s32 $0xFFFFC000  }
0xc3: {  	[hbm4b:s22+s3] =	stream.linear.scatter [tilespmem:s6], [sflag:$0x2], $0x4000, $0x38;
	[tilespmem:$0x4080] =	vst v63  }
0xc4: {  	_ =	swait.ge [sflag:s4], $0x4000  }
0xc5: {  	[sflag:s4] =	ssyncset.done $0x0  }
.LBB2_2:
0xc6: {  	[sflag:s4] =	ssyncadd.s32 $0xFFFFC000  }
0xc7: {  	_ =	sfence.sel $0x180000  }
0xc8: {  	[bflag:$0x0] =	sbarrier.arrive $0xFFFF  }
0xc9: {  	p0 =	sne.s32 s0, $0x0;
	_ =	strace $0x9000004A  }
0xca: {  	s0 =	sadd.s32 @!p0 $0x100000, s2;
	[bflag:$0x2] =	sbarrier.arrive $0xFFFF  }
0xcb: {  	[sflag:s0] =	ssyncadd.tile.s32 @!p0 $0x1;
	_ =	shalt  }
.Lfunc_end2:
_tile_overlayer_lowered:
.L_overlay_start_2:
0xcc: {  	(tag) =	ssettag $0x2  }
0xcd: {  	s0 =	rddreg [dreg:$0x0];
	s2 =	stileid.u32  }
0xce: {  	s1 =	rddreg [dreg:$0x1];
	p0 =	sne.s32 s2, $0x0  }
0xcf: {  	s3 =	rddreg [dreg:$0x2];
	[bflag:$0x3] =	sbarrier.arrive $0xFFFF;
	s2 =	simm.s32 @!p0 $0x1C02  }
0xd0: {  	[timem:s3], [sflag:s2] =	dma.local @!p0 [hbm:s0], s1  }
0xd1: {  	s0 =	simm.s32 @!p0 $0x2  }
0xd2: {  	_ =	swait.ge @!p0 [sflag:s0], s1  }
0xd3: {  	s1 =	ssub.s32 @!p0 $0x0, s1;
	[sflag:s0] =	ssyncset.done @!p0 $0x0  }
0xd4: {  	[sflag:s0] =	ssyncadd.s32 @!p0 s1  }
0xd5: {  	[bflag:$0x3] =	sbarrier.arrive $0xFFFF  }
0xd6: {  	_ =	shalt  }

</sc_bundles>
